<compile_context>
chip_gen: v7x
topology: tpu7x:2x2x1
jax: 0.10.2.dev20260603
libtpu: 0.0.44.dev20260713+nightly
codegen_flags: <defaults>
</compile_context>

<pallas_src>
import functools
import math

import jax
import jax.numpy as jnp
from jax import lax
from jax.experimental import pallas as pl
from jax.experimental.pallas import tpu as pltpu
from jax.experimental.pallas import tpu_sc as plsc

_RATIO = 0.1
_L = 16
_ABS = 0x7FFFFFFF


@functools.lru_cache(maxsize=None)
def _make_sc_kernel(b: int, n: int):
    info = plsc.get_sparse_core_info()
    nc, ns = info.num_cores, info.num_subcores
    nw = nc * ns
    assert b % nw == 0, (b, nw)
    rows_per_w = b // nw
    nv = n // _L
    rank = int(math.ceil((1.0 - _RATIO) * (n - 1)))
    B1, B2, B3 = 2048, 1024, 1024
    CAP = 16384
    _K = 4
    _CH = n // _K
    _CHV = _CH // _L

    mesh = plsc.VectorSubcoreMesh(core_axis_name="c", subcore_axis_name="s")

    def body(x_hbm, out_hbm, row_v, cbuf, hist, thr_smem, sem_in, sem_out):
        cid = lax.axis_index("c")
        sid = lax.axis_index("s")
        wid = sid * nc + cid

        ones_i = jnp.ones((_L,), jnp.int32)
        zeros_i = jnp.zeros((_L,), jnp.int32)
        zeros_f = jnp.zeros((_L,), jnp.float32)
        iota16 = lax.iota(jnp.int32, _L)

        def zero_hist(nbins):
            @plsc.parallel_loop(0, nbins // _L, unroll=8)
            def zbody(i):
                hist[pl.ds(i * _L, _L)] = zeros_i

        def find(nbins, target):
            @plsc.parallel_loop(0, nbins // _L, unroll=4,
                                carry=(jnp.int32(0), zeros_i, zeros_i, zeros_i))
            def fbody(i, carry):
                tot, acc_le, acc_cb, acc_ci = carry
                hv = hist[pl.ds(i * _L, _L)]
                cs = plsc.cumsum(hv) + tot
                le = cs <= target
                le_x = (cs - hv) <= target
                acc_le = acc_le + jnp.where(le, ones_i, zeros_i)
                acc_cb = acc_cb + jnp.where(le, hv, zeros_i)
                acc_ci = acc_ci + jnp.where(le_x, hv, zeros_i)
                return tot + jnp.sum(hv), acc_le, acc_cb, acc_ci
            _, acc_le, acc_cb, acc_ci = fbody
            cbelow = jnp.sum(acc_cb)
            return jnp.sum(acc_le), cbelow, jnp.sum(acc_ci) - cbelow

        def row_body(r, c):
            row = wid * rows_per_w + r

            prev = pltpu.async_copy(
                x_hbm.at[row, pl.ds(0, _CH)], row_v.at[pl.ds(0, _CH)], sem_in)
            zero_hist(B1)
            for ci in range(_K):
                nxt = None
                if ci + 1 < _K:
                    nxt = pltpu.async_copy(
                        x_hbm.at[row, pl.ds((ci + 1) * _CH, _CH)],
                        row_v.at[pl.ds((ci + 1) * _CH, _CH)], sem_in)
                prev.wait()
                prev = nxt

                @plsc.parallel_loop(ci * _CHV, (ci + 1) * _CHV, unroll=8)
                def s1(i):
                    v = row_v[pl.ds(i * _L, _L)]
                    key = lax.bitcast_convert_type(v, jnp.int32) & _ABS
                    plsc.addupdate_scatter(hist, [key >> 20], ones_i)
            k1, c1, cnt1 = find(B1, rank)
            r1 = rank - c1

            @pl.when(cnt1 <= CAP)
            def fast_path():
                @plsc.parallel_loop(0, nv, unroll=8, carry=jnp.int32(0))
                def s2(i, off):
                    v = row_v[pl.ds(i * _L, _L)]
                    key = lax.bitcast_convert_type(v, jnp.int32) & _ABS
                    m = (key >> 20) == k1
                    plsc.store_compressed(cbuf.at[pl.ds(off, _L)], v, mask=m)
                    return off + jnp.sum(jnp.where(m, ones_i, zeros_i))
                cnt = s2
                nvc = (cnt + _L - 1) // _L

                zero_hist(B2)

                @plsc.parallel_loop(0, nvc, unroll=2)
                def h2(i):
                    cv = cbuf[pl.ds(i * _L, _L)]
                    ck = lax.bitcast_convert_type(cv, jnp.int32) & _ABS
                    valid = (i * _L + iota16) < cnt
                    plsc.addupdate_scatter(
                        hist, [(ck >> 10) & (B2 - 1)], ones_i, mask=valid)
                k2, c2, _ = find(B2, r1)
                r2 = r1 - c2

                zero_hist(B3)

                @plsc.parallel_loop(0, nvc, unroll=2)
                def h3(i):
                    cv = cbuf[pl.ds(i * _L, _L)]
                    ck = lax.bitcast_convert_type(cv, jnp.int32) & _ABS
                    valid = (i * _L + iota16) < cnt
                    m = valid & (((ck >> 10) & (B2 - 1)) == k2)
                    plsc.addupdate_scatter(hist, [ck & (B3 - 1)], ones_i, mask=m)
                k3, _c3, _ = find(B3, r2)
                thr_smem[0] = (k1 << 20) | (k2 << 10) | k3

            @pl.when(cnt1 > CAP)
            def slow_path():
                zero_hist(B2)

                @plsc.parallel_loop(0, nv, unroll=8)
                def s2f(i):
                    v = row_v[pl.ds(i * _L, _L)]
                    key = lax.bitcast_convert_type(v, jnp.int32) & _ABS
                    m = (key >> 20) == k1
                    plsc.addupdate_scatter(
                        hist, [(key >> 10) & (B2 - 1)], ones_i, mask=m)
                k2, c2, _ = find(B2, r1)
                r2 = r1 - c2
                pref2 = (k1 << 10) | k2
                zero_hist(B3)

                @plsc.parallel_loop(0, nv, unroll=8)
                def s3f(i):
                    v = row_v[pl.ds(i * _L, _L)]
                    key = lax.bitcast_convert_type(v, jnp.int32) & _ABS
                    m = (key >> 10) == pref2
                    plsc.addupdate_scatter(
                        hist, [key & (B3 - 1)], ones_i, mask=m)
                k3, _c3, _ = find(B3, r2)
                thr_smem[0] = (pref2 << 10) | k3

            thr = thr_smem[0]

            outs = []
            for ci in range(_K):
                @plsc.parallel_loop(ci * _CHV, (ci + 1) * _CHV, unroll=8)
                def s4(i):
                    sl = pl.ds(i * _L, _L)
                    v = row_v[sl]
                    key = lax.bitcast_convert_type(v, jnp.int32) & _ABS
                    row_v[sl] = jnp.where(key >= thr, v, zeros_f)
                outs.append(pltpu.async_copy(
                    row_v.at[pl.ds(ci * _CH, _CH)],
                    out_hbm.at[row, pl.ds(ci * _CH, _CH)], sem_out))
            for h in outs:
                h.wait()
            return c

        lax.fori_loop(0, rows_per_w, row_body, 0)

    return pl.kernel(
        body,
        out_type=jax.ShapeDtypeStruct((b, n), jnp.float32),
        mesh=mesh,
        compiler_params=pltpu.CompilerParams(needs_layout_passes=False),
        scratch_types=[
            pltpu.VMEM((n,), jnp.float32),
            pltpu.VMEM((CAP + _L,), jnp.float32),
            pltpu.VMEM((B1,), jnp.int32),
            pltpu.SMEM((1,), jnp.int32),
            pltpu.SemaphoreType.DMA,
            pltpu.SemaphoreType.DMA,
        ],
    )


@jax.jit
def kernel(x):
    b, c, h, w = x.shape
    n = c * h * w
    f = _make_sc_kernel(b, n)
    return f(x.reshape(b, n)).reshape(b, c, h, w)

# --- scband reference (transcript-rebuilt; emitter-appended) ---
"""Pipeline reference for scband-modified-res-net18-25589415149720 (READ-ONLY COPY).

The authoritative reference and input builder live on the scoring server;
editing this copy changes nothing except your own understanding.
"""

import jax, jax.numpy as jnp
import numpy as np

COMPRESSION_RATIO = 0.1

def setup_inputs(seed: int = 0) -> dict:
    key = jax.random.key(seed)
    x = jax.random.normal(key, (256, 64, 32, 32), dtype=jnp.float32)
    return {"x": x}

def reference(x):
    # FeatureCompressor.compress_features followed by decompress_features.
    # The octree serialization is lossless for the retained points, so the
    # roundtrip equals: per-sample quantile threshold on |x|, keep values
    # with |x| >= threshold, scatter them back into a zero tensor.
    b, c, h, w = x.shape
    flat = x.reshape(b, -1)
    n = flat.shape[1]
    # thresholds = torch.quantile(x.abs().reshape(B,-1), 1 - ratio, dim=1)
    thr = jnp.quantile(jnp.abs(flat), 1.0 - COMPRESSION_RATIO, axis=1, keepdims=True)
    mask = jnp.abs(flat) >= thr
    # values gathered at kept coordinates (zeros elsewhere, matching the
    # zero-initialized reconstruction buffer in _reconstruct_features)
    vals = jnp.where(mask, flat, jnp.zeros_like(flat))
    # scatter-overwrite into zero-initialized memory (features[coords] = values)
    idx = jnp.broadcast_to(jnp.arange(n, dtype=jnp.int32), flat.shape)
    out = jnp.zeros_like(flat)
    out = jax.vmap(lambda o, i, v: o.at[i].set(v))(out, idx, vals)
    return out.reshape(b, c, h, w)

if __name__ == "__main__":
    import jax
    _d = setup_inputs()
    print(jax.jit(kernel)(*tuple(_d.values())))

</pallas_src>

<mosaic_0001>
#map = affine_map<(d0, d1) -> (0, 0)>
module attributes {stable_mosaic.version = 14 : i64} {
  func.func @body(%arg0: i32, %arg1: i32, %arg2: memref<256x65536xf32, #tpu.memory_space<hbm>>, %arg3: memref<256x65536xf32, #tpu.memory_space<hbm>>, %arg4: memref<65536xf32, #tpu.memory_space<vmem>>, %arg5: memref<16400xf32, #tpu.memory_space<vmem>>, %arg6: memref<2048xi32, #tpu.memory_space<vmem>>, %arg7: memref<1xi32, #tpu.memory_space<smem>>, %arg8: memref<!tpu.dma_semaphore, #tpu.memory_space<semaphore_mem>>, %arg9: memref<!tpu.dma_semaphore, #tpu.memory_space<semaphore_mem>>) attributes {dimension_semantics = [#tpu.dimension_semantics<core_parallel>, #tpu.dimension_semantics<subcore_parallel>], iteration_bounds = array<i64: 2, 16>, scalar_prefetch = 0 : i64, scratch_operands = 6 : i64, tpu.core_type = #tpu.core_type<sc_vector_subcore>, window_params = [{transform_indices = #map}, {transform_indices = #map}]} {
    %mul3A = arith.constant 2 : i32
    %mul3A_0 = arith.muli %arg1, %mul3A : i32
    %add3A = arith.addi %mul3A_0, %arg0 : i32
    %broadcast_in_dim3A = arith.constant 1 : i32
    %broadcast_in_dim3A_1 = vector.broadcast %broadcast_in_dim3A : i32 to vector<16xi32>
    %broadcast_in_dim3A_2 = arith.constant 0 : i32
    %broadcast_in_dim3A_3 = vector.broadcast %broadcast_in_dim3A_2 : i32 to vector<16xi32>
    %broadcast_in_dim3A_4 = arith.constant 0.000000e+00 : f32
    %broadcast_in_dim3A_5 = vector.broadcast %broadcast_in_dim3A_4 : f32 to vector<16xf32>
    %iota3A = tpu.iota {dimensions = array<i32: 0>} : vector<16xi32>
    %scan3A = arith.constant 0 : i32
    %scan3A_6 = arith.constant 0 : i32
    %scan3A_7 = arith.constant 8 : i32
    %scan3A_8 = arith.addi %scan3A_6, %scan3A_7 : i32
    %scan3A_9 = arith.constant 1 : i32
    scf.for %scan3A_11 = %scan3A_6 to %scan3A_8 step %scan3A_9  : i32 {
      %mul3A_12 = arith.constant 8 : i32
      %mul3A_13 = arith.muli %add3A, %mul3A_12 : i32
      %add3A_14 = arith.addi %mul3A_13, %scan3A_11 : i32
      %dma_start3A = arith.constant 0 : i32
      %dma_start3A_15 = tpu.memref_slice %arg4[%dma_start3A] : memref<65536xf32, #tpu.memory_space<vmem>> -> memref<16384xf32, #tpu.memory_space<vmem>>
      %dma_start3A_16 = arith.constant 0 : i32
      %dma_start3A_17 = tpu.memref_slice %arg2[%add3A_14, %dma_start3A_16] : memref<256x65536xf32, #tpu.memory_space<hbm>> -> memref<1x16384xf32, #tpu.memory_space<hbm>>
      %dma_start3A_18 = tpu.memref_squeeze %dma_start3A_17 : memref<1x16384xf32, #tpu.memory_space<hbm>> -> memref<16384xf32, #tpu.memory_space<hbm>>
      %dma_start3A_19 = arith.constant 0 : i32
      %dma_start3A_20 = tpu.memref_slice %arg4[%dma_start3A_19] : memref<65536xf32, #tpu.memory_space<vmem>> -> memref<16384xf32, #tpu.memory_space<vmem>>
      %dma_start3A_21 = arith.constant 0 : i32
      %dma_start3A_22 = tpu.memref_slice %arg2[%add3A_14, %dma_start3A_21] : memref<256x65536xf32, #tpu.memory_space<hbm>> -> memref<1x16384xf32, #tpu.memory_space<hbm>>
      %dma_start3A_23 = tpu.memref_squeeze %dma_start3A_22 : memref<1x16384xf32, #tpu.memory_space<hbm>> -> memref<16384xf32, #tpu.memory_space<hbm>>
      tpu.enqueue_dma source(%dma_start3A_23 : memref<16384xf32, #tpu.memory_space<hbm>>) target(%dma_start3A_20 : memref<16384xf32, #tpu.memory_space<vmem>>) target_semaphore(%arg8 : memref<!tpu.dma_semaphore, #tpu.memory_space<semaphore_mem>>)
      %parallel_loop3A = arith.constant 0 : i32
      %parallel_loop3A_24 = arith.constant 128 : i32
      %parallel_loop3A_25 = arith.constant 1 : i32
      scf.for %parallel_loop3A_225 = %parallel_loop3A to %parallel_loop3A_24 step %parallel_loop3A_25  : i32 {
        %parallel_loop3A_226 = arith.constant 16 : i32
        %parallel_loop3A_227 = arith.muli %parallel_loop3A_225, %parallel_loop3A_226 : i32
        %parallel_loop3A_228 = arith.index_cast %parallel_loop3A_227 : i32 to index
        %parallel_loop3A_229 = tpu.vector_load %arg6[%parallel_loop3A_228] {strides = array<i32>} : memref<2048xi32, #tpu.memory_space<vmem>>, vector<16xi32>,
        tpu.vector_store %arg6[%parallel_loop3A_228], %broadcast_in_dim3A_3 {strides = array<i32>} : memref<2048xi32, #tpu.memory_space<vmem>>, vector<16xi32>,
      } {sc.loop_unroll_factor = 8 : i64, sc.parallel_access}
      %dma_start3A_26 = arith.constant 16384 : i32
      %dma_start3A_27 = tpu.memref_slice %arg4[%dma_start3A_26] : memref<65536xf32, #tpu.memory_space<vmem>> -> memref<16384xf32, #tpu.memory_space<vmem>>
      %dma_start3A_28 = arith.constant 16384 : i32
      %dma_start3A_29 = tpu.memref_slice %arg2[%add3A_14, %dma_start3A_28] : memref<256x65536xf32, #tpu.memory_space<hbm>> -> memref<1x16384xf32, #tpu.memory_space<hbm>>
      %dma_start3A_30 = tpu.memref_squeeze %dma_start3A_29 : memref<1x16384xf32, #tpu.memory_space<hbm>> -> memref<16384xf32, #tpu.memory_space<hbm>>
      %dma_start3A_31 = arith.constant 16384 : i32
      %dma_start3A_32 = tpu.memref_slice %arg4[%dma_start3A_31] : memref<65536xf32, #tpu.memory_space<vmem>> -> memref<16384xf32, #tpu.memory_space<vmem>>
      %dma_start3A_33 = arith.constant 16384 : i32
      %dma_start3A_34 = tpu.memref_slice %arg2[%add3A_14, %dma_start3A_33] : memref<256x65536xf32, #tpu.memory_space<hbm>> -> memref<1x16384xf32, #tpu.memory_space<hbm>>
      %dma_start3A_35 = tpu.memref_squeeze %dma_start3A_34 : memref<1x16384xf32, #tpu.memory_space<hbm>> -> memref<16384xf32, #tpu.memory_space<hbm>>
      tpu.enqueue_dma source(%dma_start3A_35 : memref<16384xf32, #tpu.memory_space<hbm>>) target(%dma_start3A_32 : memref<16384xf32, #tpu.memory_space<vmem>>) target_semaphore(%arg8 : memref<!tpu.dma_semaphore, #tpu.memory_space<semaphore_mem>>)
      %dma_wait3A = arith.constant 0 : i32
      %dma_wait3A_36 = tpu.memref_slice %arg4[%dma_wait3A] : memref<65536xf32, #tpu.memory_space<vmem>> -> memref<16384xf32, #tpu.memory_space<vmem>>
      %dma_wait3A_37 = arith.constant 0 : i32
      %dma_wait3A_38 = tpu.memref_slice %arg2[%add3A_14, %dma_wait3A_37] : memref<256x65536xf32, #tpu.memory_space<hbm>> -> memref<1x16384xf32, #tpu.memory_space<hbm>>
      %dma_wait3A_39 = tpu.memref_squeeze %dma_wait3A_38 : memref<1x16384xf32, #tpu.memory_space<hbm>> -> memref<16384xf32, #tpu.memory_space<hbm>>
      %dma_wait3A_40 = arith.constant 0 : i32
      %dma_wait3A_41 = tpu.memref_slice %arg4[%dma_wait3A_40] : memref<65536xf32, #tpu.memory_space<vmem>> -> memref<16384xf32, #tpu.memory_space<vmem>>
      %dma_wait3A_42 = arith.constant 0 : i32
      %dma_wait3A_43 = tpu.memref_slice %arg2[%add3A_14, %dma_wait3A_42] : memref<256x65536xf32, #tpu.memory_space<hbm>> -> memref<1x16384xf32, #tpu.memory_space<hbm>>
      %dma_wait3A_44 = tpu.memref_squeeze %dma_wait3A_43 : memref<1x16384xf32, #tpu.memory_space<hbm>> -> memref<16384xf32, #tpu.memory_space<hbm>>
      tpu.wait_dma2 semaphore(%arg8 : memref<!tpu.dma_semaphore, #tpu.memory_space<semaphore_mem>>) src(%dma_wait3A_44 : memref<16384xf32, #tpu.memory_space<hbm>>) dst(%dma_wait3A_41 : memref<16384xf32, #tpu.memory_space<vmem>>)
      %parallel_loop3A_45 = arith.constant 0 : i32
      %parallel_loop3A_46 = arith.constant 1024 : i32
      %parallel_loop3A_47 = arith.constant 1 : i32
      scf.for %parallel_loop3A_225 = %parallel_loop3A_45 to %parallel_loop3A_46 step %parallel_loop3A_47  : i32 {
        %parallel_loop3A_226 = arith.constant 16 : i32
        %parallel_loop3A_227 = arith.muli %parallel_loop3A_225, %parallel_loop3A_226 : i32
        %parallel_loop3A_228 = arith.index_cast %parallel_loop3A_227 : i32 to index
        %parallel_loop3A_229 = tpu.vector_load %arg4[%parallel_loop3A_228] {strides = array<i32>} : memref<65536xf32, #tpu.memory_space<vmem>>, vector<16xf32>,
        %parallel_loop3A_230 = tpu.bitcast %parallel_loop3A_229 : vector<16xf32> -> vector<16xi32>
        %parallel_loop3A_231 = arith.constant 2147483647 : i32
        %parallel_loop3A_232 = vector.broadcast %parallel_loop3A_231 : i32 to vector<16xi32>
        %parallel_loop3A_233 = arith.andi %parallel_loop3A_230, %parallel_loop3A_232 : vector<16xi32>
        %parallel_loop3A_234 = arith.constant 20 : i32
        %parallel_loop3A_235 = vector.broadcast %parallel_loop3A_234 : i32 to vector<16xi32>
        %parallel_loop3A_236 = arith.shrsi %parallel_loop3A_233, %parallel_loop3A_235 : vector<16xi32>
        tpu.vector_store_idx %arg6[%parallel_loop3A_236], %broadcast_in_dim3A_1 {add = true} : memref<2048xi32, #tpu.memory_space<vmem>>[vector<16xi32>], vector<16xi32>,
      } {sc.loop_unroll_factor = 8 : i64, sc.parallel_access}
      %dma_start3A_48 = arith.constant 32768 : i32
      %dma_start3A_49 = tpu.memref_slice %arg4[%dma_start3A_48] : memref<65536xf32, #tpu.memory_space<vmem>> -> memref<16384xf32, #tpu.memory_space<vmem>>
      %dma_start3A_50 = arith.constant 32768 : i32
      %dma_start3A_51 = tpu.memref_slice %arg2[%add3A_14, %dma_start3A_50] : memref<256x65536xf32, #tpu.memory_space<hbm>> -> memref<1x16384xf32, #tpu.memory_space<hbm>>
      %dma_start3A_52 = tpu.memref_squeeze %dma_start3A_51 : memref<1x16384xf32, #tpu.memory_space<hbm>> -> memref<16384xf32, #tpu.memory_space<hbm>>
      %dma_start3A_53 = arith.constant 32768 : i32
      %dma_start3A_54 = tpu.memref_slice %arg4[%dma_start3A_53] : memref<65536xf32, #tpu.memory_space<vmem>> -> memref<16384xf32, #tpu.memory_space<vmem>>
      %dma_start3A_55 = arith.constant 32768 : i32
      %dma_start3A_56 = tpu.memref_slice %arg2[%add3A_14, %dma_start3A_55] : memref<256x65536xf32, #tpu.memory_space<hbm>> -> memref<1x16384xf32, #tpu.memory_space<hbm>>
      %dma_start3A_57 = tpu.memref_squeeze %dma_start3A_56 : memref<1x16384xf32, #tpu.memory_space<hbm>> -> memref<16384xf32, #tpu.memory_space<hbm>>
      tpu.enqueue_dma source(%dma_start3A_57 : memref<16384xf32, #tpu.memory_space<hbm>>) target(%dma_start3A_54 : memref<16384xf32, #tpu.memory_space<vmem>>) target_semaphore(%arg8 : memref<!tpu.dma_semaphore, #tpu.memory_space<semaphore_mem>>)
      %dma_wait3A_58 = arith.constant 16384 : i32
      %dma_wait3A_59 = tpu.memref_slice %arg4[%dma_wait3A_58] : memref<65536xf32, #tpu.memory_space<vmem>> -> memref<16384xf32, #tpu.memory_space<vmem>>
      %dma_wait3A_60 = arith.constant 16384 : i32
      %dma_wait3A_61 = tpu.memref_slice %arg2[%add3A_14, %dma_wait3A_60] : memref<256x65536xf32, #tpu.memory_space<hbm>> -> memref<1x16384xf32, #tpu.memory_space<hbm>>
      %dma_wait3A_62 = tpu.memref_squeeze %dma_wait3A_61 : memref<1x16384xf32, #tpu.memory_space<hbm>> -> memref<16384xf32, #tpu.memory_space<hbm>>
      %dma_wait3A_63 = arith.constant 16384 : i32
      %dma_wait3A_64 = tpu.memref_slice %arg4[%dma_wait3A_63] : memref<65536xf32, #tpu.memory_space<vmem>> -> memref<16384xf32, #tpu.memory_space<vmem>>
      %dma_wait3A_65 = arith.constant 16384 : i32
      %dma_wait3A_66 = tpu.memref_slice %arg2[%add3A_14, %dma_wait3A_65] : memref<256x65536xf32, #tpu.memory_space<hbm>> -> memref<1x16384xf32, #tpu.memory_space<hbm>>
      %dma_wait3A_67 = tpu.memref_squeeze %dma_wait3A_66 : memref<1x16384xf32, #tpu.memory_space<hbm>> -> memref<16384xf32, #tpu.memory_space<hbm>>
      tpu.wait_dma2 semaphore(%arg8 : memref<!tpu.dma_semaphore, #tpu.memory_space<semaphore_mem>>) src(%dma_wait3A_67 : memref<16384xf32, #tpu.memory_space<hbm>>) dst(%dma_wait3A_64 : memref<16384xf32, #tpu.memory_space<vmem>>)
      %parallel_loop3A_68 = arith.constant 1024 : i32
      %parallel_loop3A_69 = arith.constant 2048 : i32
      %parallel_loop3A_70 = arith.constant 1 : i32
      scf.for %parallel_loop3A_225 = %parallel_loop3A_68 to %parallel_loop3A_69 step %parallel_loop3A_70  : i32 {
        %parallel_loop3A_226 = arith.constant 16 : i32
        %parallel_loop3A_227 = arith.muli %parallel_loop3A_225, %parallel_loop3A_226 : i32
        %parallel_loop3A_228 = arith.index_cast %parallel_loop3A_227 : i32 to index
        %parallel_loop3A_229 = tpu.vector_load %arg4[%parallel_loop3A_228] {strides = array<i32>} : memref<65536xf32, #tpu.memory_space<vmem>>, vector<16xf32>,
        %parallel_loop3A_230 = tpu.bitcast %parallel_loop3A_229 : vector<16xf32> -> vector<16xi32>
        %parallel_loop3A_231 = arith.constant 2147483647 : i32
        %parallel_loop3A_232 = vector.broadcast %parallel_loop3A_231 : i32 to vector<16xi32>
        %parallel_loop3A_233 = arith.andi %parallel_loop3A_230, %parallel_loop3A_232 : vector<16xi32>
        %parallel_loop3A_234 = arith.constant 20 : i32
        %parallel_loop3A_235 = vector.broadcast %parallel_loop3A_234 : i32 to vector<16xi32>
        %parallel_loop3A_236 = arith.shrsi %parallel_loop3A_233, %parallel_loop3A_235 : vector<16xi32>
        tpu.vector_store_idx %arg6[%parallel_loop3A_236], %broadcast_in_dim3A_1 {add = true} : memref<2048xi32, #tpu.memory_space<vmem>>[vector<16xi32>], vector<16xi32>,
      } {sc.loop_unroll_factor = 8 : i64, sc.parallel_access}
      %dma_start3A_71 = arith.constant 49152 : i32
      %dma_start3A_72 = tpu.memref_slice %arg4[%dma_start3A_71] : memref<65536xf32, #tpu.memory_space<vmem>> -> memref<16384xf32, #tpu.memory_space<vmem>>
      %dma_start3A_73 = arith.constant 49152 : i32
      %dma_start3A_74 = tpu.memref_slice %arg2[%add3A_14, %dma_start3A_73] : memref<256x65536xf32, #tpu.memory_space<hbm>> -> memref<1x16384xf32, #tpu.memory_space<hbm>>
      %dma_start3A_75 = tpu.memref_squeeze %dma_start3A_74 : memref<1x16384xf32, #tpu.memory_space<hbm>> -> memref<16384xf32, #tpu.memory_space<hbm>>
      %dma_start3A_76 = arith.constant 49152 : i32
      %dma_start3A_77 = tpu.memref_slice %arg4[%dma_start3A_76] : memref<65536xf32, #tpu.memory_space<vmem>> -> memref<16384xf32, #tpu.memory_space<vmem>>
      %dma_start3A_78 = arith.constant 49152 : i32
      %dma_start3A_79 = tpu.memref_slice %arg2[%add3A_14, %dma_start3A_78] : memref<256x65536xf32, #tpu.memory_space<hbm>> -> memref<1x16384xf32, #tpu.memory_space<hbm>>
      %dma_start3A_80 = tpu.memref_squeeze %dma_start3A_79 : memref<1x16384xf32, #tpu.memory_space<hbm>> -> memref<16384xf32, #tpu.memory_space<hbm>>
      tpu.enqueue_dma source(%dma_start3A_80 : memref<16384xf32, #tpu.memory_space<hbm>>) target(%dma_start3A_77 : memref<16384xf32, #tpu.memory_space<vmem>>) target_semaphore(%arg8 : memref<!tpu.dma_semaphore, #tpu.memory_space<semaphore_mem>>)
      %dma_wait3A_81 = arith.constant 32768 : i32
      %dma_wait3A_82 = tpu.memref_slice %arg4[%dma_wait3A_81] : memref<65536xf32, #tpu.memory_space<vmem>> -> memref<16384xf32, #tpu.memory_space<vmem>>
      %dma_wait3A_83 = arith.constant 32768 : i32
      %dma_wait3A_84 = tpu.memref_slice %arg2[%add3A_14, %dma_wait3A_83] : memref<256x65536xf32, #tpu.memory_space<hbm>> -> memref<1x16384xf32, #tpu.memory_space<hbm>>
      %dma_wait3A_85 = tpu.memref_squeeze %dma_wait3A_84 : memref<1x16384xf32, #tpu.memory_space<hbm>> -> memref<16384xf32, #tpu.memory_space<hbm>>
      %dma_wait3A_86 = arith.constant 32768 : i32
      %dma_wait3A_87 = tpu.memref_slice %arg4[%dma_wait3A_86] : memref<65536xf32, #tpu.memory_space<vmem>> -> memref<16384xf32, #tpu.memory_space<vmem>>
      %dma_wait3A_88 = arith.constant 32768 : i32
      %dma_wait3A_89 = tpu.memref_slice %arg2[%add3A_14, %dma_wait3A_88] : memref<256x65536xf32, #tpu.memory_space<hbm>> -> memref<1x16384xf32, #tpu.memory_space<hbm>>
      %dma_wait3A_90 = tpu.memref_squeeze %dma_wait3A_89 : memref<1x16384xf32, #tpu.memory_space<hbm>> -> memref<16384xf32, #tpu.memory_space<hbm>>
      tpu.wait_dma2 semaphore(%arg8 : memref<!tpu.dma_semaphore, #tpu.memory_space<semaphore_mem>>) src(%dma_wait3A_90 : memref<16384xf32, #tpu.memory_space<hbm>>) dst(%dma_wait3A_87 : memref<16384xf32, #tpu.memory_space<vmem>>)
      %parallel_loop3A_91 = arith.constant 2048 : i32
      %parallel_loop3A_92 = arith.constant 3072 : i32
      %parallel_loop3A_93 = arith.constant 1 : i32
      scf.for %parallel_loop3A_225 = %parallel_loop3A_91 to %parallel_loop3A_92 step %parallel_loop3A_93  : i32 {
        %parallel_loop3A_226 = arith.constant 16 : i32
        %parallel_loop3A_227 = arith.muli %parallel_loop3A_225, %parallel_loop3A_226 : i32
        %parallel_loop3A_228 = arith.index_cast %parallel_loop3A_227 : i32 to index
        %parallel_loop3A_229 = tpu.vector_load %arg4[%parallel_loop3A_228] {strides = array<i32>} : memref<65536xf32, #tpu.memory_space<vmem>>, vector<16xf32>,
        %parallel_loop3A_230 = tpu.bitcast %parallel_loop3A_229 : vector<16xf32> -> vector<16xi32>
        %parallel_loop3A_231 = arith.constant 2147483647 : i32
        %parallel_loop3A_232 = vector.broadcast %parallel_loop3A_231 : i32 to vector<16xi32>
        %parallel_loop3A_233 = arith.andi %parallel_loop3A_230, %parallel_loop3A_232 : vector<16xi32>
        %parallel_loop3A_234 = arith.constant 20 : i32
        %parallel_loop3A_235 = vector.broadcast %parallel_loop3A_234 : i32 to vector<16xi32>
        %parallel_loop3A_236 = arith.shrsi %parallel_loop3A_233, %parallel_loop3A_235 : vector<16xi32>
        tpu.vector_store_idx %arg6[%parallel_loop3A_236], %broadcast_in_dim3A_1 {add = true} : memref<2048xi32, #tpu.memory_space<vmem>>[vector<16xi32>], vector<16xi32>,
      } {sc.loop_unroll_factor = 8 : i64, sc.parallel_access}
      %dma_wait3A_94 = arith.constant 49152 : i32
      %dma_wait3A_95 = tpu.memref_slice %arg4[%dma_wait3A_94] : memref<65536xf32, #tpu.memory_space<vmem>> -> memref<16384xf32, #tpu.memory_space<vmem>>
      %dma_wait3A_96 = arith.constant 49152 : i32
      %dma_wait3A_97 = tpu.memref_slice %arg2[%add3A_14, %dma_wait3A_96] : memref<256x65536xf32, #tpu.memory_space<hbm>> -> memref<1x16384xf32, #tpu.memory_space<hbm>>
      %dma_wait3A_98 = tpu.memref_squeeze %dma_wait3A_97 : memref<1x16384xf32, #tpu.memory_space<hbm>> -> memref<16384xf32, #tpu.memory_space<hbm>>
      %dma_wait3A_99 = arith.constant 49152 : i32
      %dma_wait3A_100 = tpu.memref_slice %arg4[%dma_wait3A_99] : memref<65536xf32, #tpu.memory_space<vmem>> -> memref<16384xf32, #tpu.memory_space<vmem>>
      %dma_wait3A_101 = arith.constant 49152 : i32
      %dma_wait3A_102 = tpu.memref_slice %arg2[%add3A_14, %dma_wait3A_101] : memref<256x65536xf32, #tpu.memory_space<hbm>> -> memref<1x16384xf32, #tpu.memory_space<hbm>>
      %dma_wait3A_103 = tpu.memref_squeeze %dma_wait3A_102 : memref<1x16384xf32, #tpu.memory_space<hbm>> -> memref<16384xf32, #tpu.memory_space<hbm>>
      tpu.wait_dma2 semaphore(%arg8 : memref<!tpu.dma_semaphore, #tpu.memory_space<semaphore_mem>>) src(%dma_wait3A_103 : memref<16384xf32, #tpu.memory_space<hbm>>) dst(%dma_wait3A_100 : memref<16384xf32, #tpu.memory_space<vmem>>)
      %parallel_loop3A_104 = arith.constant 3072 : i32
      %parallel_loop3A_105 = arith.constant 4096 : i32
      %parallel_loop3A_106 = arith.constant 1 : i32
      scf.for %parallel_loop3A_225 = %parallel_loop3A_104 to %parallel_loop3A_105 step %parallel_loop3A_106  : i32 {
        %parallel_loop3A_226 = arith.constant 16 : i32
        %parallel_loop3A_227 = arith.muli %parallel_loop3A_225, %parallel_loop3A_226 : i32
        %parallel_loop3A_228 = arith.index_cast %parallel_loop3A_227 : i32 to index
        %parallel_loop3A_229 = tpu.vector_load %arg4[%parallel_loop3A_228] {strides = array<i32>} : memref<65536xf32, #tpu.memory_space<vmem>>, vector<16xf32>,
        %parallel_loop3A_230 = tpu.bitcast %parallel_loop3A_229 : vector<16xf32> -> vector<16xi32>
        %parallel_loop3A_231 = arith.constant 2147483647 : i32
        %parallel_loop3A_232 = vector.broadcast %parallel_loop3A_231 : i32 to vector<16xi32>
        %parallel_loop3A_233 = arith.andi %parallel_loop3A_230, %parallel_loop3A_232 : vector<16xi32>
        %parallel_loop3A_234 = arith.constant 20 : i32
        %parallel_loop3A_235 = vector.broadcast %parallel_loop3A_234 : i32 to vector<16xi32>
        %parallel_loop3A_236 = arith.shrsi %parallel_loop3A_233, %parallel_loop3A_235 : vector<16xi32>
        tpu.vector_store_idx %arg6[%parallel_loop3A_236], %broadcast_in_dim3A_1 {add = true} : memref<2048xi32, #tpu.memory_space<vmem>>[vector<16xi32>], vector<16xi32>,
      } {sc.loop_unroll_factor = 8 : i64, sc.parallel_access}
      %parallel_loop3A_107 = arith.constant 0 : i32
      %parallel_loop3A_108 = arith.constant 128 : i32
      %parallel_loop3A_109 = arith.constant 1 : i32
      %parallel_loop3A_110 = arith.constant 0 : i32
      %parallel_loop3A_111:4 = scf.for %parallel_loop3A_225 = %parallel_loop3A_107 to %parallel_loop3A_108 step %parallel_loop3A_109 iter_args(%parallel_loop3A_226 = %parallel_loop3A_110, %parallel_loop3A_227 = %broadcast_in_dim3A_3, %parallel_loop3A_228 = %broadcast_in_dim3A_3, %parallel_loop3A_229 = %broadcast_in_dim3A_3) -> (i32, vector<16xi32>, vector<16xi32>, vector<16xi32>)  : i32 {
        %parallel_loop3A_230 = arith.constant 16 : i32
        %parallel_loop3A_231 = arith.muli %parallel_loop3A_225, %parallel_loop3A_230 : i32
        %parallel_loop3A_232 = arith.index_cast %parallel_loop3A_231 : i32 to index
        %parallel_loop3A_233 = tpu.vector_load %arg6[%parallel_loop3A_232] {strides = array<i32>} : memref<2048xi32, #tpu.memory_space<vmem>>, vector<16xi32>,
        %parallel_loop3A_234 = arith.constant true
        %parallel_loop3A_235 = vector.broadcast %parallel_loop3A_234 : i1 to vector<16xi1>
        %parallel_loop3A_236 = tpu.scan <sum>, %parallel_loop3A_233 masked %parallel_loop3A_235 : vector<16xi32>, vector<16xi1> -> vector<16xi32>
        %parallel_loop3A_237 = vector.broadcast %parallel_loop3A_226 : i32 to vector<16xi32>
        %parallel_loop3A_238 = arith.addi %parallel_loop3A_236, %parallel_loop3A_237 : vector<16xi32>
        %parallel_loop3A_239 = arith.constant 58982 : i32
        %parallel_loop3A_240 = vector.broadcast %parallel_loop3A_239 : i32 to vector<16xi32>
        %parallel_loop3A_241 = arith.cmpi sle, %parallel_loop3A_238, %parallel_loop3A_240 : vector<16xi32>
        %parallel_loop3A_242 = arith.subi %parallel_loop3A_238, %parallel_loop3A_233 : vector<16xi32>
        %parallel_loop3A_243 = arith.constant 58982 : i32
        %parallel_loop3A_244 = vector.broadcast %parallel_loop3A_243 : i32 to vector<16xi32>
        %parallel_loop3A_245 = arith.cmpi sle, %parallel_loop3A_242, %parallel_loop3A_244 : vector<16xi32>
        %parallel_loop3A_246 = arith.select %parallel_loop3A_241, %broadcast_in_dim3A_1, %broadcast_in_dim3A_3 : vector<16xi1>, vector<16xi32>
        %parallel_loop3A_247 = arith.addi %parallel_loop3A_227, %parallel_loop3A_246 : vector<16xi32>
        %parallel_loop3A_248 = arith.select %parallel_loop3A_241, %parallel_loop3A_233, %broadcast_in_dim3A_3 : vector<16xi1>, vector<16xi32>
        %parallel_loop3A_249 = arith.addi %parallel_loop3A_228, %parallel_loop3A_248 : vector<16xi32>
        %parallel_loop3A_250 = arith.select %parallel_loop3A_245, %parallel_loop3A_233, %broadcast_in_dim3A_3 : vector<16xi1>, vector<16xi32>
        %parallel_loop3A_251 = arith.addi %parallel_loop3A_229, %parallel_loop3A_250 : vector<16xi32>
        %parallel_loop3A_252 = arith.constant true
        %parallel_loop3A_253 = vector.broadcast %parallel_loop3A_252 : i1 to vector<16xi1>
        %parallel_loop3A_254 = tpu.scan <sum>, %parallel_loop3A_233 masked %parallel_loop3A_253 : vector<16xi32>, vector<16xi1> -> vector<16xi32>
        %parallel_loop3A_255 = vector.extract %parallel_loop3A_254[15] : i32 from vector<16xi32>
        %parallel_loop3A_256 = arith.addi %parallel_loop3A_226, %parallel_loop3A_255 : i32
        scf.yield %parallel_loop3A_256, %parallel_loop3A_247, %parallel_loop3A_249, %parallel_loop3A_251 : i32, vector<16xi32>, vector<16xi32>, vector<16xi32>
      } {sc.loop_unroll_factor = 4 : i64, sc.parallel_access}
      %reduce_sum3A = arith.constant true
      %reduce_sum3A_112 = vector.broadcast %reduce_sum3A : i1 to vector<16xi1>
      %reduce_sum3A_113 = tpu.scan <sum>, %parallel_loop3A_111#2 masked %reduce_sum3A_112 : vector<16xi32>, vector<16xi1> -> vector<16xi32>
      %reduce_sum3A_114 = vector.extract %reduce_sum3A_113[15] : i32 from vector<16xi32>
      %reduce_sum3A_115 = arith.constant true
      %reduce_sum3A_116 = vector.broadcast %reduce_sum3A_115 : i1 to vector<16xi1>
      %reduce_sum3A_117 = tpu.scan <sum>, %parallel_loop3A_111#1 masked %reduce_sum3A_116 : vector<16xi32>, vector<16xi1> -> vector<16xi32>
      %reduce_sum3A_118 = vector.extract %reduce_sum3A_117[15] : i32 from vector<16xi32>
      %reduce_sum3A_119 = arith.constant true
      %reduce_sum3A_120 = vector.broadcast %reduce_sum3A_119 : i1 to vector<16xi1>
      %reduce_sum3A_121 = tpu.scan <sum>, %parallel_loop3A_111#3 masked %reduce_sum3A_120 : vector<16xi32>, vector<16xi1> -> vector<16xi32>
      %reduce_sum3A_122 = vector.extract %reduce_sum3A_121[15] : i32 from vector<16xi32>
      %sub3A = arith.subi %reduce_sum3A_122, %reduce_sum3A_114 : i32
      %sub3A_123 = arith.constant 58982 : i32
      %sub3A_124 = arith.subi %sub3A_123, %reduce_sum3A_114 : i32
      %le3A = arith.constant 16384 : i32
      %le3A_125 = arith.cmpi sle, %sub3A, %le3A : i32
      %convert_element_type3A = arith.extui %le3A_125 : i1 to i32
      %cond3A = arith.constant 0 : i32
      %cond3A_126 = arith.cmpi ne, %convert_element_type3A, %cond3A : i32
      scf.if %cond3A_126 {
        %parallel_loop3A_225 = arith.constant 0 : i32
        %parallel_loop3A_226 = arith.constant 4096 : i32
        %parallel_loop3A_227 = arith.constant 1 : i32
        %parallel_loop3A_228 = arith.constant 0 : i32
        %parallel_loop3A_229 = scf.for %parallel_loop3A_304 = %parallel_loop3A_225 to %parallel_loop3A_226 step %parallel_loop3A_227 iter_args(%parallel_loop3A_305 = %parallel_loop3A_228) -> (i32)  : i32 {
          %parallel_loop3A_306 = arith.constant 16 : i32
          %parallel_loop3A_307 = arith.muli %parallel_loop3A_304, %parallel_loop3A_306 : i32
          %parallel_loop3A_308 = arith.index_cast %parallel_loop3A_307 : i32 to index
          %parallel_loop3A_309 = tpu.vector_load %arg4[%parallel_loop3A_308] {strides = array<i32>} : memref<65536xf32, #tpu.memory_space<vmem>>, vector<16xf32>,
          %parallel_loop3A_310 = tpu.bitcast %parallel_loop3A_309 : vector<16xf32> -> vector<16xi32>
          %parallel_loop3A_311 = arith.constant 2147483647 : i32
          %parallel_loop3A_312 = vector.broadcast %parallel_loop3A_311 : i32 to vector<16xi32>
          %parallel_loop3A_313 = arith.andi %parallel_loop3A_310, %parallel_loop3A_312 : vector<16xi32>
          %parallel_loop3A_314 = arith.constant 20 : i32
          %parallel_loop3A_315 = vector.broadcast %parallel_loop3A_314 : i32 to vector<16xi32>
          %parallel_loop3A_316 = arith.shrsi %parallel_loop3A_313, %parallel_loop3A_315 : vector<16xi32>
          %parallel_loop3A_317 = vector.broadcast %reduce_sum3A_118 : i32 to vector<16xi32>
          %parallel_loop3A_318 = arith.cmpi eq, %parallel_loop3A_316, %parallel_loop3A_317 : vector<16xi32>
          %parallel_loop3A_319 = arith.index_cast %parallel_loop3A_305 : i32 to index
          %parallel_loop3A_320 = tpu.vector_load %arg5[%parallel_loop3A_319] masked %parallel_loop3A_318 {strides = array<i32>} : memref<16400xf32, #tpu.memory_space<vmem>>, vector<16xf32>, vector<16xi1>
          tpu.vector_store %arg5[%parallel_loop3A_319], %parallel_loop3A_309 masked %parallel_loop3A_318 {strides = array<i32>} : memref<16400xf32, #tpu.memory_space<vmem>>, vector<16xf32>, vector<16xi1>
          %parallel_loop3A_321 = arith.select %parallel_loop3A_318, %broadcast_in_dim3A_1, %broadcast_in_dim3A_3 : vector<16xi1>, vector<16xi32>
          %parallel_loop3A_322 = arith.constant true
          %parallel_loop3A_323 = vector.broadcast %parallel_loop3A_322 : i1 to vector<16xi1>
          %parallel_loop3A_324 = tpu.scan <sum>, %parallel_loop3A_321 masked %parallel_loop3A_323 : vector<16xi32>, vector<16xi1> -> vector<16xi32>
          %parallel_loop3A_325 = vector.extract %parallel_loop3A_324[15] : i32 from vector<16xi32>
          %parallel_loop3A_326 = arith.addi %parallel_loop3A_305, %parallel_loop3A_325 : i32
          scf.yield %parallel_loop3A_326 : i32
        } {sc.loop_unroll_factor = 8 : i64, sc.parallel_access}
        %add3A_230 = arith.constant 16 : i32
        %add3A_231 = arith.addi %parallel_loop3A_229, %add3A_230 : i32
        %sub3A_232 = arith.constant 1 : i32
        %sub3A_233 = arith.subi %add3A_231, %sub3A_232 : i32
        %jit3A = arith.constant 16 : i32
        %div3A = arith.divsi %sub3A_233, %jit3A : i32
        %sign3A = arith.constant 0 : i32
        %sign3A_234 = arith.cmpi sgt, %sub3A_233, %sign3A : i32
        %sign3A_235 = arith.extui %sign3A_234 : i1 to i32
        %sign3A_236 = arith.constant 0 : i32
        %sign3A_237 = arith.cmpi slt, %sub3A_233, %sign3A_236 : i32
        %sign3A_238 = arith.extui %sign3A_237 : i1 to i32
        %sign3A_239 = arith.subi %sign3A_235, %sign3A_238 : i32
        %sign3A_240 = arith.constant 0 : i32
        %sign3A_241 = arith.cmpi sgt, %jit3A, %sign3A_240 : i32
        %sign3A_242 = arith.extui %sign3A_241 : i1 to i32
        %sign3A_243 = arith.constant 0 : i32
        %sign3A_244 = arith.cmpi slt, %jit3A, %sign3A_243 : i32
        %sign3A_245 = arith.extui %sign3A_244 : i1 to i32
        %sign3A_246 = arith.subi %sign3A_242, %sign3A_245 : i32
        %ne3A = arith.cmpi ne, %sign3A_239, %sign3A_246 : i32
        %rem3A = arith.remsi %sub3A_233, %jit3A : i32
        %ne3A_247 = arith.constant 0 : i32
        %ne3A_248 = arith.cmpi ne, %rem3A, %ne3A_247 : i32
        %and3A = arith.andi %ne3A, %ne3A_248 : i1
        %sub3A_249 = arith.constant 1 : i32
        %sub3A_250 = arith.subi %div3A, %sub3A_249 : i32
        %select_n3A = arith.select %and3A, %sub3A_250, %div3A : i32
        %parallel_loop3A_251 = arith.constant 0 : i32
        %parallel_loop3A_252 = arith.constant 64 : i32
        %parallel_loop3A_253 = arith.constant 1 : i32
        scf.for %parallel_loop3A_304 = %parallel_loop3A_251 to %parallel_loop3A_252 step %parallel_loop3A_253  : i32 {
          %parallel_loop3A_305 = arith.constant 16 : i32
          %parallel_loop3A_306 = arith.muli %parallel_loop3A_304, %parallel_loop3A_305 : i32
          %parallel_loop3A_307 = arith.index_cast %parallel_loop3A_306 : i32 to index
          %parallel_loop3A_308 = tpu.vector_load %arg6[%parallel_loop3A_307] {strides = array<i32>} : memref<2048xi32, #tpu.memory_space<vmem>>, vector<16xi32>,
          tpu.vector_store %arg6[%parallel_loop3A_307], %broadcast_in_dim3A_3 {strides = array<i32>} : memref<2048xi32, #tpu.memory_space<vmem>>, vector<16xi32>,
        } {sc.loop_unroll_factor = 8 : i64, sc.parallel_access}
        %parallel_loop3A_254 = arith.constant 0 : i32
        %parallel_loop3A_255 = arith.constant 1 : i32
        scf.for %parallel_loop3A_304 = %parallel_loop3A_254 to %select_n3A step %parallel_loop3A_255  : i32 {
          %parallel_loop3A_305 = arith.constant 16 : i32
          %parallel_loop3A_306 = arith.muli %parallel_loop3A_304, %parallel_loop3A_305 : i32
          %parallel_loop3A_307 = arith.index_cast %parallel_loop3A_306 : i32 to index
          %parallel_loop3A_308 = tpu.vector_load %arg5[%parallel_loop3A_307] {strides = array<i32>} : memref<16400xf32, #tpu.memory_space<vmem>>, vector<16xf32>,
          %parallel_loop3A_309 = tpu.bitcast %parallel_loop3A_308 : vector<16xf32> -> vector<16xi32>
          %parallel_loop3A_310 = arith.constant 2147483647 : i32
          %parallel_loop3A_311 = vector.broadcast %parallel_loop3A_310 : i32 to vector<16xi32>
          %parallel_loop3A_312 = arith.andi %parallel_loop3A_309, %parallel_loop3A_311 : vector<16xi32>
          %parallel_loop3A_313 = arith.constant 16 : i32
          %parallel_loop3A_314 = arith.muli %parallel_loop3A_304, %parallel_loop3A_313 : i32
          %parallel_loop3A_315 = vector.broadcast %parallel_loop3A_314 : i32 to vector<16xi32>
          %parallel_loop3A_316 = arith.addi %parallel_loop3A_315, %iota3A : vector<16xi32>
          %parallel_loop3A_317 = vector.broadcast %parallel_loop3A_229 : i32 to vector<16xi32>
          %parallel_loop3A_318 = arith.cmpi slt, %parallel_loop3A_316, %parallel_loop3A_317 : vector<16xi32>
          %parallel_loop3A_319 = arith.constant 10 : i32
          %parallel_loop3A_320 = vector.broadcast %parallel_loop3A_319 : i32 to vector<16xi32>
          %parallel_loop3A_321 = arith.shrsi %parallel_loop3A_312, %parallel_loop3A_320 : vector<16xi32>
          %parallel_loop3A_322 = arith.constant 1023 : i32
          %parallel_loop3A_323 = vector.broadcast %parallel_loop3A_322 : i32 to vector<16xi32>
          %parallel_loop3A_324 = arith.andi %parallel_loop3A_321, %parallel_loop3A_323 : vector<16xi32>
          tpu.vector_store_idx %arg6[%parallel_loop3A_324], %broadcast_in_dim3A_1 masked %parallel_loop3A_318 {add = true} : memref<2048xi32, #tpu.memory_space<vmem>>[vector<16xi32>], vector<16xi32>, vector<16xi1>
        } {sc.loop_unroll_factor = 2 : i64, sc.parallel_access}
        %parallel_loop3A_256 = arith.constant 0 : i32
        %parallel_loop3A_257 = arith.constant 64 : i32
        %parallel_loop3A_258 = arith.constant 1 : i32
        %parallel_loop3A_259 = arith.constant 0 : i32
        %parallel_loop3A_260:4 = scf.for %parallel_loop3A_304 = %parallel_loop3A_256 to %parallel_loop3A_257 step %parallel_loop3A_258 iter_args(%parallel_loop3A_305 = %parallel_loop3A_259, %parallel_loop3A_306 = %broadcast_in_dim3A_3, %parallel_loop3A_307 = %broadcast_in_dim3A_3, %parallel_loop3A_308 = %broadcast_in_dim3A_3) -> (i32, vector<16xi32>, vector<16xi32>, vector<16xi32>)  : i32 {
          %parallel_loop3A_309 = arith.constant 16 : i32
          %parallel_loop3A_310 = arith.muli %parallel_loop3A_304, %parallel_loop3A_309 : i32
          %parallel_loop3A_311 = arith.index_cast %parallel_loop3A_310 : i32 to index
          %parallel_loop3A_312 = tpu.vector_load %arg6[%parallel_loop3A_311] {strides = array<i32>} : memref<2048xi32, #tpu.memory_space<vmem>>, vector<16xi32>,
          %parallel_loop3A_313 = arith.constant true
          %parallel_loop3A_314 = vector.broadcast %parallel_loop3A_313 : i1 to vector<16xi1>
          %parallel_loop3A_315 = tpu.scan <sum>, %parallel_loop3A_312 masked %parallel_loop3A_314 : vector<16xi32>, vector<16xi1> -> vector<16xi32>
          %parallel_loop3A_316 = vector.broadcast %parallel_loop3A_305 : i32 to vector<16xi32>
          %parallel_loop3A_317 = arith.addi %parallel_loop3A_315, %parallel_loop3A_316 : vector<16xi32>
          %parallel_loop3A_318 = vector.broadcast %sub3A_124 : i32 to vector<16xi32>
          %parallel_loop3A_319 = arith.cmpi sle, %parallel_loop3A_317, %parallel_loop3A_318 : vector<16xi32>
          %parallel_loop3A_320 = arith.subi %parallel_loop3A_317, %parallel_loop3A_312 : vector<16xi32>
          %parallel_loop3A_321 = vector.broadcast %sub3A_124 : i32 to vector<16xi32>
          %parallel_loop3A_322 = arith.cmpi sle, %parallel_loop3A_320, %parallel_loop3A_321 : vector<16xi32>
          %parallel_loop3A_323 = arith.select %parallel_loop3A_319, %broadcast_in_dim3A_1, %broadcast_in_dim3A_3 : vector<16xi1>, vector<16xi32>
          %parallel_loop3A_324 = arith.addi %parallel_loop3A_306, %parallel_loop3A_323 : vector<16xi32>
          %parallel_loop3A_325 = arith.select %parallel_loop3A_319, %parallel_loop3A_312, %broadcast_in_dim3A_3 : vector<16xi1>, vector<16xi32>
          %parallel_loop3A_326 = arith.addi %parallel_loop3A_307, %parallel_loop3A_325 : vector<16xi32>
          %parallel_loop3A_327 = arith.select %parallel_loop3A_322, %parallel_loop3A_312, %broadcast_in_dim3A_3 : vector<16xi1>, vector<16xi32>
          %parallel_loop3A_328 = arith.addi %parallel_loop3A_308, %parallel_loop3A_327 : vector<16xi32>
          %parallel_loop3A_329 = arith.constant true
          %parallel_loop3A_330 = vector.broadcast %parallel_loop3A_329 : i1 to vector<16xi1>
          %parallel_loop3A_331 = tpu.scan <sum>, %parallel_loop3A_312 masked %parallel_loop3A_330 : vector<16xi32>, vector<16xi1> -> vector<16xi32>
          %parallel_loop3A_332 = vector.extract %parallel_loop3A_331[15] : i32 from vector<16xi32>
          %parallel_loop3A_333 = arith.addi %parallel_loop3A_305, %parallel_loop3A_332 : i32
          scf.yield %parallel_loop3A_333, %parallel_loop3A_324, %parallel_loop3A_326, %parallel_loop3A_328 : i32, vector<16xi32>, vector<16xi32>, vector<16xi32>
        } {sc.loop_unroll_factor = 4 : i64, sc.parallel_access}
        %reduce_sum3A_261 = arith.constant true
        %reduce_sum3A_262 = vector.broadcast %reduce_sum3A_261 : i1 to vector<16xi1>
        %reduce_sum3A_263 = tpu.scan <sum>, %parallel_loop3A_260#2 masked %reduce_sum3A_262 : vector<16xi32>, vector<16xi1> -> vector<16xi32>
        %reduce_sum3A_264 = vector.extract %reduce_sum3A_263[15] : i32 from vector<16xi32>
        %reduce_sum3A_265 = arith.constant true
        %reduce_sum3A_266 = vector.broadcast %reduce_sum3A_265 : i1 to vector<16xi1>
        %reduce_sum3A_267 = tpu.scan <sum>, %parallel_loop3A_260#1 masked %reduce_sum3A_266 : vector<16xi32>, vector<16xi1> -> vector<16xi32>
        %reduce_sum3A_268 = vector.extract %reduce_sum3A_267[15] : i32 from vector<16xi32>
        %reduce_sum3A_269 = arith.constant true
        %reduce_sum3A_270 = vector.broadcast %reduce_sum3A_269 : i1 to vector<16xi1>
        %reduce_sum3A_271 = tpu.scan <sum>, %parallel_loop3A_260#3 masked %reduce_sum3A_270 : vector<16xi32>, vector<16xi1> -> vector<16xi32>
        %reduce_sum3A_272 = vector.extract %reduce_sum3A_271[15] : i32 from vector<16xi32>
        %sub3A_273 = arith.subi %reduce_sum3A_272, %reduce_sum3A_264 : i32
        %sub3A_274 = arith.subi %sub3A_124, %reduce_sum3A_264 : i32
        %parallel_loop3A_275 = arith.constant 0 : i32
        %parallel_loop3A_276 = arith.constant 64 : i32
        %parallel_loop3A_277 = arith.constant 1 : i32
        scf.for %parallel_loop3A_304 = %parallel_loop3A_275 to %parallel_loop3A_276 step %parallel_loop3A_277  : i32 {
          %parallel_loop3A_305 = arith.constant 16 : i32
          %parallel_loop3A_306 = arith.muli %parallel_loop3A_304, %parallel_loop3A_305 : i32
          %parallel_loop3A_307 = arith.index_cast %parallel_loop3A_306 : i32 to index
          %parallel_loop3A_308 = tpu.vector_load %arg6[%parallel_loop3A_307] {strides = array<i32>} : memref<2048xi32, #tpu.memory_space<vmem>>, vector<16xi32>,
          tpu.vector_store %arg6[%parallel_loop3A_307], %broadcast_in_dim3A_3 {strides = array<i32>} : memref<2048xi32, #tpu.memory_space<vmem>>, vector<16xi32>,
        } {sc.loop_unroll_factor = 8 : i64, sc.parallel_access}
        %parallel_loop3A_278 = arith.constant 0 : i32
        %parallel_loop3A_279 = arith.constant 1 : i32
        scf.for %parallel_loop3A_304 = %parallel_loop3A_278 to %select_n3A step %parallel_loop3A_279  : i32 {
          %parallel_loop3A_305 = arith.constant 16 : i32
          %parallel_loop3A_306 = arith.muli %parallel_loop3A_304, %parallel_loop3A_305 : i32
          %parallel_loop3A_307 = arith.index_cast %parallel_loop3A_306 : i32 to index
          %parallel_loop3A_308 = tpu.vector_load %arg5[%parallel_loop3A_307] {strides = array<i32>} : memref<16400xf32, #tpu.memory_space<vmem>>, vector<16xf32>,
          %parallel_loop3A_309 = tpu.bitcast %parallel_loop3A_308 : vector<16xf32> -> vector<16xi32>
          %parallel_loop3A_310 = arith.constant 2147483647 : i32
          %parallel_loop3A_311 = vector.broadcast %parallel_loop3A_310 : i32 to vector<16xi32>
          %parallel_loop3A_312 = arith.andi %parallel_loop3A_309, %parallel_loop3A_311 : vector<16xi32>
          %parallel_loop3A_313 = arith.constant 16 : i32
          %parallel_loop3A_314 = arith.muli %parallel_loop3A_304, %parallel_loop3A_313 : i32
          %parallel_loop3A_315 = vector.broadcast %parallel_loop3A_314 : i32 to vector<16xi32>
          %parallel_loop3A_316 = arith.addi %parallel_loop3A_315, %iota3A : vector<16xi32>
          %parallel_loop3A_317 = vector.broadcast %parallel_loop3A_229 : i32 to vector<16xi32>
          %parallel_loop3A_318 = arith.cmpi slt, %parallel_loop3A_316, %parallel_loop3A_317 : vector<16xi32>
          %parallel_loop3A_319 = arith.constant 10 : i32
          %parallel_loop3A_320 = vector.broadcast %parallel_loop3A_319 : i32 to vector<16xi32>
          %parallel_loop3A_321 = arith.shrsi %parallel_loop3A_312, %parallel_loop3A_320 : vector<16xi32>
          %parallel_loop3A_322 = arith.constant 1023 : i32
          %parallel_loop3A_323 = vector.broadcast %parallel_loop3A_322 : i32 to vector<16xi32>
          %parallel_loop3A_324 = arith.andi %parallel_loop3A_321, %parallel_loop3A_323 : vector<16xi32>
          %parallel_loop3A_325 = vector.broadcast %reduce_sum3A_268 : i32 to vector<16xi32>
          %parallel_loop3A_326 = arith.cmpi eq, %parallel_loop3A_324, %parallel_loop3A_325 : vector<16xi32>
          %parallel_loop3A_327 = arith.andi %parallel_loop3A_318, %parallel_loop3A_326 : vector<16xi1>
          %parallel_loop3A_328 = arith.constant 1023 : i32
          %parallel_loop3A_329 = vector.broadcast %parallel_loop3A_328 : i32 to vector<16xi32>
          %parallel_loop3A_330 = arith.andi %parallel_loop3A_312, %parallel_loop3A_329 : vector<16xi32>
          tpu.vector_store_idx %arg6[%parallel_loop3A_330], %broadcast_in_dim3A_1 masked %parallel_loop3A_327 {add = true} : memref<2048xi32, #tpu.memory_space<vmem>>[vector<16xi32>], vector<16xi32>, vector<16xi1>
        } {sc.loop_unroll_factor = 2 : i64, sc.parallel_access}
        %parallel_loop3A_280 = arith.constant 0 : i32
        %parallel_loop3A_281 = arith.constant 64 : i32
        %parallel_loop3A_282 = arith.constant 1 : i32
        %parallel_loop3A_283 = arith.constant 0 : i32
        %parallel_loop3A_284:4 = scf.for %parallel_loop3A_304 = %parallel_loop3A_280 to %parallel_loop3A_281 step %parallel_loop3A_282 iter_args(%parallel_loop3A_305 = %parallel_loop3A_283, %parallel_loop3A_306 = %broadcast_in_dim3A_3, %parallel_loop3A_307 = %broadcast_in_dim3A_3, %parallel_loop3A_308 = %broadcast_in_dim3A_3) -> (i32, vector<16xi32>, vector<16xi32>, vector<16xi32>)  : i32 {
          %parallel_loop3A_309 = arith.constant 16 : i32
          %parallel_loop3A_310 = arith.muli %parallel_loop3A_304, %parallel_loop3A_309 : i32
          %parallel_loop3A_311 = arith.index_cast %parallel_loop3A_310 : i32 to index
          %parallel_loop3A_312 = tpu.vector_load %arg6[%parallel_loop3A_311] {strides = array<i32>} : memref<2048xi32, #tpu.memory_space<vmem>>, vector<16xi32>,
          %parallel_loop3A_313 = arith.constant true
          %parallel_loop3A_314 = vector.broadcast %parallel_loop3A_313 : i1 to vector<16xi1>
          %parallel_loop3A_315 = tpu.scan <sum>, %parallel_loop3A_312 masked %parallel_loop3A_314 : vector<16xi32>, vector<16xi1> -> vector<16xi32>
          %parallel_loop3A_316 = vector.broadcast %parallel_loop3A_305 : i32 to vector<16xi32>
          %parallel_loop3A_317 = arith.addi %parallel_loop3A_315, %parallel_loop3A_316 : vector<16xi32>
          %parallel_loop3A_318 = vector.broadcast %sub3A_274 : i32 to vector<16xi32>
          %parallel_loop3A_319 = arith.cmpi sle, %parallel_loop3A_317, %parallel_loop3A_318 : vector<16xi32>
          %parallel_loop3A_320 = arith.subi %parallel_loop3A_317, %parallel_loop3A_312 : vector<16xi32>
          %parallel_loop3A_321 = vector.broadcast %sub3A_274 : i32 to vector<16xi32>
          %parallel_loop3A_322 = arith.cmpi sle, %parallel_loop3A_320, %parallel_loop3A_321 : vector<16xi32>
          %parallel_loop3A_323 = arith.select %parallel_loop3A_319, %broadcast_in_dim3A_1, %broadcast_in_dim3A_3 : vector<16xi1>, vector<16xi32>
          %parallel_loop3A_324 = arith.addi %parallel_loop3A_306, %parallel_loop3A_323 : vector<16xi32>
          %parallel_loop3A_325 = arith.select %parallel_loop3A_319, %parallel_loop3A_312, %broadcast_in_dim3A_3 : vector<16xi1>, vector<16xi32>
          %parallel_loop3A_326 = arith.addi %parallel_loop3A_307, %parallel_loop3A_325 : vector<16xi32>
          %parallel_loop3A_327 = arith.select %parallel_loop3A_322, %parallel_loop3A_312, %broadcast_in_dim3A_3 : vector<16xi1>, vector<16xi32>
          %parallel_loop3A_328 = arith.addi %parallel_loop3A_308, %parallel_loop3A_327 : vector<16xi32>
          %parallel_loop3A_329 = arith.constant true
          %parallel_loop3A_330 = vector.broadcast %parallel_loop3A_329 : i1 to vector<16xi1>
          %parallel_loop3A_331 = tpu.scan <sum>, %parallel_loop3A_312 masked %parallel_loop3A_330 : vector<16xi32>, vector<16xi1> -> vector<16xi32>
          %parallel_loop3A_332 = vector.extract %parallel_loop3A_331[15] : i32 from vector<16xi32>
          %parallel_loop3A_333 = arith.addi %parallel_loop3A_305, %parallel_loop3A_332 : i32
          scf.yield %parallel_loop3A_333, %parallel_loop3A_324, %parallel_loop3A_326, %parallel_loop3A_328 : i32, vector<16xi32>, vector<16xi32>, vector<16xi32>
        } {sc.loop_unroll_factor = 4 : i64, sc.parallel_access}
        %reduce_sum3A_285 = arith.constant true
        %reduce_sum3A_286 = vector.broadcast %reduce_sum3A_285 : i1 to vector<16xi1>
        %reduce_sum3A_287 = tpu.scan <sum>, %parallel_loop3A_284#2 masked %reduce_sum3A_286 : vector<16xi32>, vector<16xi1> -> vector<16xi32>
        %reduce_sum3A_288 = vector.extract %reduce_sum3A_287[15] : i32 from vector<16xi32>
        %reduce_sum3A_289 = arith.constant true
        %reduce_sum3A_290 = vector.broadcast %reduce_sum3A_289 : i1 to vector<16xi1>
        %reduce_sum3A_291 = tpu.scan <sum>, %parallel_loop3A_284#1 masked %reduce_sum3A_290 : vector<16xi32>, vector<16xi1> -> vector<16xi32>
        %reduce_sum3A_292 = vector.extract %reduce_sum3A_291[15] : i32 from vector<16xi32>
        %reduce_sum3A_293 = arith.constant true
        %reduce_sum3A_294 = vector.broadcast %reduce_sum3A_293 : i1 to vector<16xi1>
        %reduce_sum3A_295 = tpu.scan <sum>, %parallel_loop3A_284#3 masked %reduce_sum3A_294 : vector<16xi32>, vector<16xi1> -> vector<16xi32>
        %reduce_sum3A_296 = vector.extract %reduce_sum3A_295[15] : i32 from vector<16xi32>
        %sub3A_297 = arith.subi %reduce_sum3A_296, %reduce_sum3A_288 : i32
        %shift_left3A = arith.constant 20 : i32
        %shift_left3A_298 = arith.shli %reduce_sum3A_118, %shift_left3A : i32
        %shift_left3A_299 = arith.constant 10 : i32
        %shift_left3A_300 = arith.shli %reduce_sum3A_268, %shift_left3A_299 : i32
        %or3A = arith.ori %shift_left3A_298, %shift_left3A_300 : i32
        %or3A_301 = arith.ori %or3A, %reduce_sum3A_292 : i32
        %swap3A = arith.constant 0 : i32
        %swap3A_302 = arith.index_cast %swap3A : i32 to index
        %swap3A_303 = memref.load %arg7[%swap3A_302] : memref<1xi32, #tpu.memory_space<smem>>
        memref.store %or3A_301, %arg7[%swap3A_302] : memref<1xi32, #tpu.memory_space<smem>>
      } else {
      }
      %gt3A = arith.constant 16384 : i32
      %gt3A_127 = arith.cmpi sgt, %sub3A, %gt3A : i32
      %convert_element_type3A_128 = arith.extui %gt3A_127 : i1 to i32
      %cond3A_129 = arith.constant 0 : i32
      %cond3A_130 = arith.cmpi ne, %convert_element_type3A_128, %cond3A_129 : i32
      scf.if %cond3A_130 {
        %parallel_loop3A_225 = arith.constant 0 : i32
        %parallel_loop3A_226 = arith.constant 64 : i32
        %parallel_loop3A_227 = arith.constant 1 : i32
        scf.for %parallel_loop3A_280 = %parallel_loop3A_225 to %parallel_loop3A_226 step %parallel_loop3A_227  : i32 {
          %parallel_loop3A_281 = arith.constant 16 : i32
          %parallel_loop3A_282 = arith.muli %parallel_loop3A_280, %parallel_loop3A_281 : i32
          %parallel_loop3A_283 = arith.index_cast %parallel_loop3A_282 : i32 to index
          %parallel_loop3A_284 = tpu.vector_load %arg6[%parallel_loop3A_283] {strides = array<i32>} : memref<2048xi32, #tpu.memory_space<vmem>>, vector<16xi32>,
          tpu.vector_store %arg6[%parallel_loop3A_283], %broadcast_in_dim3A_3 {strides = array<i32>} : memref<2048xi32, #tpu.memory_space<vmem>>, vector<16xi32>,
        } {sc.loop_unroll_factor = 8 : i64, sc.parallel_access}
        %parallel_loop3A_228 = arith.constant 0 : i32
        %parallel_loop3A_229 = arith.constant 4096 : i32
        %parallel_loop3A_230 = arith.constant 1 : i32
        scf.for %parallel_loop3A_280 = %parallel_loop3A_228 to %parallel_loop3A_229 step %parallel_loop3A_230  : i32 {
          %parallel_loop3A_281 = arith.constant 16 : i32
          %parallel_loop3A_282 = arith.muli %parallel_loop3A_280, %parallel_loop3A_281 : i32
          %parallel_loop3A_283 = arith.index_cast %parallel_loop3A_282 : i32 to index
          %parallel_loop3A_284 = tpu.vector_load %arg4[%parallel_loop3A_283] {strides = array<i32>} : memref<65536xf32, #tpu.memory_space<vmem>>, vector<16xf32>,
          %parallel_loop3A_285 = tpu.bitcast %parallel_loop3A_284 : vector<16xf32> -> vector<16xi32>
          %parallel_loop3A_286 = arith.constant 2147483647 : i32
          %parallel_loop3A_287 = vector.broadcast %parallel_loop3A_286 : i32 to vector<16xi32>
          %parallel_loop3A_288 = arith.andi %parallel_loop3A_285, %parallel_loop3A_287 : vector<16xi32>
          %parallel_loop3A_289 = arith.constant 20 : i32
          %parallel_loop3A_290 = vector.broadcast %parallel_loop3A_289 : i32 to vector<16xi32>
          %parallel_loop3A_291 = arith.shrsi %parallel_loop3A_288, %parallel_loop3A_290 : vector<16xi32>
          %parallel_loop3A_292 = vector.broadcast %reduce_sum3A_118 : i32 to vector<16xi32>
          %parallel_loop3A_293 = arith.cmpi eq, %parallel_loop3A_291, %parallel_loop3A_292 : vector<16xi32>
          %parallel_loop3A_294 = arith.constant 10 : i32
          %parallel_loop3A_295 = vector.broadcast %parallel_loop3A_294 : i32 to vector<16xi32>
          %parallel_loop3A_296 = arith.shrsi %parallel_loop3A_288, %parallel_loop3A_295 : vector<16xi32>
          %parallel_loop3A_297 = arith.constant 1023 : i32
          %parallel_loop3A_298 = vector.broadcast %parallel_loop3A_297 : i32 to vector<16xi32>
          %parallel_loop3A_299 = arith.andi %parallel_loop3A_296, %parallel_loop3A_298 : vector<16xi32>
          tpu.vector_store_idx %arg6[%parallel_loop3A_299], %broadcast_in_dim3A_1 masked %parallel_loop3A_293 {add = true} : memref<2048xi32, #tpu.memory_space<vmem>>[vector<16xi32>], vector<16xi32>, vector<16xi1>
        } {sc.loop_unroll_factor = 8 : i64, sc.parallel_access}
        %parallel_loop3A_231 = arith.constant 0 : i32
        %parallel_loop3A_232 = arith.constant 64 : i32
        %parallel_loop3A_233 = arith.constant 1 : i32
        %parallel_loop3A_234 = arith.constant 0 : i32
        %parallel_loop3A_235:4 = scf.for %parallel_loop3A_280 = %parallel_loop3A_231 to %parallel_loop3A_232 step %parallel_loop3A_233 iter_args(%parallel_loop3A_281 = %parallel_loop3A_234, %parallel_loop3A_282 = %broadcast_in_dim3A_3, %parallel_loop3A_283 = %broadcast_in_dim3A_3, %parallel_loop3A_284 = %broadcast_in_dim3A_3) -> (i32, vector<16xi32>, vector<16xi32>, vector<16xi32>)  : i32 {
          %parallel_loop3A_285 = arith.constant 16 : i32
          %parallel_loop3A_286 = arith.muli %parallel_loop3A_280, %parallel_loop3A_285 : i32
          %parallel_loop3A_287 = arith.index_cast %parallel_loop3A_286 : i32 to index
          %parallel_loop3A_288 = tpu.vector_load %arg6[%parallel_loop3A_287] {strides = array<i32>} : memref<2048xi32, #tpu.memory_space<vmem>>, vector<16xi32>,
          %parallel_loop3A_289 = arith.constant true
          %parallel_loop3A_290 = vector.broadcast %parallel_loop3A_289 : i1 to vector<16xi1>
          %parallel_loop3A_291 = tpu.scan <sum>, %parallel_loop3A_288 masked %parallel_loop3A_290 : vector<16xi32>, vector<16xi1> -> vector<16xi32>
          %parallel_loop3A_292 = vector.broadcast %parallel_loop3A_281 : i32 to vector<16xi32>
          %parallel_loop3A_293 = arith.addi %parallel_loop3A_291, %parallel_loop3A_292 : vector<16xi32>
          %parallel_loop3A_294 = vector.broadcast %sub3A_124 : i32 to vector<16xi32>
          %parallel_loop3A_295 = arith.cmpi sle, %parallel_loop3A_293, %parallel_loop3A_294 : vector<16xi32>
          %parallel_loop3A_296 = arith.subi %parallel_loop3A_293, %parallel_loop3A_288 : vector<16xi32>
          %parallel_loop3A_297 = vector.broadcast %sub3A_124 : i32 to vector<16xi32>
          %parallel_loop3A_298 = arith.cmpi sle, %parallel_loop3A_296, %parallel_loop3A_297 : vector<16xi32>
          %parallel_loop3A_299 = arith.select %parallel_loop3A_295, %broadcast_in_dim3A_1, %broadcast_in_dim3A_3 : vector<16xi1>, vector<16xi32>
          %parallel_loop3A_300 = arith.addi %parallel_loop3A_282, %parallel_loop3A_299 : vector<16xi32>
          %parallel_loop3A_301 = arith.select %parallel_loop3A_295, %parallel_loop3A_288, %broadcast_in_dim3A_3 : vector<16xi1>, vector<16xi32>
          %parallel_loop3A_302 = arith.addi %parallel_loop3A_283, %parallel_loop3A_301 : vector<16xi32>
          %parallel_loop3A_303 = arith.select %parallel_loop3A_298, %parallel_loop3A_288, %broadcast_in_dim3A_3 : vector<16xi1>, vector<16xi32>
          %parallel_loop3A_304 = arith.addi %parallel_loop3A_284, %parallel_loop3A_303 : vector<16xi32>
          %parallel_loop3A_305 = arith.constant true
          %parallel_loop3A_306 = vector.broadcast %parallel_loop3A_305 : i1 to vector<16xi1>
          %parallel_loop3A_307 = tpu.scan <sum>, %parallel_loop3A_288 masked %parallel_loop3A_306 : vector<16xi32>, vector<16xi1> -> vector<16xi32>
          %parallel_loop3A_308 = vector.extract %parallel_loop3A_307[15] : i32 from vector<16xi32>
          %parallel_loop3A_309 = arith.addi %parallel_loop3A_281, %parallel_loop3A_308 : i32
          scf.yield %parallel_loop3A_309, %parallel_loop3A_300, %parallel_loop3A_302, %parallel_loop3A_304 : i32, vector<16xi32>, vector<16xi32>, vector<16xi32>
        } {sc.loop_unroll_factor = 4 : i64, sc.parallel_access}
        %reduce_sum3A_236 = arith.constant true
        %reduce_sum3A_237 = vector.broadcast %reduce_sum3A_236 : i1 to vector<16xi1>
        %reduce_sum3A_238 = tpu.scan <sum>, %parallel_loop3A_235#2 masked %reduce_sum3A_237 : vector<16xi32>, vector<16xi1> -> vector<16xi32>
        %reduce_sum3A_239 = vector.extract %reduce_sum3A_238[15] : i32 from vector<16xi32>
        %reduce_sum3A_240 = arith.constant true
        %reduce_sum3A_241 = vector.broadcast %reduce_sum3A_240 : i1 to vector<16xi1>
        %reduce_sum3A_242 = tpu.scan <sum>, %parallel_loop3A_235#1 masked %reduce_sum3A_241 : vector<16xi32>, vector<16xi1> -> vector<16xi32>
        %reduce_sum3A_243 = vector.extract %reduce_sum3A_242[15] : i32 from vector<16xi32>
        %reduce_sum3A_244 = arith.constant true
        %reduce_sum3A_245 = vector.broadcast %reduce_sum3A_244 : i1 to vector<16xi1>
        %reduce_sum3A_246 = tpu.scan <sum>, %parallel_loop3A_235#3 masked %reduce_sum3A_245 : vector<16xi32>, vector<16xi1> -> vector<16xi32>
        %reduce_sum3A_247 = vector.extract %reduce_sum3A_246[15] : i32 from vector<16xi32>
        %sub3A_248 = arith.subi %reduce_sum3A_247, %reduce_sum3A_239 : i32
        %sub3A_249 = arith.subi %sub3A_124, %reduce_sum3A_239 : i32
        %shift_left3A = arith.constant 10 : i32
        %shift_left3A_250 = arith.shli %reduce_sum3A_118, %shift_left3A : i32
        %or3A = arith.ori %shift_left3A_250, %reduce_sum3A_243 : i32
        %parallel_loop3A_251 = arith.constant 0 : i32
        %parallel_loop3A_252 = arith.constant 64 : i32
        %parallel_loop3A_253 = arith.constant 1 : i32
        scf.for %parallel_loop3A_280 = %parallel_loop3A_251 to %parallel_loop3A_252 step %parallel_loop3A_253  : i32 {
          %parallel_loop3A_281 = arith.constant 16 : i32
          %parallel_loop3A_282 = arith.muli %parallel_loop3A_280, %parallel_loop3A_281 : i32
          %parallel_loop3A_283 = arith.index_cast %parallel_loop3A_282 : i32 to index
          %parallel_loop3A_284 = tpu.vector_load %arg6[%parallel_loop3A_283] {strides = array<i32>} : memref<2048xi32, #tpu.memory_space<vmem>>, vector<16xi32>,
          tpu.vector_store %arg6[%parallel_loop3A_283], %broadcast_in_dim3A_3 {strides = array<i32>} : memref<2048xi32, #tpu.memory_space<vmem>>, vector<16xi32>,
        } {sc.loop_unroll_factor = 8 : i64, sc.parallel_access}
        %parallel_loop3A_254 = arith.constant 0 : i32
        %parallel_loop3A_255 = arith.constant 4096 : i32
        %parallel_loop3A_256 = arith.constant 1 : i32
        scf.for %parallel_loop3A_280 = %parallel_loop3A_254 to %parallel_loop3A_255 step %parallel_loop3A_256  : i32 {
          %parallel_loop3A_281 = arith.constant 16 : i32
          %parallel_loop3A_282 = arith.muli %parallel_loop3A_280, %parallel_loop3A_281 : i32
          %parallel_loop3A_283 = arith.index_cast %parallel_loop3A_282 : i32 to index
          %parallel_loop3A_284 = tpu.vector_load %arg4[%parallel_loop3A_283] {strides = array<i32>} : memref<65536xf32, #tpu.memory_space<vmem>>, vector<16xf32>,
          %parallel_loop3A_285 = tpu.bitcast %parallel_loop3A_284 : vector<16xf32> -> vector<16xi32>
          %parallel_loop3A_286 = arith.constant 2147483647 : i32
          %parallel_loop3A_287 = vector.broadcast %parallel_loop3A_286 : i32 to vector<16xi32>
          %parallel_loop3A_288 = arith.andi %parallel_loop3A_285, %parallel_loop3A_287 : vector<16xi32>
          %parallel_loop3A_289 = arith.constant 10 : i32
          %parallel_loop3A_290 = vector.broadcast %parallel_loop3A_289 : i32 to vector<16xi32>
          %parallel_loop3A_291 = arith.shrsi %parallel_loop3A_288, %parallel_loop3A_290 : vector<16xi32>
          %parallel_loop3A_292 = vector.broadcast %or3A : i32 to vector<16xi32>
          %parallel_loop3A_293 = arith.cmpi eq, %parallel_loop3A_291, %parallel_loop3A_292 : vector<16xi32>
          %parallel_loop3A_294 = arith.constant 1023 : i32
          %parallel_loop3A_295 = vector.broadcast %parallel_loop3A_294 : i32 to vector<16xi32>
          %parallel_loop3A_296 = arith.andi %parallel_loop3A_288, %parallel_loop3A_295 : vector<16xi32>
          tpu.vector_store_idx %arg6[%parallel_loop3A_296], %broadcast_in_dim3A_1 masked %parallel_loop3A_293 {add = true} : memref<2048xi32, #tpu.memory_space<vmem>>[vector<16xi32>], vector<16xi32>, vector<16xi1>
        } {sc.loop_unroll_factor = 8 : i64, sc.parallel_access}
        %parallel_loop3A_257 = arith.constant 0 : i32
        %parallel_loop3A_258 = arith.constant 64 : i32
        %parallel_loop3A_259 = arith.constant 1 : i32
        %parallel_loop3A_260 = arith.constant 0 : i32
        %parallel_loop3A_261:4 = scf.for %parallel_loop3A_280 = %parallel_loop3A_257 to %parallel_loop3A_258 step %parallel_loop3A_259 iter_args(%parallel_loop3A_281 = %parallel_loop3A_260, %parallel_loop3A_282 = %broadcast_in_dim3A_3, %parallel_loop3A_283 = %broadcast_in_dim3A_3, %parallel_loop3A_284 = %broadcast_in_dim3A_3) -> (i32, vector<16xi32>, vector<16xi32>, vector<16xi32>)  : i32 {
          %parallel_loop3A_285 = arith.constant 16 : i32
          %parallel_loop3A_286 = arith.muli %parallel_loop3A_280, %parallel_loop3A_285 : i32
          %parallel_loop3A_287 = arith.index_cast %parallel_loop3A_286 : i32 to index
          %parallel_loop3A_288 = tpu.vector_load %arg6[%parallel_loop3A_287] {strides = array<i32>} : memref<2048xi32, #tpu.memory_space<vmem>>, vector<16xi32>,
          %parallel_loop3A_289 = arith.constant true
          %parallel_loop3A_290 = vector.broadcast %parallel_loop3A_289 : i1 to vector<16xi1>
          %parallel_loop3A_291 = tpu.scan <sum>, %parallel_loop3A_288 masked %parallel_loop3A_290 : vector<16xi32>, vector<16xi1> -> vector<16xi32>
          %parallel_loop3A_292 = vector.broadcast %parallel_loop3A_281 : i32 to vector<16xi32>
          %parallel_loop3A_293 = arith.addi %parallel_loop3A_291, %parallel_loop3A_292 : vector<16xi32>
          %parallel_loop3A_294 = vector.broadcast %sub3A_249 : i32 to vector<16xi32>
          %parallel_loop3A_295 = arith.cmpi sle, %parallel_loop3A_293, %parallel_loop3A_294 : vector<16xi32>
          %parallel_loop3A_296 = arith.subi %parallel_loop3A_293, %parallel_loop3A_288 : vector<16xi32>
          %parallel_loop3A_297 = vector.broadcast %sub3A_249 : i32 to vector<16xi32>
          %parallel_loop3A_298 = arith.cmpi sle, %parallel_loop3A_296, %parallel_loop3A_297 : vector<16xi32>
          %parallel_loop3A_299 = arith.select %parallel_loop3A_295, %broadcast_in_dim3A_1, %broadcast_in_dim3A_3 : vector<16xi1>, vector<16xi32>
          %parallel_loop3A_300 = arith.addi %parallel_loop3A_282, %parallel_loop3A_299 : vector<16xi32>
          %parallel_loop3A_301 = arith.select %parallel_loop3A_295, %parallel_loop3A_288, %broadcast_in_dim3A_3 : vector<16xi1>, vector<16xi32>
          %parallel_loop3A_302 = arith.addi %parallel_loop3A_283, %parallel_loop3A_301 : vector<16xi32>
          %parallel_loop3A_303 = arith.select %parallel_loop3A_298, %parallel_loop3A_288, %broadcast_in_dim3A_3 : vector<16xi1>, vector<16xi32>
          %parallel_loop3A_304 = arith.addi %parallel_loop3A_284, %parallel_loop3A_303 : vector<16xi32>
          %parallel_loop3A_305 = arith.constant true
          %parallel_loop3A_306 = vector.broadcast %parallel_loop3A_305 : i1 to vector<16xi1>
          %parallel_loop3A_307 = tpu.scan <sum>, %parallel_loop3A_288 masked %parallel_loop3A_306 : vector<16xi32>, vector<16xi1> -> vector<16xi32>
          %parallel_loop3A_308 = vector.extract %parallel_loop3A_307[15] : i32 from vector<16xi32>
          %parallel_loop3A_309 = arith.addi %parallel_loop3A_281, %parallel_loop3A_308 : i32
          scf.yield %parallel_loop3A_309, %parallel_loop3A_300, %parallel_loop3A_302, %parallel_loop3A_304 : i32, vector<16xi32>, vector<16xi32>, vector<16xi32>
        } {sc.loop_unroll_factor = 4 : i64, sc.parallel_access}
        %reduce_sum3A_262 = arith.constant true
        %reduce_sum3A_263 = vector.broadcast %reduce_sum3A_262 : i1 to vector<16xi1>
        %reduce_sum3A_264 = tpu.scan <sum>, %parallel_loop3A_261#2 masked %reduce_sum3A_263 : vector<16xi32>, vector<16xi1> -> vector<16xi32>
        %reduce_sum3A_265 = vector.extract %reduce_sum3A_264[15] : i32 from vector<16xi32>
        %reduce_sum3A_266 = arith.constant true
        %reduce_sum3A_267 = vector.broadcast %reduce_sum3A_266 : i1 to vector<16xi1>
        %reduce_sum3A_268 = tpu.scan <sum>, %parallel_loop3A_261#1 masked %reduce_sum3A_267 : vector<16xi32>, vector<16xi1> -> vector<16xi32>
        %reduce_sum3A_269 = vector.extract %reduce_sum3A_268[15] : i32 from vector<16xi32>
        %reduce_sum3A_270 = arith.constant true
        %reduce_sum3A_271 = vector.broadcast %reduce_sum3A_270 : i1 to vector<16xi1>
        %reduce_sum3A_272 = tpu.scan <sum>, %parallel_loop3A_261#3 masked %reduce_sum3A_271 : vector<16xi32>, vector<16xi1> -> vector<16xi32>
        %reduce_sum3A_273 = vector.extract %reduce_sum3A_272[15] : i32 from vector<16xi32>
        %sub3A_274 = arith.subi %reduce_sum3A_273, %reduce_sum3A_265 : i32
        %shift_left3A_275 = arith.constant 10 : i32
        %shift_left3A_276 = arith.shli %or3A, %shift_left3A_275 : i32
        %or3A_277 = arith.ori %shift_left3A_276, %reduce_sum3A_269 : i32
        %swap3A = arith.constant 0 : i32
        %swap3A_278 = arith.index_cast %swap3A : i32 to index
        %swap3A_279 = memref.load %arg7[%swap3A_278] : memref<1xi32, #tpu.memory_space<smem>>
        memref.store %or3A_277, %arg7[%swap3A_278] : memref<1xi32, #tpu.memory_space<smem>>
      } else {
      }
      %get3A = arith.constant 0 : i32
      %get3A_131 = arith.index_cast %get3A : i32 to index
      %get3A_132 = memref.load %arg7[%get3A_131] : memref<1xi32, #tpu.memory_space<smem>>
      %parallel_loop3A_133 = arith.constant 0 : i32
      %parallel_loop3A_134 = arith.constant 1024 : i32
      %parallel_loop3A_135 = arith.constant 1 : i32
      scf.for %parallel_loop3A_225 = %parallel_loop3A_133 to %parallel_loop3A_134 step %parallel_loop3A_135  : i32 {
        %parallel_loop3A_226 = arith.constant 16 : i32
        %parallel_loop3A_227 = arith.muli %parallel_loop3A_225, %parallel_loop3A_226 : i32
        %parallel_loop3A_228 = arith.index_cast %parallel_loop3A_227 : i32 to index
        %parallel_loop3A_229 = tpu.vector_load %arg4[%parallel_loop3A_228] {strides = array<i32>} : memref<65536xf32, #tpu.memory_space<vmem>>, vector<16xf32>,
        %parallel_loop3A_230 = tpu.bitcast %parallel_loop3A_229 : vector<16xf32> -> vector<16xi32>
        %parallel_loop3A_231 = arith.constant 2147483647 : i32
        %parallel_loop3A_232 = vector.broadcast %parallel_loop3A_231 : i32 to vector<16xi32>
        %parallel_loop3A_233 = arith.andi %parallel_loop3A_230, %parallel_loop3A_232 : vector<16xi32>
        %parallel_loop3A_234 = vector.broadcast %get3A_132 : i32 to vector<16xi32>
        %parallel_loop3A_235 = arith.cmpi sge, %parallel_loop3A_233, %parallel_loop3A_234 : vector<16xi32>
        %parallel_loop3A_236 = arith.select %parallel_loop3A_235, %parallel_loop3A_229, %broadcast_in_dim3A_5 : vector<16xi1>, vector<16xf32>
        %parallel_loop3A_237 = arith.index_cast %parallel_loop3A_227 : i32 to index
        %parallel_loop3A_238 = tpu.vector_load %arg4[%parallel_loop3A_237] {strides = array<i32>} : memref<65536xf32, #tpu.memory_space<vmem>>, vector<16xf32>,
        tpu.vector_store %arg4[%parallel_loop3A_237], %parallel_loop3A_236 {strides = array<i32>} : memref<65536xf32, #tpu.memory_space<vmem>>, vector<16xf32>,
      } {sc.loop_unroll_factor = 8 : i64, sc.parallel_access}
      %dma_start3A_136 = arith.constant 0 : i32
      %dma_start3A_137 = tpu.memref_slice %arg4[%dma_start3A_136] : memref<65536xf32, #tpu.memory_space<vmem>> -> memref<16384xf32, #tpu.memory_space<vmem>>
      %dma_start3A_138 = arith.constant 0 : i32
      %dma_start3A_139 = tpu.memref_slice %arg3[%add3A_14, %dma_start3A_138] : memref<256x65536xf32, #tpu.memory_space<hbm>> -> memref<1x16384xf32, #tpu.memory_space<hbm>>
      %dma_start3A_140 = tpu.memref_squeeze %dma_start3A_139 : memref<1x16384xf32, #tpu.memory_space<hbm>> -> memref<16384xf32, #tpu.memory_space<hbm>>
      %dma_start3A_141 = arith.constant 0 : i32
      %dma_start3A_142 = tpu.memref_slice %arg3[%add3A_14, %dma_start3A_141] : memref<256x65536xf32, #tpu.memory_space<hbm>> -> memref<1x16384xf32, #tpu.memory_space<hbm>>
      %dma_start3A_143 = tpu.memref_squeeze %dma_start3A_142 : memref<1x16384xf32, #tpu.memory_space<hbm>> -> memref<16384xf32, #tpu.memory_space<hbm>>
      %dma_start3A_144 = arith.constant 0 : i32
      %dma_start3A_145 = tpu.memref_slice %arg4[%dma_start3A_144] : memref<65536xf32, #tpu.memory_space<vmem>> -> memref<16384xf32, #tpu.memory_space<vmem>>
      tpu.enqueue_dma source(%dma_start3A_145 : memref<16384xf32, #tpu.memory_space<vmem>>) target(%dma_start3A_143 : memref<16384xf32, #tpu.memory_space<hbm>>) target_semaphore(%arg9 : memref<!tpu.dma_semaphore, #tpu.memory_space<semaphore_mem>>)
      %parallel_loop3A_146 = arith.constant 1024 : i32
      %parallel_loop3A_147 = arith.constant 2048 : i32
      %parallel_loop3A_148 = arith.constant 1 : i32
      scf.for %parallel_loop3A_225 = %parallel_loop3A_146 to %parallel_loop3A_147 step %parallel_loop3A_148  : i32 {
        %parallel_loop3A_226 = arith.constant 16 : i32
        %parallel_loop3A_227 = arith.muli %parallel_loop3A_225, %parallel_loop3A_226 : i32
        %parallel_loop3A_228 = arith.index_cast %parallel_loop3A_227 : i32 to index
        %parallel_loop3A_229 = tpu.vector_load %arg4[%parallel_loop3A_228] {strides = array<i32>} : memref<65536xf32, #tpu.memory_space<vmem>>, vector<16xf32>,
        %parallel_loop3A_230 = tpu.bitcast %parallel_loop3A_229 : vector<16xf32> -> vector<16xi32>
        %parallel_loop3A_231 = arith.constant 2147483647 : i32
        %parallel_loop3A_232 = vector.broadcast %parallel_loop3A_231 : i32 to vector<16xi32>
        %parallel_loop3A_233 = arith.andi %parallel_loop3A_230, %parallel_loop3A_232 : vector<16xi32>
        %parallel_loop3A_234 = vector.broadcast %get3A_132 : i32 to vector<16xi32>
        %parallel_loop3A_235 = arith.cmpi sge, %parallel_loop3A_233, %parallel_loop3A_234 : vector<16xi32>
        %parallel_loop3A_236 = arith.select %parallel_loop3A_235, %parallel_loop3A_229, %broadcast_in_dim3A_5 : vector<16xi1>, vector<16xf32>
        %parallel_loop3A_237 = arith.index_cast %parallel_loop3A_227 : i32 to index
        %parallel_loop3A_238 = tpu.vector_load %arg4[%parallel_loop3A_237] {strides = array<i32>} : memref<65536xf32, #tpu.memory_space<vmem>>, vector<16xf32>,
        tpu.vector_store %arg4[%parallel_loop3A_237], %parallel_loop3A_236 {strides = array<i32>} : memref<65536xf32, #tpu.memory_space<vmem>>, vector<16xf32>,
      } {sc.loop_unroll_factor = 8 : i64, sc.parallel_access}
      %dma_start3A_149 = arith.constant 16384 : i32
      %dma_start3A_150 = tpu.memref_slice %arg4[%dma_start3A_149] : memref<65536xf32, #tpu.memory_space<vmem>> -> memref<16384xf32, #tpu.memory_space<vmem>>
      %dma_start3A_151 = arith.constant 16384 : i32
      %dma_start3A_152 = tpu.memref_slice %arg3[%add3A_14, %dma_start3A_151] : memref<256x65536xf32, #tpu.memory_space<hbm>> -> memref<1x16384xf32, #tpu.memory_space<hbm>>
      %dma_start3A_153 = tpu.memref_squeeze %dma_start3A_152 : memref<1x16384xf32, #tpu.memory_space<hbm>> -> memref<16384xf32, #tpu.memory_space<hbm>>
      %dma_start3A_154 = arith.constant 16384 : i32
      %dma_start3A_155 = tpu.memref_slice %arg3[%add3A_14, %dma_start3A_154] : memref<256x65536xf32, #tpu.memory_space<hbm>> -> memref<1x16384xf32, #tpu.memory_space<hbm>>
      %dma_start3A_156 = tpu.memref_squeeze %dma_start3A_155 : memref<1x16384xf32, #tpu.memory_space<hbm>> -> memref<16384xf32, #tpu.memory_space<hbm>>
      %dma_start3A_157 = arith.constant 16384 : i32
      %dma_start3A_158 = tpu.memref_slice %arg4[%dma_start3A_157] : memref<65536xf32, #tpu.memory_space<vmem>> -> memref<16384xf32, #tpu.memory_space<vmem>>
      tpu.enqueue_dma source(%dma_start3A_158 : memref<16384xf32, #tpu.memory_space<vmem>>) target(%dma_start3A_156 : memref<16384xf32, #tpu.memory_space<hbm>>) target_semaphore(%arg9 : memref<!tpu.dma_semaphore, #tpu.memory_space<semaphore_mem>>)
      %parallel_loop3A_159 = arith.constant 2048 : i32
      %parallel_loop3A_160 = arith.constant 3072 : i32
      %parallel_loop3A_161 = arith.constant 1 : i32
      scf.for %parallel_loop3A_225 = %parallel_loop3A_159 to %parallel_loop3A_160 step %parallel_loop3A_161  : i32 {
        %parallel_loop3A_226 = arith.constant 16 : i32
        %parallel_loop3A_227 = arith.muli %parallel_loop3A_225, %parallel_loop3A_226 : i32
        %parallel_loop3A_228 = arith.index_cast %parallel_loop3A_227 : i32 to index
        %parallel_loop3A_229 = tpu.vector_load %arg4[%parallel_loop3A_228] {strides = array<i32>} : memref<65536xf32, #tpu.memory_space<vmem>>, vector<16xf32>,
        %parallel_loop3A_230 = tpu.bitcast %parallel_loop3A_229 : vector<16xf32> -> vector<16xi32>
        %parallel_loop3A_231 = arith.constant 2147483647 : i32
        %parallel_loop3A_232 = vector.broadcast %parallel_loop3A_231 : i32 to vector<16xi32>
        %parallel_loop3A_233 = arith.andi %parallel_loop3A_230, %parallel_loop3A_232 : vector<16xi32>
        %parallel_loop3A_234 = vector.broadcast %get3A_132 : i32 to vector<16xi32>
        %parallel_loop3A_235 = arith.cmpi sge, %parallel_loop3A_233, %parallel_loop3A_234 : vector<16xi32>
        %parallel_loop3A_236 = arith.select %parallel_loop3A_235, %parallel_loop3A_229, %broadcast_in_dim3A_5 : vector<16xi1>, vector<16xf32>
        %parallel_loop3A_237 = arith.index_cast %parallel_loop3A_227 : i32 to index
        %parallel_loop3A_238 = tpu.vector_load %arg4[%parallel_loop3A_237] {strides = array<i32>} : memref<65536xf32, #tpu.memory_space<vmem>>, vector<16xf32>,
        tpu.vector_store %arg4[%parallel_loop3A_237], %parallel_loop3A_236 {strides = array<i32>} : memref<65536xf32, #tpu.memory_space<vmem>>, vector<16xf32>,
      } {sc.loop_unroll_factor = 8 : i64, sc.parallel_access}
      %dma_start3A_162 = arith.constant 32768 : i32
      %dma_start3A_163 = tpu.memref_slice %arg4[%dma_start3A_162] : memref<65536xf32, #tpu.memory_space<vmem>> -> memref<16384xf32, #tpu.memory_space<vmem>>
      %dma_start3A_164 = arith.constant 32768 : i32
      %dma_start3A_165 = tpu.memref_slice %arg3[%add3A_14, %dma_start3A_164] : memref<256x65536xf32, #tpu.memory_space<hbm>> -> memref<1x16384xf32, #tpu.memory_space<hbm>>
      %dma_start3A_166 = tpu.memref_squeeze %dma_start3A_165 : memref<1x16384xf32, #tpu.memory_space<hbm>> -> memref<16384xf32, #tpu.memory_space<hbm>>
      %dma_start3A_167 = arith.constant 32768 : i32
      %dma_start3A_168 = tpu.memref_slice %arg3[%add3A_14, %dma_start3A_167] : memref<256x65536xf32, #tpu.memory_space<hbm>> -> memref<1x16384xf32, #tpu.memory_space<hbm>>
      %dma_start3A_169 = tpu.memref_squeeze %dma_start3A_168 : memref<1x16384xf32, #tpu.memory_space<hbm>> -> memref<16384xf32, #tpu.memory_space<hbm>>
      %dma_start3A_170 = arith.constant 32768 : i32
      %dma_start3A_171 = tpu.memref_slice %arg4[%dma_start3A_170] : memref<65536xf32, #tpu.memory_space<vmem>> -> memref<16384xf32, #tpu.memory_space<vmem>>
      tpu.enqueue_dma source(%dma_start3A_171 : memref<16384xf32, #tpu.memory_space<vmem>>) target(%dma_start3A_169 : memref<16384xf32, #tpu.memory_space<hbm>>) target_semaphore(%arg9 : memref<!tpu.dma_semaphore, #tpu.memory_space<semaphore_mem>>)
      %parallel_loop3A_172 = arith.constant 3072 : i32
      %parallel_loop3A_173 = arith.constant 4096 : i32
      %parallel_loop3A_174 = arith.constant 1 : i32
      scf.for %parallel_loop3A_225 = %parallel_loop3A_172 to %parallel_loop3A_173 step %parallel_loop3A_174  : i32 {
        %parallel_loop3A_226 = arith.constant 16 : i32
        %parallel_loop3A_227 = arith.muli %parallel_loop3A_225, %parallel_loop3A_226 : i32
        %parallel_loop3A_228 = arith.index_cast %parallel_loop3A_227 : i32 to index
        %parallel_loop3A_229 = tpu.vector_load %arg4[%parallel_loop3A_228] {strides = array<i32>} : memref<65536xf32, #tpu.memory_space<vmem>>, vector<16xf32>,
        %parallel_loop3A_230 = tpu.bitcast %parallel_loop3A_229 : vector<16xf32> -> vector<16xi32>
        %parallel_loop3A_231 = arith.constant 2147483647 : i32
        %parallel_loop3A_232 = vector.broadcast %parallel_loop3A_231 : i32 to vector<16xi32>
        %parallel_loop3A_233 = arith.andi %parallel_loop3A_230, %parallel_loop3A_232 : vector<16xi32>
        %parallel_loop3A_234 = vector.broadcast %get3A_132 : i32 to vector<16xi32>
        %parallel_loop3A_235 = arith.cmpi sge, %parallel_loop3A_233, %parallel_loop3A_234 : vector<16xi32>
        %parallel_loop3A_236 = arith.select %parallel_loop3A_235, %parallel_loop3A_229, %broadcast_in_dim3A_5 : vector<16xi1>, vector<16xf32>
        %parallel_loop3A_237 = arith.index_cast %parallel_loop3A_227 : i32 to index
        %parallel_loop3A_238 = tpu.vector_load %arg4[%parallel_loop3A_237] {strides = array<i32>} : memref<65536xf32, #tpu.memory_space<vmem>>, vector<16xf32>,
        tpu.vector_store %arg4[%parallel_loop3A_237], %parallel_loop3A_236 {strides = array<i32>} : memref<65536xf32, #tpu.memory_space<vmem>>, vector<16xf32>,
      } {sc.loop_unroll_factor = 8 : i64, sc.parallel_access}
      %dma_start3A_175 = arith.constant 49152 : i32
      %dma_start3A_176 = tpu.memref_slice %arg4[%dma_start3A_175] : memref<65536xf32, #tpu.memory_space<vmem>> -> memref<16384xf32, #tpu.memory_space<vmem>>
      %dma_start3A_177 = arith.constant 49152 : i32
      %dma_start3A_178 = tpu.memref_slice %arg3[%add3A_14, %dma_start3A_177] : memref<256x65536xf32, #tpu.memory_space<hbm>> -> memref<1x16384xf32, #tpu.memory_space<hbm>>
      %dma_start3A_179 = tpu.memref_squeeze %dma_start3A_178 : memref<1x16384xf32, #tpu.memory_space<hbm>> -> memref<16384xf32, #tpu.memory_space<hbm>>
      %dma_start3A_180 = arith.constant 49152 : i32
      %dma_start3A_181 = tpu.memref_slice %arg3[%add3A_14, %dma_start3A_180] : memref<256x65536xf32, #tpu.memory_space<hbm>> -> memref<1x16384xf32, #tpu.memory_space<hbm>>
      %dma_start3A_182 = tpu.memref_squeeze %dma_start3A_181 : memref<1x16384xf32, #tpu.memory_space<hbm>> -> memref<16384xf32, #tpu.memory_space<hbm>>
      %dma_start3A_183 = arith.constant 49152 : i32
      %dma_start3A_184 = tpu.memref_slice %arg4[%dma_start3A_183] : memref<65536xf32, #tpu.memory_space<vmem>> -> memref<16384xf32, #tpu.memory_space<vmem>>
      tpu.enqueue_dma source(%dma_start3A_184 : memref<16384xf32, #tpu.memory_space<vmem>>) target(%dma_start3A_182 : memref<16384xf32, #tpu.memory_space<hbm>>) target_semaphore(%arg9 : memref<!tpu.dma_semaphore, #tpu.memory_space<semaphore_mem>>)
      %dma_wait3A_185 = arith.constant 0 : i32
      %dma_wait3A_186 = tpu.memref_slice %arg4[%dma_wait3A_185] : memref<65536xf32, #tpu.memory_space<vmem>> -> memref<16384xf32, #tpu.memory_space<vmem>>
      %dma_wait3A_187 = arith.constant 0 : i32
      %dma_wait3A_188 = tpu.memref_slice %arg3[%add3A_14, %dma_wait3A_187] : memref<256x65536xf32, #tpu.memory_space<hbm>> -> memref<1x16384xf32, #tpu.memory_space<hbm>>
      %dma_wait3A_189 = tpu.memref_squeeze %dma_wait3A_188 : memref<1x16384xf32, #tpu.memory_space<hbm>> -> memref<16384xf32, #tpu.memory_space<hbm>>
      %dma_wait3A_190 = arith.constant 0 : i32
      %dma_wait3A_191 = tpu.memref_slice %arg3[%add3A_14, %dma_wait3A_190] : memref<256x65536xf32, #tpu.memory_space<hbm>> -> memref<1x16384xf32, #tpu.memory_space<hbm>>
      %dma_wait3A_192 = tpu.memref_squeeze %dma_wait3A_191 : memref<1x16384xf32, #tpu.memory_space<hbm>> -> memref<16384xf32, #tpu.memory_space<hbm>>
      %dma_wait3A_193 = arith.constant 0 : i32
      %dma_wait3A_194 = tpu.memref_slice %arg4[%dma_wait3A_193] : memref<65536xf32, #tpu.memory_space<vmem>> -> memref<16384xf32, #tpu.memory_space<vmem>>
      tpu.wait_dma2 semaphore(%arg9 : memref<!tpu.dma_semaphore, #tpu.memory_space<semaphore_mem>>) src(%dma_wait3A_194 : memref<16384xf32, #tpu.memory_space<vmem>>) dst(%dma_wait3A_192 : memref<16384xf32, #tpu.memory_space<hbm>>)
      %dma_wait3A_195 = arith.constant 16384 : i32
      %dma_wait3A_196 = tpu.memref_slice %arg4[%dma_wait3A_195] : memref<65536xf32, #tpu.memory_space<vmem>> -> memref<16384xf32, #tpu.memory_space<vmem>>
      %dma_wait3A_197 = arith.constant 16384 : i32
      %dma_wait3A_198 = tpu.memref_slice %arg3[%add3A_14, %dma_wait3A_197] : memref<256x65536xf32, #tpu.memory_space<hbm>> -> memref<1x16384xf32, #tpu.memory_space<hbm>>
      %dma_wait3A_199 = tpu.memref_squeeze %dma_wait3A_198 : memref<1x16384xf32, #tpu.memory_space<hbm>> -> memref<16384xf32, #tpu.memory_space<hbm>>
      %dma_wait3A_200 = arith.constant 16384 : i32
      %dma_wait3A_201 = tpu.memref_slice %arg3[%add3A_14, %dma_wait3A_200] : memref<256x65536xf32, #tpu.memory_space<hbm>> -> memref<1x16384xf32, #tpu.memory_space<hbm>>
      %dma_wait3A_202 = tpu.memref_squeeze %dma_wait3A_201 : memref<1x16384xf32, #tpu.memory_space<hbm>> -> memref<16384xf32, #tpu.memory_space<hbm>>
      %dma_wait3A_203 = arith.constant 16384 : i32
      %dma_wait3A_204 = tpu.memref_slice %arg4[%dma_wait3A_203] : memref<65536xf32, #tpu.memory_space<vmem>> -> memref<16384xf32, #tpu.memory_space<vmem>>
      tpu.wait_dma2 semaphore(%arg9 : memref<!tpu.dma_semaphore, #tpu.memory_space<semaphore_mem>>) src(%dma_wait3A_204 : memref<16384xf32, #tpu.memory_space<vmem>>) dst(%dma_wait3A_202 : memref<16384xf32, #tpu.memory_space<hbm>>)
      %dma_wait3A_205 = arith.constant 32768 : i32
      %dma_wait3A_206 = tpu.memref_slice %arg4[%dma_wait3A_205] : memref<65536xf32, #tpu.memory_space<vmem>> -> memref<16384xf32, #tpu.memory_space<vmem>>
      %dma_wait3A_207 = arith.constant 32768 : i32
      %dma_wait3A_208 = tpu.memref_slice %arg3[%add3A_14, %dma_wait3A_207] : memref<256x65536xf32, #tpu.memory_space<hbm>> -> memref<1x16384xf32, #tpu.memory_space<hbm>>
      %dma_wait3A_209 = tpu.memref_squeeze %dma_wait3A_208 : memref<1x16384xf32, #tpu.memory_space<hbm>> -> memref<16384xf32, #tpu.memory_space<hbm>>
      %dma_wait3A_210 = arith.constant 32768 : i32
      %dma_wait3A_211 = tpu.memref_slice %arg3[%add3A_14, %dma_wait3A_210] : memref<256x65536xf32, #tpu.memory_space<hbm>> -> memref<1x16384xf32, #tpu.memory_space<hbm>>
      %dma_wait3A_212 = tpu.memref_squeeze %dma_wait3A_211 : memref<1x16384xf32, #tpu.memory_space<hbm>> -> memref<16384xf32, #tpu.memory_space<hbm>>
      %dma_wait3A_213 = arith.constant 32768 : i32
      %dma_wait3A_214 = tpu.memref_slice %arg4[%dma_wait3A_213] : memref<65536xf32, #tpu.memory_space<vmem>> -> memref<16384xf32, #tpu.memory_space<vmem>>
      tpu.wait_dma2 semaphore(%arg9 : memref<!tpu.dma_semaphore, #tpu.memory_space<semaphore_mem>>) src(%dma_wait3A_214 : memref<16384xf32, #tpu.memory_space<vmem>>) dst(%dma_wait3A_212 : memref<16384xf32, #tpu.memory_space<hbm>>)
      %dma_wait3A_215 = arith.constant 49152 : i32
      %dma_wait3A_216 = tpu.memref_slice %arg4[%dma_wait3A_215] : memref<65536xf32, #tpu.memory_space<vmem>> -> memref<16384xf32, #tpu.memory_space<vmem>>
      %dma_wait3A_217 = arith.constant 49152 : i32
      %dma_wait3A_218 = tpu.memref_slice %arg3[%add3A_14, %dma_wait3A_217] : memref<256x65536xf32, #tpu.memory_space<hbm>> -> memref<1x16384xf32, #tpu.memory_space<hbm>>
      %dma_wait3A_219 = tpu.memref_squeeze %dma_wait3A_218 : memref<1x16384xf32, #tpu.memory_space<hbm>> -> memref<16384xf32, #tpu.memory_space<hbm>>
      %dma_wait3A_220 = arith.constant 49152 : i32
      %dma_wait3A_221 = tpu.memref_slice %arg3[%add3A_14, %dma_wait3A_220] : memref<256x65536xf32, #tpu.memory_space<hbm>> -> memref<1x16384xf32, #tpu.memory_space<hbm>>
      %dma_wait3A_222 = tpu.memref_squeeze %dma_wait3A_221 : memref<1x16384xf32, #tpu.memory_space<hbm>> -> memref<16384xf32, #tpu.memory_space<hbm>>
      %dma_wait3A_223 = arith.constant 49152 : i32
      %dma_wait3A_224 = tpu.memref_slice %arg4[%dma_wait3A_223] : memref<65536xf32, #tpu.memory_space<vmem>> -> memref<16384xf32, #tpu.memory_space<vmem>>
      tpu.wait_dma2 semaphore(%arg9 : memref<!tpu.dma_semaphore, #tpu.memory_space<semaphore_mem>>) src(%dma_wait3A_224 : memref<16384xf32, #tpu.memory_space<vmem>>) dst(%dma_wait3A_222 : memref<16384xf32, #tpu.memory_space<hbm>>)
    }
    %scan3A_10 = arith.constant 8 : i32
    return
  }
}

</mosaic_0001>

<sc_bundles>
// kernel: kernel.3.cloned.1.call-start
scs
__scs_entry_jumppad:
0x0: {  	(pc) =	sbr.rel $0x88, $3  }
0x1: {  	(tag) =	ssettag $0x0;
	lr =	simm.s32 $0x1  }
0x2: {  	[smem:$0x3FA0] =	sst lr;
	_ =	strace $0xD0000000  }
0x3: {  	_ = 	snop  }
0x4: {  	_ = 	snop  }
0x5: {  	_ = 	snop  }
0x6: {  	_ = 	snop  }
0x7: {  	_ = 	snop  }
__scs_overlays_trampoline_lowered:
0x8: {  	[smem:$0x3FAF] =	sst s0  }
0x9: {  	[smem:$0x3FB0] =	sst s1  }
0xa: {  	[smem:$0x3FB1] =	sst s2  }
0xb: {  	[smem:$0x3FB2] =	sst s3  }
0xc: {  	[smem:$0x3FB3] =	sst s4  }
0xd: {  	[smem:$0x3FB4] =	sst s5  }
0xe: {  	[smem:$0x3FB5] =	sst s6  }
0xf: {  	[smem:$0x3FB6] =	sst s7  }
0x10: {  	[smem:$0x3FB7] =	sst s8  }
0x11: {  	[smem:$0x3FB8] =	sst s9;
	s0 =	simm.s32 @!p0 $0x0  }
0x12: {  	s1 =	sld [smem:$0x3F9E];
	s0 =	simm.s32 @p0 $0x1  }
0x13: {  	[smem:$0x3FB9] =	sst s0;
	s0 =	simm.s32 @!p1 $0x0  }
0x14: {  	s2 =	sld [smem:$0x3F9D];
	s0 =	simm.s32 @p1 $0x1  }
0x15: {  	[smem:$0x3FBA] =	sst s0;
	s0 =	simm.s32 @!p2 $0x0  }
0x16: {  	s3 =	sld [smem:$0x3FDB];
	s0 =	simm.s32 @p2 $0x1  }
0x17: {  	s4 =	simm.s32 $0x1BF5;
	[smem:$0x3FBC] =	sst s0  }
0x18: {  	s0 =	sld [smem:$0x3F9F];
	_ =	swait.ge [sflag:s4], $0x0  }
0x19: {  	s7 =	sld [smem:$0x3FA0]  }
0x1a: {  	s8 =	sadd.s32 $0xFFFFE003, lr  }
0x1b: {  	s9 =	sadd.s32 $0xFFFFFEF7, lr;
	s5 =	simm.s32 $0xFFFFFFFF;
	p2 =	slt.u32 s8, $0xFFFFF086  }
0x1c: {  	p1 =	slt.u32 s9, $0xF7A;
	s5 =	simm.s32 @!p2 $0x0  }
0x1d: {  	s5 =	simm.s32 @p1 $0x1;
	p0 =	seq.s32 s7, s2  }
0x1e: {  	s7 =	smul.u32 @!p0 $0xF7A, s2;
	p2 =	seq.s32 @!p0 s5, $0x0  }
0x1f: {  	s9 =	smul.u32 $0xF7A, s1;
	s8 =	simm.s32 @!p0 $0x1BF5;
	p2 =	por !p2, p0  }
0x20: {  	[sflag:s8] =	ssyncset.s32 @!p0 $0xFFFFF086;
	s6 =	sadd.s32 @!p0 s3, s7;
	s7 =	simm.s32 @!p0 $0x108  }
0x21: {  	s3 =	sadd.s32 s3, s9;
	s6 =	sadd.s32 @!p0 $0x88, s6;
	s7 =	simm.s32 @p2 $0x1082  }
0x22: {  	[simem:s7], [sflag:s8] =	dma.local @!p0 [hbm:s6], $0xF7A  }
0x23: {  	s9 =	sor.u32 $0xD0000000, s2;
	s6 =	simm.s32 $0x108;
	_ =	swait.ge @!p0 [sflag:s8], $0x0  }
0x24: {  	s3 =	sadd.s32 $0x88, s3;
	s6 =	simm.s32 @!p1 $0x1082;
	[sflag:s4] =	ssyncset.s32 $0xFFFFF086  }
0x25: {  	[simem:s6], [sflag:s4] =	dma.local [hbm:s3], $0xF7A  }
0x26: {  	[smem:$0x3FA0] =	sst s1;
	(tag) =	ssettag s2;
	_ =	strace s9  }
0x27: {  	s1 =	sld [smem:$0x3FB0]  }
0x28: {  	s2 =	sld [smem:$0x3FB1]  }
0x29: {  	s4 =	sld [smem:$0x3FB3]  }
0x2a: {  	p0 =	seq.s32 s5, $0x0;
	s5 =	sld [smem:$0x3FB4]  }
0x2b: {  	s6 =	sld [smem:$0x3FB5]  }
0x2c: {  	s7 =	sld [smem:$0x3FB6]  }
0x2d: {  	s3 =	simm.s32 $0x108;
	s8 =	sld [smem:$0x3FB7]  }
0x2e: {  	s3 =	simm.s32 @!p0 $0x1082;
	s9 =	sld [smem:$0x3FB8]  }
0x2f: {  	lr =	sadd.s32 s0, s3;
	s0 =	sld [smem:$0x3FAF]  }
0x30: {  	s3 =	sld [smem:$0x3FB2]  }
0x31: {  	[smem:$0x3FBB] =	sst s10  }
0x32: {  	s10 =	sld [smem:$0x3FB9];
	_ =	sdelay $0x3  }
0x33: {  	p0 =	seq.s32 s10, $0x1;
	s10 =	sld [smem:$0x3FBB];
	_ =	sdelay $0x3  }
0x34: {  	[smem:$0x3FBB] =	sst s10  }
0x35: {  	s10 =	sld [smem:$0x3FBA];
	_ =	sdelay $0x3  }
0x36: {  	p1 =	seq.s32 s10, $0x1;
	s10 =	sld [smem:$0x3FBB];
	_ =	sdelay $0x3  }
0x37: {  	[smem:$0x3FBB] =	sst s10  }
0x38: {  	s10 =	sld [smem:$0x3FBC]  }
0x39: {  	_ = 	snop;
	(pc) =	sbr.ind lr, $3  }
0x3a: {  	_ = 	snop  }
0x3b: {  	_ = 	snop  }
0x3c: {  	p2 =	seq.s32 s10, $0x1;
	s10 =	sld [smem:$0x3FBB]  }
0x3d: {  	_ =	shalt  }
0x3e: {  	_ =	shalt  }
0x3f: {  	_ =	shalt  }
0x40: {  	_ =	shalt  }
0x41: {  	_ =	shalt  }
0x42: {  	_ =	shalt  }
0x43: {  	_ =	shalt  }
0x44: {  	_ =	shalt  }
0x45: {  	_ =	shalt  }
0x46: {  	_ =	shalt  }
0x47: {  	_ =	shalt  }
0x48: {  	_ =	shalt  }
0x49: {  	_ =	shalt  }
0x4a: {  	_ =	shalt  }
0x4b: {  	_ =	shalt  }
0x4c: {  	_ =	shalt  }
0x4d: {  	_ =	shalt  }
0x4e: {  	_ =	shalt  }
0x4f: {  	_ =	shalt  }
0x50: {  	_ =	shalt  }
0x51: {  	_ =	shalt  }
0x52: {  	_ =	shalt  }
0x53: {  	_ =	shalt  }
0x54: {  	_ =	shalt  }
0x55: {  	_ =	shalt  }
0x56: {  	_ =	shalt  }
0x57: {  	_ =	shalt  }
0x58: {  	_ =	shalt  }
0x59: {  	_ =	shalt  }
0x5a: {  	_ =	shalt  }
0x5b: {  	_ =	shalt  }
0x5c: {  	_ =	shalt  }
0x5d: {  	_ =	shalt  }
0x5e: {  	_ =	shalt  }
0x5f: {  	_ =	shalt  }
0x60: {  	_ =	shalt  }
0x61: {  	_ =	shalt  }
0x62: {  	_ =	shalt  }
0x63: {  	_ =	shalt  }
0x64: {  	_ =	shalt  }
0x65: {  	_ =	shalt  }
0x66: {  	_ =	shalt  }
0x67: {  	_ =	shalt  }
0x68: {  	_ =	shalt  }
0x69: {  	_ =	shalt  }
0x6a: {  	_ =	shalt  }
0x6b: {  	_ =	shalt  }
0x6c: {  	_ =	shalt  }
0x6d: {  	_ =	shalt  }
0x6e: {  	_ =	shalt  }
0x6f: {  	_ =	shalt  }
0x70: {  	_ =	shalt  }
0x71: {  	_ =	shalt  }
0x72: {  	_ =	shalt  }
0x73: {  	_ =	shalt  }
0x74: {  	_ =	shalt  }
0x75: {  	_ =	shalt  }
0x76: {  	_ =	shalt  }
0x77: {  	_ =	shalt  }
0x78: {  	_ =	shalt  }
0x79: {  	_ =	shalt  }
0x7a: {  	_ =	shalt  }
0x7b: {  	_ =	shalt  }
0x7c: {  	_ =	shalt  }
0x7d: {  	_ =	shalt  }
0x7e: {  	_ =	shalt  }
0x7f: {  	_ =	shalt  }
0x80: {  	_ =	shalt  }
0x81: {  	_ =	shalt  }
0x82: {  	_ =	shalt  }
0x83: {  	_ =	shalt  }
0x84: {  	_ =	shalt  }
0x85: {  	_ =	shalt  }
0x86: {  	_ =	shalt  }
0x87: {  	_ =	shalt  }
.Lfunc_end0:
.L_simem_size_0:
called_computation_lowered:
.L_overlay_start_0:
0x88: {  	s2 =	sld [smem:$0x3FD9]  }
0x89: {  	s3 =	sld [smem:$0x3FFE];
	_ =	sdelay $0x1  }
0x8a: {  	s1 =	srdreg.scid  }
0x8b: {  	s0 =	sand.u32 $0x1, s1  }
0x8c: {  	s17 =	sshll.u32 s0, $0xA;
	s2 =	sadd.s32 s3, s2  }
0x8d: {  	s2 =	sadd.s32 s2, s17  }
0x8e: {  	[smem:$0x3FC7] =	sst s2  }
0x8f: {  	_ = 	snop  }
0x90: {  	s2 =	sld [smem:$0x3FD0];
	(tm) =	ssettm $0x1  }
0x91: {  	s18 =	sld [smem:$0x3FFB];
	_ =	sdelay $0x3  }
0x92: {  	_ =	strace s18  }
0x93: {  	s3 =	sld [smem:$0x3FFC];
	_ =	sdelay $0x3  }
0x94: {  	_ =	strace s3  }
0x95: {  	s3 =	sld [smem:$0x3FFD];
	_ =	sdelay $0x3  }
0x96: {  	_ =	strace s3  }
0x97: {  	_ =	strace $0x8FFFFFFF  }
0x98: {  	s19 =	sld [smem:$0x3FDB];
	_ =	sdelay $0x1  }
0x99: {  	s4 =	simm.s32 $_scs_section_size  }
0x9a: {  	s5 =	simm.s32 $_size__tile_overlayer_lowered;
	s6 =	simm.s32 $_tile_overlayer_lowered  }
0x9b: {  	s22 =	simm.s32 $0x1BFF;
	s21 =	sshll.u32 s6, $0x1;
	s3 =	sadd.s32 s4, s19  }
0x9c: {  	s7 =	simm.s32 $0x0;
	s20 =	sshll.u32 s5, $0x1;
	s5 =	sadd.s32 s21, s3  }
0x9d: {  	[timem:s7], [sflag:s22] =	dma.local [hbm:s5], s20  }
0x9e: {  	_ =	swait.ge [sflag:s22], s20  }
0x9f: {  	s4 =	ssub.s32 $0x0, s20;
	[sflag:s22] =	ssyncset.done $0x0  }
0xa0: {  	[sflag:s22] =	ssyncadd.s32 s4;
	_ =	sdelay $0x1  }
0xa1: {  	s23 =	simm.s32 $0x1B8B  }
0xa2: {  	_ =	swait.ge [sflag:s23], $0x1  }
0xa3: {  	[sflag:s23] =	ssyncset.done $0x0  }
0xa4: {  	s25 =	simm.s32 $0x1B8E;
	s24 =	sld [smem:$0x3FFE];
	[sflag:s23] =	ssyncadd.s32 $0xFFFFFFFF  }
0xa5: {  	s26 =	simm.s32 $execute0_lowered;
	[smem:$0x3FD2] =	sst s25  }
0xa6: {  	s5 =	sshll.u32 s26, $0x1;
	_ =	strace $0x80000046;
	[dreg:$0x1] =	wrdreg $0xFFFFFFFF  }
0xa7: {  	s28 =	simm.s32 $_size_execute0_lowered;
	s3 =	sadd.s32 s3, s5;
	[dreg:$0x0] =	wrdreg $0x0  }
0xa8: {  	s5 =	sshll.u32 s28, $0x1;
	[dreg:$0x2] =	wrdreg s3  }
0xa9: {  	[dreg:$0x3] =	wrdreg s5  }
0xaa: {  	[dreg:$0x4] =	wrdreg $0xC0  }
0xab: {  	_ =	task [dreg:s7], $0x5FFFF  }
0xac: {  	[dreg:$0x1] =	wrdreg $0xFFFFFFFF  }
0xad: {  	[dreg:$0x0] =	wrdreg $0x60  }
0xae: {  	[dreg:$0x2] =	wrdreg s2  }
0xaf: {  	[dreg:$0x3] =	wrdreg s24  }
0xb0: {  	[dreg:$0x4] =	wrdreg $0x9  }
0xb1: {  	_ =	task.clear_ibuf [dreg:s7], $0x5FFFF;
	_ =	strace $0x90000046  }
0xb2: {  	s29 =	simm.s32 $0x9;
	_ =	strace $0x80000048  }
0xb3: {  	_ =	swait.ge [sflag:s29], $0x1  }
0xb4: {  	[sflag:s29] =	ssyncadd.s32 $0xFFFFFFFF  }
0xb5: {  	_ =	strace $0x90000048  }
0xb6: {  	_ =	sfence  }
0xb7: {  	s30 =	sld [smem:$0x0];
	_ =	sdelay $0x2  }
0xb8: {  	s31 =	sshll.u32 s1, $0xD;
	s1 =	sshrl.u32 s1, $0x2  }
0xb9: {  	s3 =	sand.u32 $0x4000, s31;
	s1 =	sadd.s32 s1, s30  }
0xba: {  	s0 =	sor.u32 s3, s0;
	s1 =	sshll.u32 s1, $0x11  }
0xbb: {  	s0 =	sor.u32 s1, s0  }
0xbc: {  	s0 =	sadd.s32 $0x8F2B, s0  }
0xbd: {  	[sflag:s0] =	ssyncadd.remote.s32 $0x1  }
0xbe: {  	_ =	sfence.sel $0xFFFF  }
0xbf: {  	[dreg:$0x0] =	wrdreg $0xFFFFFFFF;
	(pc) =	sbr.abs _section_cstart, $3  }
0xc0: {  	[dreg:$0x1] =	wrdreg $0xFFFFFFFF  }
0xc1: {  	_ =	task.clear_ibuf [dreg:s7], $0x2FFFF;
	_ =	strace $0x9FFFFFFF  }
0xc2: {  	(tm) =	ssettm $0x7FFFFFFF  }
0xc3: {  	_ =	shalt  }
tec
execute0_lowered:
.L_overlay_start_1:
0x0: {  	(tag) =	ssettag $0x1  }
0x1: {  	s1 =	rddreg [dreg:$0x0]  }
0x2: {  	s0 =	rddreg [dreg:$0x1]  }
0x3: {  	s3 =	srdreg.scid;
	s2 =	simm.s32 $0x0;
	s30 =	stileid.u32  }
0x4: {  	s8 =	simm.s32 $0x400;
	s9 =	simm.s32 $0x4000;
	s10 =	simm.s32 $0x1  }
0x5: {  	s11 =	simm.s32 $0x14080;
	s12 =	simm.s32 $0x8000;
	s13 =	simm.s32 $0xC000  }
.Ltmp0:
0x6: {  	s14 =	simm.s32 $0x2;
	s4 =	sand.u32 $0x1, s3;
	(pc) =	sbr.rel .LBB2_1-.Ltmp0, $4  }
0x7: {  	s15 =	simm.s32 $0x0;
	[smem:$0x7FF] =	sst s2;
	s5 =	ssub.s32 $0x2, s4  }
0x8: {  	s31 =	sshll.u32 s30, $0x11;
	_ =	strace $0x80000047;
	s6 =	sshrl.u32 s5, $0x1  }
0x9: {  	s7 =	sshll.u32 s4, $0x10;
	s4 =	sadd.s32 $0x400, s0;
	s6 =	ssub.s32 s5, s6  }
0xa: {  	v0 =	vimm.s32 $0x0;
	v1 =	vimm.s32 $0x1;
	v2 =	vlaneseq.u32;
	s5 =	sor.u32 s7, s31;
	s7 =	simm.s32 $0x80;
	s6 =	smax.u32 s6, $0x1  }
.LBB2_64:
0xb: {  	s15 =	sadd.s32 $0x1, s15  }
0xc: {  	p0 =	sne.s32 s15, s6  }
.Ltmp1:
0xd: {  	_ = 	snop;
	(pc) =	sbr.rel @!p0 .LBB2_65-.Ltmp1, $1  }
0xe: {  	_ =	sdelay $0x3  }
.LBB2_1:
0xf: {  	s16 =	simm.s32 $0x0  }
.LBB2_2:
0x10: {  	s0 =	sshll.u32 s16, $0x4  }
0x11: {  	s20 =	sadd.s32 s5, s0  }
0x12: {  	s0 =	sadd.s32 s1, s20  }
0x13: {  	[tilespmem:s2], [sflag:$0x1] =	stream.strided.gather [hbm4b:s0+s7], $0x4000, s8, s7, $0x38;
	[tilespmem:$0x14880] =	vst v63  }
0x14: {  	s0 =	simm.s32 $0x140C0  }
0x15: {  	[tilespmem:s0+$0xFFFFFFC0] =	vst v0  }
0x16: {  	[tilespmem:s0+$0x30] =	vst v0  }
0x17: {  	[tilespmem:s0+$0x20] =	vst v0  }
0x18: {  	[tilespmem:s0+$0x10] =	vst v0  }
0x19: {  	[tilespmem:s0+$0x0] =	vst v0  }
0x1a: {  	[tilespmem:s0+$0xFFFFFFF0] =	vst v0  }
0x1b: {  	s17 =	simm.s32 $0x0;
	[tilespmem:s0+$0xFFFFFFE0] =	vst v0  }
.LBB2_3:
0x1c: {  	s17 =	sadd.s32 $0x8, s17;
	[tilespmem:s0+$0xFFFFFFD0] =	vst v0;
	s0 =	sadd.s32 $0x80, s0  }
0x1d: {  	[tilespmem:s0+$0xFFFFFFC0] =	vst v0;
	p0 =	slt.u32 s17, $0x78  }
0x1e: {  	[tilespmem:s0+$0x30] =	vst v0  }
.Ltmp2:
0x1f: {  	[tilespmem:s0+$0x20] =	vst v0;
	(pc) =	sbr.rel @p0 .LBB2_3-.Ltmp2, $4  }
0x20: {  	[tilespmem:s0+$0x10] =	vst v0  }
0x21: {  	[tilespmem:s0+$0x0] =	vst v0  }
0x22: {  	[tilespmem:s0+$0xFFFFFFF0] =	vst v0  }
0x23: {  	[tilespmem:s0+$0xFFFFFFE0] =	vst v0  }
0x24: {  	s19 =	sor.u32 $0x4000, s20  }
0x25: {  	[tilespmem:s0+$0xFFFFFFD0] =	vst v0;
	s30 =	sadd.s32 s1, s19  }
0x26: {  	[tilespmem:s9], [sflag:$0x1] =	stream.strided.gather [hbm4b:s30+s7], $0x4000, s8, s7, $0x38;
	[tilespmem:$0x14880] =	vst v63  }
0x27: {  	_ =	swait.ge [sflag:s10], $0x4000  }
0x28: {  	[sflag:s10] =	ssyncset.done $0x0  }
0x29: {  	s31 =	simm.s32 $0x40;
	[sflag:s10] =	ssyncadd.s32 $0xFFFFC000  }
0x2a: {  	v3 =	vld [tilespmem:s31+$0x30]  }
0x2b: {  	v4 =	vld [tilespmem:s31+$0xFFFFFFD0]  }
0x2c: {  	v5 =	vld [tilespmem:s31+$0xFFFFFFE0]  }
0x2d: {  	v6 =	vld [tilespmem:s31+$0xFFFFFFF0]  }
0x2e: {  	v7 =	vld [tilespmem:s31+$0x0]  }
0x2f: {  	v3 =	vshrl.u32 v3, $0x14  }
0x30: {  	v4 =	vshrl.u32 v4, $0x14;
	v3 =	vand.u32 $0x7FF, v3  }
0x31: {  	v8 =	vld [tilespmem:s31+$0x10];
	v5 =	vshrl.u32 v5, $0x14;
	v4 =	vand.u32 $0x7FF, v4  }
0x32: {  	v9 =	vld [tilespmem:s31+$0x20];
	v6 =	vshrl.u32 v6, $0x14;
	v5 =	vand.u32 $0x7FF, v5  }
0x33: {  	v10 =	vld [tilespmem:s31+$0xFFFFFFC0];
	v7 =	vshrl.u32 v7, $0x14;
	v6 =	vand.u32 $0x7FF, v6  }
0x34: {  	v7 =	vand.u32 $0x7FF, v7  }
0x35: {  	[tilespmem:v3+s11+$0x0] =	vst.idx.add.s32.msk $0xffff, v1  }
0x36: {  	[tilespmem:v4+s11+$0x0] =	vst.idx.add.s32.msk $0xffff, v1  }
0x37: {  	[tilespmem:v5+s11+$0x0] =	vst.idx.add.s32.msk $0xffff, v1  }
0x38: {  	v3 =	vshrl.u32 v8, $0x14;
	v4 =	vshrl.u32 v9, $0x14;
	v5 =	vshrl.u32 v10, $0x14;
	[tilespmem:v6+s11+$0x0] =	vst.idx.add.s32.msk $0xffff, v1  }
0x39: {  	s17 =	simm.s32 $0x0;
	s18 =	simm.s32 $0xC0;
	[tilespmem:v7+s11+$0x0] =	vst.idx.add.s32.msk $0xffff, v1;
	v3 =	vand.u32 $0x7FF, v3;
	v4 =	vand.u32 $0x7FF, v4;
	v5 =	vand.u32 $0x7FF, v5  }
.LBB2_5:
0x3a: {  	v6 =	vld [tilespmem:s18+$0x30];
	s17 =	sadd.s32 $0x8, s17  }
0x3b: {  	v7 =	vld [tilespmem:s18+$0xFFFFFFD0];
	p0 =	slt.u32 s17, $0x3F8  }
0x3c: {  	v8 =	vld [tilespmem:s18+$0xFFFFFFE0]  }
0x3d: {  	v9 =	vld [tilespmem:s18+$0xFFFFFFF0]  }
0x3e: {  	v10 =	vld [tilespmem:s18+$0x0]  }
0x3f: {  	v11 =	vld [tilespmem:s18+$0x10];
	v6 =	vshrl.u32 v6, $0x14  }
0x40: {  	v7 =	vshrl.u32 v7, $0x14;
	v12 =	vld [tilespmem:s18+$0x20];
	v6 =	vand.u32 $0x7FF, v6  }
0x41: {  	v13 =	vld [tilespmem:s18+$0xFFFFFFC0];
	v7 =	vand.u32 $0x7FF, v7;
	v8 =	vshrl.u32 v8, $0x14  }
0x42: {  	v8 =	vand.u32 $0x7FF, v8;
	v9 =	vshrl.u32 v9, $0x14;
	[tilespmem:v5+s11+$0x0] =	vst.idx.add.s32.msk $0xffff, v1  }
0x43: {  	v9 =	vand.u32 $0x7FF, v9;
	v5 =	vshrl.u32 v10, $0x14;
	[tilespmem:v3+s11+$0x0] =	vst.idx.add.s32.msk $0xffff, v1  }
0x44: {  	v10 =	vand.u32 $0x7FF, v5;
	v3 =	vshrl.u32 v11, $0x14;
	[tilespmem:v4+s11+$0x0] =	vst.idx.add.s32.msk $0xffff, v1  }
.Ltmp3:
0x45: {  	v3 =	vand.u32 $0x7FF, v3;
	v4 =	vshrl.u32 v12, $0x14;
	[tilespmem:v6+s11+$0x0] =	vst.idx.add.s32.msk $0xffff, v1;
	(pc) =	sbr.rel @p0 .LBB2_5-.Ltmp3, $4  }
0x46: {  	v5 =	vshrl.u32 v13, $0x14;
	[tilespmem:v7+s11+$0x0] =	vst.idx.add.s32.msk $0xffff, v1;
	v4 =	vand.u32 $0x7FF, v4  }
0x47: {  	v5 =	vand.u32 $0x7FF, v5;
	[tilespmem:v8+s11+$0x0] =	vst.idx.add.s32.msk $0xffff, v1  }
0x48: {  	[tilespmem:v9+s11+$0x0] =	vst.idx.add.s32.msk $0xffff, v1  }
0x49: {  	s18 =	sadd.s32 $0x80, s18;
	[tilespmem:v10+s11+$0x0] =	vst.idx.add.s32.msk $0xffff, v1  }
0x4a: {  	_ =	sdelay $0x3  }
0x4b: {  	[tilespmem:v5+s11+$0x0] =	vst.idx.add.s32.msk $0xffff, v1  }
0x4c: {  	[tilespmem:v3+s11+$0x0] =	vst.idx.add.s32.msk $0xffff, v1;
	s18 =	sor.u32 $0x8000, s20  }
0x4d: {  	[tilespmem:v4+s11+$0x0] =	vst.idx.add.s32.msk $0xffff, v1;
	s0 =	sadd.s32 s1, s18  }
0x4e: {  	[tilespmem:s12], [sflag:$0x1] =	stream.strided.gather [hbm4b:s0+s7], $0x4000, s8, s7, $0x38;
	[tilespmem:$0x14880] =	vst v63  }
0x4f: {  	_ =	swait.ge [sflag:s10], $0x4000  }
0x50: {  	[sflag:s10] =	ssyncset.done $0x0  }
0x51: {  	s31 =	simm.s32 $0x4070;
	[sflag:s10] =	ssyncadd.s32 $0xFFFFC000  }
0x52: {  	v3 =	vld [tilespmem:s31+$0x0]  }
0x53: {  	v4 =	vld [tilespmem:s31+$0xFFFFFFA0]  }
0x54: {  	v5 =	vld [tilespmem:s31+$0xFFFFFFB0]  }
0x55: {  	v6 =	vld [tilespmem:s31+$0xFFFFFFC0]  }
0x56: {  	v7 =	vld [tilespmem:s31+$0xFFFFFFD0]  }
0x57: {  	v3 =	vshrl.u32 v3, $0x14  }
0x58: {  	v4 =	vshrl.u32 v4, $0x14;
	v3 =	vand.u32 $0x7FF, v3  }
0x59: {  	v8 =	vld [tilespmem:s31+$0xFFFFFFE0];
	v5 =	vshrl.u32 v5, $0x14;
	v4 =	vand.u32 $0x7FF, v4  }
0x5a: {  	v9 =	vld [tilespmem:s31+$0xFFFFFFF0];
	v6 =	vshrl.u32 v6, $0x14;
	v5 =	vand.u32 $0x7FF, v5  }
0x5b: {  	v10 =	vld [tilespmem:s31+$0xFFFFFF90];
	v7 =	vshrl.u32 v7, $0x14;
	v6 =	vand.u32 $0x7FF, v6  }
0x5c: {  	v7 =	vand.u32 $0x7FF, v7  }
0x5d: {  	[tilespmem:v3+s11+$0x0] =	vst.idx.add.s32.msk $0xffff, v1  }
0x5e: {  	[tilespmem:v4+s11+$0x0] =	vst.idx.add.s32.msk $0xffff, v1  }
0x5f: {  	[tilespmem:v5+s11+$0x0] =	vst.idx.add.s32.msk $0xffff, v1  }
0x60: {  	v3 =	vshrl.u32 v8, $0x14;
	v4 =	vshrl.u32 v9, $0x14;
	v5 =	vshrl.u32 v10, $0x14;
	[tilespmem:v6+s11+$0x0] =	vst.idx.add.s32.msk $0xffff, v1  }
0x61: {  	s17 =	simm.s32 $0x400;
	s21 =	simm.s32 $0x40F0;
	[tilespmem:v7+s11+$0x0] =	vst.idx.add.s32.msk $0xffff, v1;
	v3 =	vand.u32 $0x7FF, v3;
	v4 =	vand.u32 $0x7FF, v4;
	v5 =	vand.u32 $0x7FF, v5  }
.LBB2_7:
0x62: {  	v6 =	vld [tilespmem:s21+$0x0];
	s17 =	sadd.s32 $0x8, s17  }
0x63: {  	v7 =	vld [tilespmem:s21+$0xFFFFFFA0];
	p0 =	slt.u32 s17, $0x7F8  }
0x64: {  	v8 =	vld [tilespmem:s21+$0xFFFFFFB0]  }
0x65: {  	v9 =	vld [tilespmem:s21+$0xFFFFFFC0]  }
0x66: {  	v10 =	vld [tilespmem:s21+$0xFFFFFFD0]  }
0x67: {  	v11 =	vld [tilespmem:s21+$0xFFFFFFE0];
	v6 =	vshrl.u32 v6, $0x14  }
0x68: {  	v7 =	vshrl.u32 v7, $0x14;
	v12 =	vld [tilespmem:s21+$0xFFFFFFF0];
	v6 =	vand.u32 $0x7FF, v6  }
0x69: {  	v13 =	vld [tilespmem:s21+$0xFFFFFF90];
	v7 =	vand.u32 $0x7FF, v7;
	v8 =	vshrl.u32 v8, $0x14  }
0x6a: {  	v8 =	vand.u32 $0x7FF, v8;
	v9 =	vshrl.u32 v9, $0x14;
	[tilespmem:v5+s11+$0x0] =	vst.idx.add.s32.msk $0xffff, v1  }
0x6b: {  	v9 =	vand.u32 $0x7FF, v9;
	v5 =	vshrl.u32 v10, $0x14;
	[tilespmem:v3+s11+$0x0] =	vst.idx.add.s32.msk $0xffff, v1  }
0x6c: {  	v10 =	vand.u32 $0x7FF, v5;
	v3 =	vshrl.u32 v11, $0x14;
	[tilespmem:v4+s11+$0x0] =	vst.idx.add.s32.msk $0xffff, v1  }
.Ltmp4:
0x6d: {  	v3 =	vand.u32 $0x7FF, v3;
	v4 =	vshrl.u32 v12, $0x14;
	[tilespmem:v6+s11+$0x0] =	vst.idx.add.s32.msk $0xffff, v1;
	(pc) =	sbr.rel @p0 .LBB2_7-.Ltmp4, $4  }
0x6e: {  	v5 =	vshrl.u32 v13, $0x14;
	[tilespmem:v7+s11+$0x0] =	vst.idx.add.s32.msk $0xffff, v1;
	v4 =	vand.u32 $0x7FF, v4  }
0x6f: {  	v5 =	vand.u32 $0x7FF, v5;
	[tilespmem:v8+s11+$0x0] =	vst.idx.add.s32.msk $0xffff, v1  }
0x70: {  	[tilespmem:v9+s11+$0x0] =	vst.idx.add.s32.msk $0xffff, v1  }
0x71: {  	s21 =	sadd.s32 $0x80, s21;
	[tilespmem:v10+s11+$0x0] =	vst.idx.add.s32.msk $0xffff, v1  }
0x72: {  	_ =	sdelay $0x3  }
0x73: {  	[tilespmem:v5+s11+$0x0] =	vst.idx.add.s32.msk $0xffff, v1  }
0x74: {  	[tilespmem:v3+s11+$0x0] =	vst.idx.add.s32.msk $0xffff, v1;
	s17 =	sor.u32 $0xC000, s20  }
0x75: {  	[tilespmem:v4+s11+$0x0] =	vst.idx.add.s32.msk $0xffff, v1;
	s0 =	sadd.s32 s1, s17  }
0x76: {  	[tilespmem:s13], [sflag:$0x1] =	stream.strided.gather [hbm4b:s0+s7], $0x4000, s8, s7, $0x38;
	[tilespmem:$0x14880] =	vst v63  }
0x77: {  	_ =	swait.ge [sflag:s10], $0x4000  }
0x78: {  	[sflag:s10] =	ssyncset.done $0x0  }
0x79: {  	s31 =	simm.s32 $0x8070;
	[sflag:s10] =	ssyncadd.s32 $0xFFFFC000  }
0x7a: {  	v3 =	vld [tilespmem:s31+$0x0]  }
0x7b: {  	v4 =	vld [tilespmem:s31+$0xFFFFFFA0]  }
0x7c: {  	v5 =	vld [tilespmem:s31+$0xFFFFFFB0]  }
0x7d: {  	v6 =	vld [tilespmem:s31+$0xFFFFFFC0]  }
0x7e: {  	v7 =	vld [tilespmem:s31+$0xFFFFFFD0]  }
0x7f: {  	v3 =	vshrl.u32 v3, $0x14  }
0x80: {  	v4 =	vshrl.u32 v4, $0x14;
	v3 =	vand.u32 $0x7FF, v3  }
0x81: {  	v8 =	vld [tilespmem:s31+$0xFFFFFFE0];
	v5 =	vshrl.u32 v5, $0x14;
	v4 =	vand.u32 $0x7FF, v4  }
0x82: {  	v9 =	vld [tilespmem:s31+$0xFFFFFFF0];
	v6 =	vshrl.u32 v6, $0x14;
	v5 =	vand.u32 $0x7FF, v5  }
0x83: {  	v10 =	vld [tilespmem:s31+$0xFFFFFF90];
	v7 =	vshrl.u32 v7, $0x14;
	v6 =	vand.u32 $0x7FF, v6  }
0x84: {  	v7 =	vand.u32 $0x7FF, v7  }
0x85: {  	[tilespmem:v3+s11+$0x0] =	vst.idx.add.s32.msk $0xffff, v1  }
0x86: {  	[tilespmem:v4+s11+$0x0] =	vst.idx.add.s32.msk $0xffff, v1  }
0x87: {  	[tilespmem:v5+s11+$0x0] =	vst.idx.add.s32.msk $0xffff, v1  }
0x88: {  	v3 =	vshrl.u32 v8, $0x14;
	v4 =	vshrl.u32 v9, $0x14;
	v5 =	vshrl.u32 v10, $0x14;
	[tilespmem:v6+s11+$0x0] =	vst.idx.add.s32.msk $0xffff, v1  }
0x89: {  	s21 =	simm.s32 $0x800;
	s22 =	simm.s32 $0x80F0;
	[tilespmem:v7+s11+$0x0] =	vst.idx.add.s32.msk $0xffff, v1;
	v3 =	vand.u32 $0x7FF, v3;
	v4 =	vand.u32 $0x7FF, v4;
	v5 =	vand.u32 $0x7FF, v5  }
.LBB2_9:
0x8a: {  	v6 =	vld [tilespmem:s22+$0x0];
	s21 =	sadd.s32 $0x8, s21  }
0x8b: {  	v7 =	vld [tilespmem:s22+$0xFFFFFFA0];
	p0 =	slt.u32 s21, $0xBF8  }
0x8c: {  	v8 =	vld [tilespmem:s22+$0xFFFFFFB0]  }
0x8d: {  	v9 =	vld [tilespmem:s22+$0xFFFFFFC0]  }
0x8e: {  	v10 =	vld [tilespmem:s22+$0xFFFFFFD0]  }
0x8f: {  	v11 =	vld [tilespmem:s22+$0xFFFFFFE0];
	v6 =	vshrl.u32 v6, $0x14  }
0x90: {  	v7 =	vshrl.u32 v7, $0x14;
	v12 =	vld [tilespmem:s22+$0xFFFFFFF0];
	v6 =	vand.u32 $0x7FF, v6  }
0x91: {  	v13 =	vld [tilespmem:s22+$0xFFFFFF90];
	v7 =	vand.u32 $0x7FF, v7;
	v8 =	vshrl.u32 v8, $0x14  }
0x92: {  	v8 =	vand.u32 $0x7FF, v8;
	v9 =	vshrl.u32 v9, $0x14;
	[tilespmem:v5+s11+$0x0] =	vst.idx.add.s32.msk $0xffff, v1  }
0x93: {  	v9 =	vand.u32 $0x7FF, v9;
	v5 =	vshrl.u32 v10, $0x14;
	[tilespmem:v3+s11+$0x0] =	vst.idx.add.s32.msk $0xffff, v1  }
0x94: {  	v10 =	vand.u32 $0x7FF, v5;
	v3 =	vshrl.u32 v11, $0x14;
	[tilespmem:v4+s11+$0x0] =	vst.idx.add.s32.msk $0xffff, v1  }
.Ltmp5:
0x95: {  	v3 =	vand.u32 $0x7FF, v3;
	v4 =	vshrl.u32 v12, $0x14;
	[tilespmem:v6+s11+$0x0] =	vst.idx.add.s32.msk $0xffff, v1;
	(pc) =	sbr.rel @p0 .LBB2_9-.Ltmp5, $4  }
0x96: {  	v5 =	vshrl.u32 v13, $0x14;
	[tilespmem:v7+s11+$0x0] =	vst.idx.add.s32.msk $0xffff, v1;
	v4 =	vand.u32 $0x7FF, v4  }
0x97: {  	v5 =	vand.u32 $0x7FF, v5;
	[tilespmem:v8+s11+$0x0] =	vst.idx.add.s32.msk $0xffff, v1  }
0x98: {  	[tilespmem:v9+s11+$0x0] =	vst.idx.add.s32.msk $0xffff, v1  }
0x99: {  	s22 =	sadd.s32 $0x80, s22;
	[tilespmem:v10+s11+$0x0] =	vst.idx.add.s32.msk $0xffff, v1  }
0x9a: {  	_ =	sdelay $0x3  }
0x9b: {  	[tilespmem:v5+s11+$0x0] =	vst.idx.add.s32.msk $0xffff, v1  }
0x9c: {  	[tilespmem:v3+s11+$0x0] =	vst.idx.add.s32.msk $0xffff, v1  }
0x9d: {  	[tilespmem:v4+s11+$0x0] =	vst.idx.add.s32.msk $0xffff, v1  }
0x9e: {  	_ =	swait.ge [sflag:s10], $0x4000  }
0x9f: {  	[sflag:s10] =	ssyncset.done $0x0  }
0xa0: {  	s0 =	simm.s32 $0xC070;
	[sflag:s10] =	ssyncadd.s32 $0xFFFFC000  }
0xa1: {  	v3 =	vld [tilespmem:s0+$0x0]  }
0xa2: {  	v4 =	vld [tilespmem:s0+$0xFFFFFFA0]  }
0xa3: {  	v5 =	vld [tilespmem:s0+$0xFFFFFFB0]  }
0xa4: {  	v6 =	vld [tilespmem:s0+$0xFFFFFFC0]  }
0xa5: {  	v7 =	vld [tilespmem:s0+$0xFFFFFFD0]  }
0xa6: {  	v3 =	vshrl.u32 v3, $0x14  }
0xa7: {  	v4 =	vshrl.u32 v4, $0x14;
	v3 =	vand.u32 $0x7FF, v3  }
0xa8: {  	v8 =	vld [tilespmem:s0+$0xFFFFFFE0];
	v5 =	vshrl.u32 v5, $0x14;
	v4 =	vand.u32 $0x7FF, v4  }
0xa9: {  	v9 =	vld [tilespmem:s0+$0xFFFFFFF0];
	v6 =	vshrl.u32 v6, $0x14;
	v5 =	vand.u32 $0x7FF, v5  }
0xaa: {  	v10 =	vld [tilespmem:s0+$0xFFFFFF90];
	v7 =	vshrl.u32 v7, $0x14;
	v6 =	vand.u32 $0x7FF, v6  }
0xab: {  	v7 =	vand.u32 $0x7FF, v7  }
0xac: {  	[tilespmem:v3+s11+$0x0] =	vst.idx.add.s32.msk $0xffff, v1  }
0xad: {  	[tilespmem:v4+s11+$0x0] =	vst.idx.add.s32.msk $0xffff, v1  }
0xae: {  	[tilespmem:v5+s11+$0x0] =	vst.idx.add.s32.msk $0xffff, v1  }
0xaf: {  	v3 =	vshrl.u32 v8, $0x14;
	v4 =	vshrl.u32 v9, $0x14;
	v5 =	vshrl.u32 v10, $0x14;
	[tilespmem:v6+s11+$0x0] =	vst.idx.add.s32.msk $0xffff, v1  }
0xb0: {  	s22 =	simm.s32 $0xC00;
	s21 =	simm.s32 $0x140A0;
	s23 =	simm.s32 $0xC0F0;
	[tilespmem:v7+s11+$0x0] =	vst.idx.add.s32.msk $0xffff, v1;
	v3 =	vand.u32 $0x7FF, v3;
	v4 =	vand.u32 $0x7FF, v4;
	v5 =	vand.u32 $0x7FF, v5  }
.LBB2_11:
0xb1: {  	v6 =	vld [tilespmem:s23+$0x0];
	s22 =	sadd.s32 $0x8, s22  }
0xb2: {  	v7 =	vld [tilespmem:s23+$0xFFFFFFA0];
	p0 =	slt.u32 s22, $0xFF8  }
0xb3: {  	v8 =	vld [tilespmem:s23+$0xFFFFFFB0]  }
0xb4: {  	v9 =	vld [tilespmem:s23+$0xFFFFFFC0]  }
0xb5: {  	v10 =	vld [tilespmem:s23+$0xFFFFFFD0]  }
0xb6: {  	v11 =	vld [tilespmem:s23+$0xFFFFFFE0];
	v6 =	vshrl.u32 v6, $0x14  }
0xb7: {  	v7 =	vshrl.u32 v7, $0x14;
	v12 =	vld [tilespmem:s23+$0xFFFFFFF0];
	v6 =	vand.u32 $0x7FF, v6  }
0xb8: {  	v13 =	vld [tilespmem:s23+$0xFFFFFF90];
	v7 =	vand.u32 $0x7FF, v7;
	v8 =	vshrl.u32 v8, $0x14  }
0xb9: {  	v8 =	vand.u32 $0x7FF, v8;
	v9 =	vshrl.u32 v9, $0x14;
	[tilespmem:v5+s11+$0x0] =	vst.idx.add.s32.msk $0xffff, v1  }
0xba: {  	v9 =	vand.u32 $0x7FF, v9;
	v5 =	vshrl.u32 v10, $0x14;
	[tilespmem:v3+s11+$0x0] =	vst.idx.add.s32.msk $0xffff, v1  }
0xbb: {  	v10 =	vand.u32 $0x7FF, v5;
	v3 =	vshrl.u32 v11, $0x14;
	[tilespmem:v4+s11+$0x0] =	vst.idx.add.s32.msk $0xffff, v1  }
.Ltmp6:
0xbc: {  	s24 =	simm.s32 $0x0;
	v11 =	vimm.s32 $0x0;
	v3 =	vand.u32 $0x7FF, v3;
	v4 =	vshrl.u32 v12, $0x14;
	[tilespmem:v6+s11+$0x0] =	vst.idx.add.s32.msk $0xffff, v1;
	(pc) =	sbr.rel @p0 .LBB2_11-.Ltmp6, $4  }
0xbd: {  	v5 =	vshrl.u32 v13, $0x14;
	[tilespmem:v7+s11+$0x0] =	vst.idx.add.s32.msk $0xffff, v1;
	v4 =	vand.u32 $0x7FF, v4  }
0xbe: {  	v5 =	vand.u32 $0x7FF, v5;
	[tilespmem:v8+s11+$0x0] =	vst.idx.add.s32.msk $0xffff, v1  }
0xbf: {  	[tilespmem:v9+s11+$0x0] =	vst.idx.add.s32.msk $0xffff, v1  }
0xc0: {  	s23 =	sadd.s32 $0x80, s23;
	[tilespmem:v10+s11+$0x0] =	vst.idx.add.s32.msk $0xffff, v1  }
0xc1: {  	_ =	sdelay $0x3  }
0xc2: {  	[tilespmem:v5+s11+$0x0] =	vst.idx.add.s32.msk $0xffff, v1  }
0xc3: {  	[tilespmem:v3+s11+$0x0] =	vst.idx.add.s32.msk $0xffff, v1  }
0xc4: {  	[tilespmem:v4+s11+$0x0] =	vst.idx.add.s32.msk $0xffff, v1  }
0xc5: {  	v12 =	vld [tilespmem:s21+$0xFFFFFFE0];
	_ =	sdelay $0x1  }
0xc6: {  	v13 =	vld [tilespmem:s21+$0xFFFFFFF0];
	_ =	sdelay $0x1  }
0xc7: {  	v9 =	vld [tilespmem:s21+$0x0]  }
0xc8: {  	s0 =	simm.s32 $0x140E0;
	v8 =	vld [tilespmem:s21+$0x10];
	(xrf0) =	vadd.scan.msk.s32 $0xffff, v12  }
0xc9: {  	v10 =	vld [tilespmem:s0+$0xFFFFFFE0]  }
0xca: {  	(xrf0) =	vadd.scan.msk.s32 $0xffff, v13  }
0xcb: {  	v5 =	vld [tilespmem:s0+$0xFFFFFFF0]  }
0xcc: {  	(xrf0) =	vadd.scan.msk.s32 $0xffff, v9  }
0xcd: {  	(xrf0) =	vadd.scan.msk.s32 $0xffff, v8  }
0xce: {  	v14, _, _ =	vpop (xrf0);
	(xrf0) =	vadd.scan.msk.s32 $0xffff, v10  }
0xcf: {  	(v2sf) =	vpush v14, $0xF  }
0xd0: {  	v15, _, _ =	vpop (xrf0);
	(xrf0) =	vadd.scan.msk.s32 $0xffff, v5  }
0xd1: {  	(v2sf) =	vpush v15, $0xF  }
0xd2: {  	v16, _, _ =	vpop (xrf0)  }
0xd3: {  	(v2sf) =	vpush v16, $0xF;
	v18, _, _ =	vpop (xrf0)  }
0xd4: {  	(v2sf) =	vpush v18, $0xF;
	v25, _, _ =	vpop (xrf0)  }
0xd5: {  	v6 =	vld [tilespmem:s0+$0x0];
	(v2sf) =	vpush v25, $0xF  }
0xd6: {  	v4 =	vld [tilespmem:s0+$0x10];
	v27, _, _ =	vpop (xrf0)  }
0xd7: {  	s28 =	simm.s32 $0x14120;
	(v2sf) =	vpush v27, $0xF  }
0xd8: {  	v7 =	vld [tilespmem:s28+$0xFFFFFFE0]  }
0xd9: {  	v3 =	vld [tilespmem:s28+$0xFFFFFFF0]  }
0xda: {  	(xrf0) =	vadd.scan.msk.s32 $0xffff, v6  }
0xdb: {  	v14 =	vadd.s32 s24, v14;
	(xrf0) =	vadd.scan.msk.s32 $0xffff, v4  }
0xdc: {  	v17 =	vsub.s32 v14, v12  }
0xdd: {  	vm0 =	vlt.s32 v17, $0xE667;
	(xrf0) =	vadd.scan.msk.s32 $0xffff, v7  }
0xde: {  	v17 =	vnsel vm0, $0x0, v12;
	(xrf0) =	vadd.scan.msk.s32 $0xffff, v3;
	s29 =	spop (v2sf)  }
0xdf: {  	vm0 =	vlt.s32 v14, $0xE667;
	s21 =	sadd.s32 $0x0, s29  }
0xe0: {  	v12 =	vnsel vm0, $0x0, v12;
	v14, _, _ =	vpop (xrf0);
	s22 =	spop (v2sf);
	v26 =	vadd.s32 s21, v15;
	v15 =	vsel vm0, $0x1, v0  }
0xe1: {  	v20 =	vadd.s32 v11, v17;
	v12 =	vadd.s32 v11, v12;
	v17, _, _ =	vpop (xrf0);
	(v2sf) =	vpush v14, $0xF;
	s21 =	sadd.s32 s22, s21  }
0xe2: {  	s30 =	spop (v2sf);
	(v2sf) =	vpush v17, $0xF;
	v19 =	vadd.s32 s21, v16;
	vm0 =	vlt.s32 v26, $0xE667  }
0xe3: {  	v22 =	vadd.s32 v15, v11;
	s21 =	sadd.s32 s30, s21;
	s31 =	spop (v2sf);
	v28 =	vsub.s32 v26, v13;
	v23 =	vsel vm0, $0x1, v0;
	v15, _, _ =	vpop (xrf0)  }
0xe4: {  	v11 =	vnsel vm0, $0x0, v13;
	v24 =	vadd.s32 s21, v18;
	s21 =	sadd.s32 s31, s21;
	(v2sf) =	vpush v15, $0xF;
	v16, _, _ =	vpop (xrf0);
	s23 =	spop (v2sf)  }
0xe5: {  	v21 =	vadd.s32 v11, v12;
	v11 =	vld [tilespmem:s28+$0x0];
	v25 =	vadd.s32 s21, v25;
	(v2sf) =	vpush v16, $0xF;
	s22 =	sadd.s32 s21, s23  }
0xe6: {  	vm0 =	vlt.s32 v28, $0xE667;
	v12 =	vld [tilespmem:s28+$0x10];
	v26 =	vsub.s32 v25, v10;
	s21 =	simm.s32 $0x8;
	s24 =	spop (v2sf);
	s23 =	simm.s32 $0x14160;
	v18 =	vadd.s32 s22, v27  }
.LBB2_13:
0xe7: {  	v27 =	vld [tilespmem:s23+$0xFFFFFFE0];
	s21 =	sadd.s32 $0x4, s21;
	vm1 =	vlt.s32 v26, $0xE667;
	v26 =	vnsel vm0, $0x0, v13;
	v28 =	vsub.s32 v19, v9;
	v13 =	vmovc v5;
	v5 =	vmovc v3  }
0xe8: {  	v3 =	vld [tilespmem:s23+$0xFFFFFFF0];
	p0 =	slt.u32 s21, $0x7C;
	v29 =	vnsel vm1, $0x0, v10;
	v20 =	vadd.s32 v26, v20;
	vm1 =	vlt.s32 v28, $0xE667  }
0xe9: {  	vm0 =	vlt.s32 v25, $0xE667;
	v22 =	vadd.s32 v23, v22;
	v23 =	vnsel vm1, $0x0, v9  }
0xea: {  	vm1 =	vlt.s32 v19, $0xE667;
	(xrf0) =	vadd.scan.msk.s32 $0xffff, v11;
	v19 =	vadd.s32 v23, v20;
	v20 =	vsub.s32 v24, v8  }
0xeb: {  	vm2 =	vlt.s32 v24, $0xE667;
	v23 =	vnsel vm0, $0x0, v10;
	v25 =	vsel vm1, $0x1, v0;
	v10 =	vmovc v7;
	(xrf0) =	vadd.scan.msk.s32 $0xffff, v12  }
0xec: {  	v24 =	vnsel vm1, $0x0, v9;
	vm1 =	vlt.s32 v20, $0xE667;
	v20 =	vsel vm2, $0x1, v0;
	(xrf0) =	vadd.scan.msk.s32 $0xffff, v27;
	v7 =	vmovc v27  }
0xed: {  	v9 =	vmovc v6;
	v22 =	vadd.s32 v25, v22;
	v25 =	vnsel vm2, $0x0, v8;
	v26 =	vnsel vm1, $0x0, v8;
	(xrf0) =	vadd.scan.msk.s32 $0xffff, v3  }
0xee: {  	v6 =	vmovc v11;
	v21 =	vadd.s32 v24, v21;
	v22 =	vadd.s32 v20, v22;
	v19 =	vadd.s32 v26, v19  }
0xef: {  	s0 =	sadd.s32 s24, s22;
	v11 =	vadd.s32 v25, v21;
	v8 =	vmovc v4;
	v4 =	vmov v12;
	v20 =	vadd.s32 v19, v29  }
0xf0: {  	v21 =	vsel vm0, $0x1, v0;
	v11 =	vadd.s32 v11, v23;
	v19 =	vadd.s32 s0, v14;
	v14, _, _ =	vpop (xrf0)  }
.Ltmp7:
0xf1: {  	vm0 =	vlt.s32 v18, $0xE667;
	v22 =	vadd.s32 v21, v22;
	(v2sf) =	vpush v14, $0xF;
	v26, _, _ =	vpop (xrf0);
	s22 =	spop (v2sf);
	(pc) =	sbr.rel @p0 .LBB2_13-.Ltmp7, $4  }
0xf2: {  	v23 =	vsel vm0, $0x1, v0;
	v21 =	vnsel vm0, $0x0, v13;
	v12, _, _ =	vpop (xrf0);
	(v2sf) =	vpush v26, $0xF;
	s0 =	sadd.s32 s22, s0;
	s22 =	spop (v2sf)  }
0xf3: {  	v21 =	vadd.s32 v21, v11;
	(v2sf) =	vpush v12, $0xF;
	v27, _, _ =	vpop (xrf0);
	s24 =	spop (v2sf);
	v24 =	vadd.s32 s0, v17;
	s0 =	sadd.s32 s22, s0  }
0xf4: {  	v28 =	vsub.s32 v18, v13;
	v17 =	vmovc v26;
	v11 =	vld [tilespmem:s23+$0x0];
	(v2sf) =	vpush v27, $0xF;
	v25 =	vadd.s32 s0, v15;
	s22 =	sadd.s32 s0, s24;
	s24 =	spop (v2sf);
	v15 =	vmovc v12  }
0xf5: {  	vm0 =	vlt.s32 v28, $0xE667;
	v12 =	vld [tilespmem:s23+$0x10];
	s23 =	sadd.s32 $0x40, s23;
	v26 =	vsub.s32 v25, v10;
	v18 =	vadd.s32 s22, v16;
	v16 =	vmovc v27  }
0xf6: {  	vm1 =	vlt.s32 v26, $0xE667;
	v61 =	vsub.s32 v19, v9  }
0xf7: {  	v13 =	vnsel vm0, $0x0, v13;
	vm11 =	vlt.s32 v25, $0xE667;
	v22 =	vadd.s32 v23, v22  }
0xf8: {  	vm12 =	vlt.s32 v19, $0xE667;
	v63 =	vsub.s32 v24, v8;
	vm2 =	vlt.s32 v24, $0xE667  }
0xf9: {  	vm14 =	vlt.s32 v18, $0xE667;
	v38 =	vsub.s32 v18, v5;
	v27 =	vnsel vm1, $0x0, v10  }
0xfa: {  	vm10 =	vlt.s32 v61, $0xE667;
	v13 =	vadd.s32 v13, v20;
	v25 =	vnsel vm11, $0x0, v10;
	(xrf0) =	vadd.scan.msk.s32 $0xffff, v11  }
0xfb: {  	v26 =	vsel vm12, $0x1, v0;
	v28 =	vnsel vm12, $0x0, v9;
	vm13 =	vlt.s32 v63, $0xE667  }
0xfc: {  	s0 =	sadd.s32 s24, s22;
	v29 =	vsel vm2, $0x1, v0;
	v31 =	vnsel vm2, $0x0, v8;
	v33 =	vsel vm11, $0x1, v0  }
0xfd: {  	v34 =	vadd.s32 s0, v14;
	v35 =	vnsel vm14, $0x0, v5;
	v36 =	vsel vm14, $0x1, v0  }
0xfe: {  	vm15 =	vlt.s32 v38, $0xE667;
	v62 =	vnsel vm10, $0x0, v9;
	v20 =	vadd.s32 v26, v22  }
0xff: {  	v30 =	vnsel vm13, $0x0, v8;
	v9 =	vadd.s32 v28, v21;
	v5 =	vnsel vm15, $0x0, v5  }
0x100: {  	v40 =	vsub.s32 v34, v6;
	vm7 =	vlt.s32 v34, $0xE667;
	v13 =	vadd.s32 v62, v13;
	v32, _, _ =	vpop (xrf0)  }
0x101: {  	v19 =	vadd.s32 v29, v20;
	v8 =	vadd.s32 v31, v9;
	(v2sf) =	vpush v32, $0xF  }
0x102: {  	vm5 =	vlt.s32 v40, $0xE667;
	v45 =	vsel vm7, $0x1, v0;
	v46 =	vnsel vm7, $0x0, v6  }
0x103: {  	v13 =	vadd.s32 v30, v13;
	v8 =	vadd.s32 v8, v25;
	v19 =	vadd.s32 v33, v19  }
0x104: {  	v42 =	vnsel vm5, $0x0, v6;
	v13 =	vadd.s32 v13, v27;
	v41 =	vadd.s32 v36, v19;
	s21 =	spop (v2sf)  }
0x105: {  	v8 =	vadd.s32 v35, v8;
	v5 =	vadd.s32 v5, v13;
	v13 =	vadd.s32 v45, v41;
	s0 =	sadd.s32 s21, s0;
	s24 =	spop (v2sf)  }
0x106: {  	v6 =	vadd.s32 v46, v8;
	v5 =	vadd.s32 v42, v5;
	s25 =	spop (v2sf);
	s21 =	sadd.s32 s24, s0;
	v37 =	vadd.s32 s0, v17  }
0x107: {  	v15 =	vadd.s32 s21, v15;
	s26 =	sadd.s32 s21, s25;
	v43 =	vsub.s32 v37, v4;
	vm8 =	vlt.s32 v37, $0xE667  }
0x108: {  	v39 =	vsub.s32 v15, v7;
	v16 =	vadd.s32 s26, v16;
	vm6 =	vlt.s32 v15, $0xE667  }
0x109: {  	s28 =	spop (v2sf);
	vm9 =	vlt.s32 v43, $0xE667;
	v47 =	vsel vm8, $0x1, v0;
	v14 =	vnsel vm8, $0x0, v4  }
0x10a: {  	s0 =	sadd.s32 s28, s26;
	vm4 =	vlt.s32 v39, $0xE667;
	v44 =	vnsel vm6, $0x0, v7;
	v4 =	vnsel vm9, $0x0, v4  }
0x10b: {  	(xrf0) =	vadd.scan.msk.s32 $0xffff, v12;
	v48 =	vadd.s32 v47, v13;
	v49 =	vsel vm6, $0x1, v0;
	v50 =	vadd.s32 s0, v32  }
0x10c: {  	vm10 =	vlt.s32 v16, $0xE667;
	v52 =	vsub.s32 v16, v3;
	v18 =	vnsel vm4, $0x0, v7  }
0x10d: {  	v4 =	vadd.s32 v4, v5;
	v5 =	vadd.s32 v14, v6;
	v6 =	vadd.s32 v49, v48  }
0x10e: {  	v51 =	vnsel vm10, $0x0, v3;
	v54 =	vsel vm10, $0x1, v0;
	vm11 =	vlt.s32 v52, $0xE667  }
0x10f: {  	v56 =	vsub.s32 v50, v11;
	vm13 =	vlt.s32 v50, $0xE667;
	v4 =	vadd.s32 v4, v18  }
0x110: {  	v5 =	vadd.s32 v5, v44;
	v3 =	vnsel vm11, $0x0, v3;
	vm12 =	vlt.s32 v56, $0xE667;
	s29 =	spop (v2sf)  }
0x111: {  	v53, _, _ =	vpop (xrf0);
	v59 =	vsel vm13, $0x1, v0;
	v60 =	vnsel vm13, $0x0, v11;
	v5 =	vadd.s32 v51, v5;
	s0 =	sadd.s32 s29, s0  }
0x112: {  	v3 =	vadd.s32 v3, v4;
	v4 =	vadd.s32 v54, v6;
	v55 =	vadd.s32 s0, v53  }
0x113: {  	v57 =	vnsel vm12, $0x0, v11;
	v5 =	vadd.s32 v60, v5;
	vm14 =	vlt.s32 v55, $0xE667  }
0x114: {  	v4 =	vadd.s32 v59, v4;
	v58 =	vsub.s32 v55, v12;
	v61 =	vnsel vm14, $0x0, v12  }
0x115: {  	vm15 =	vlt.s32 v58, $0xE667;
	v62 =	vsel vm14, $0x1, v0;
	v5 =	vadd.s32 v61, v5  }
0x116: {  	v3 =	vadd.s32 v57, v3;
	v63 =	vnsel vm15, $0x0, v12;
	v4 =	vadd.s32 v62, v4;
	(xrf0) =	vadd.scan.msk.s32 $0xffff, v5  }
0x117: {  	v3 =	vadd.s32 v63, v3;
	(xrf0) =	vadd.scan.msk.s32 $0xffff, v4  }
0x118: {  	(xrf0) =	vadd.scan.msk.s32 $0xffff, v3;
	_ =	sdelay $0x3  }
0x119: {  	(v2sf) =	vpush v53, $0xF;
	v3, _, _ =	vpop (xrf0)  }
0x11a: {  	(v2sf) =	vpush v3, $0xF;
	v3, _, _ =	vpop (xrf0)  }
0x11b: {  	(v2sf) =	vpush v3, $0xF;
	v4, _, _ =	vpop (xrf0)  }
0x11c: {  	(v2sf) =	vpush v4, $0xF;
	_ =	sdelay $0xb  }
0x11d: {  	s30 =	spop (v2sf)  }
0x11e: {  	s0 =	spop (v2sf)  }
0x11f: {  	s21 =	spop (v2sf)  }
0x120: {  	s31 =	spop (v2sf)  }
0x121: {  	s22 =	ssub.s32 s31, s0  }
0x122: {  	p0 =	sgt.s32 s22, $0x4000  }
.Ltmp8:
0x123: {  	_ = 	snop;
	(pc) =	sbr.rel @p0 .LBB2_15-.Ltmp8, $2  }
0x124: {  	_ =	sdelay $0x2  }
0x125: {  	v3 =	vbroadcast v3, $0xF;
	s22 =	ssub.s32 $0xE666, s0  }
0x126: {  	s0 =	simm.s32 $0x40  }
0x127: {  	v5 =	vld [tilespmem:s0+$0x30]  }
0x128: {  	v10 =	vld [tilespmem:s0+$0x20]  }
0x129: {  	v13 =	vld [tilespmem:s0+$0x10]  }
0x12a: {  	v7 =	vld [tilespmem:s0+$0x0]  }
0x12b: {  	v9 =	vld [tilespmem:s0+$0xFFFFFFF0]  }
0x12c: {  	v21 =	vld [tilespmem:s0+$0xFFFFFFC0]  }
0x12d: {  	v12 =	vld [tilespmem:s0+$0xFFFFFFD0];
	_ =	sdelay $0x1  }
0x12e: {  	v11 =	vld [tilespmem:s0+$0xFFFFFFE0]  }
0x12f: {  	v6 =	vand.u32 $0x7FFFFFFF, v10;
	v8 =	vand.u32 $0x7FFFFFFF, v5  }
0x130: {  	v4 =	vand.u32 $0x7FFFFFFF, v7;
	v14 =	vand.u32 $0x7FFFFFFF, v13;
	v15 =	vand.u32 $0x7FFFFFFF, v21  }
0x131: {  	v16 =	vand.u32 $0x7FFFFFFF, v9;
	v17 =	vand.u32 $0x7FFFFFFF, v12;
	v15 =	vshrl.u32 v15, $0x14  }
0x132: {  	v4 =	vshrl.u32 v4, $0x14;
	v14 =	vshrl.u32 v14, $0x14;
	vm8 =	veq.s32 v15, v3  }
0x133: {  	v15 =	vshrl.u32 v17, $0x14;
	v17 =	vand.u32 $0x7FFFFFFF, v11;
	vm0 =	veq.s32 v14, v3  }
0x134: {  	v18 =	vsel vm8, $0x1, v0;
	vm5 =	veq.s32 v15, v3;
	v15 =	vshrl.u32 v17, $0x14  }
0x135: {  	v17 =	vsel vm5, $0x1, v0;
	vm4 =	veq.s32 v15, v3;
	v15 =	vshrl.u32 v16, $0x14;
	(xrf0) =	vadd.scan.msk.s32 $0xffff, v18  }
0x136: {  	s31 =	simm.s32 $0xC0;
	v14 =	vshrl.u32 v6, $0x14;
	v16 =	vsel vm4, $0x1, v0;
	vm6 =	veq.s32 v15, v3;
	(xrf0) =	vadd.scan.msk.s32 $0xffff, v17  }
0x137: {  	vm3 =	veq.s32 v4, v3;
	v6 =	vld [tilespmem:s31+$0x20];
	vm1 =	veq.s32 v14, v3;
	v15 =	vsel vm6, $0x1, v0;
	(xrf0) =	vadd.scan.msk.s32 $0xffff, v16  }
0x138: {  	v14 =	vshrl.u32 v8, $0x14;
	v8 =	vld [tilespmem:s31+$0x10];
	v16 =	vsel vm3, $0x1, v0;
	(xrf0) =	vadd.scan.msk.s32 $0xffff, v15;
	v15 =	vsel vm0, $0x1, v0  }
0x139: {  	v18 =	vld [tilespmem:s31+$0xFFFFFFF0];
	(xrf0) =	vadd.scan.msk.s32 $0xffff, v16  }
0x13a: {  	vm2 =	veq.s32 v14, v3;
	v17 =	vsel vm1, $0x1, v0;
	v16 =	vld [tilespmem:s31+$0x0];
	(xrf0) =	vadd.scan.msk.s32 $0xffff, v15  }
0x13b: {  	v14 =	vsel vm2, $0x1, v0;
	v15, _, _ =	vpop (xrf0);
	(xrf0) =	vadd.scan.msk.s32 $0xffff, v17;
	v17 =	vld [tilespmem:s31+$0xFFFFFFC0]  }
0x13c: {  	v4 =	vld [tilespmem:s31+$0x30];
	vm5 =	vmmov vm5;
	(v2sf) =	vpush v15, $0xF;
	v15, _, _ =	vpop (xrf0);
	(xrf0) =	vadd.scan.msk.s32 $0xffff, v14  }
0x13d: {  	vm7 =	vmmov vm4;
	vm3 =	vmmov vm3;
	v14 =	vld [tilespmem:s31+$0xFFFFFFD0];
	(v2sf) =	vpush v15, $0xF;
	v15, _, _ =	vpop (xrf0)  }
0x13e: {  	vm6 =	vmmov vm6;
	v20 =	vand.u32 $0x7FFFFFFF, v6;
	(v2sf) =	vpush v15, $0xF;
	v19, _, _ =	vpop (xrf0);
	v15 =	vld [tilespmem:s31+$0xFFFFFFE0]  }
0x13f: {  	v24 =	vand.u32 $0x7FFFFFFF, v8;
	v26 =	vand.u32 $0x7FFFFFFF, v18;
	(v2sf) =	vpush v19, $0xF;
	v22, _, _ =	vpop (xrf0)  }
0x140: {  	v23 =	vand.u32 $0x7FFFFFFF, v16;
	(v2sf) =	vpush v22, $0xF;
	v22, _, _ =	vpop (xrf0);
	v25 =	vand.u32 $0x7FFFFFFF, v17  }
0x141: {  	v19 =	vand.u32 $0x7FFFFFFF, v4;
	(v2sf) =	vpush v22, $0xF;
	v22, _, _ =	vpop (xrf0);
	v25 =	vshrl.u32 v25, $0x14  }
0x142: {  	v27 =	vand.u32 $0x7FFFFFFF, v14;
	(v2sf) =	vpush v22, $0xF;
	v22, _, _ =	vpop (xrf0);
	vm4 =	veq.s32 v25, v3  }
0x143: {  	s26 =	simm.s32 $0x0;
	(v2sf) =	vpush v22, $0xF;
	v22 =	vshrl.u32 v27, $0x14;
	v61 =	vand.u32 $0x7FFFFFFF, v15  }
0x144: {  	[tilespmem:s26+$0x10000] =	vst.msk vm8, v21;
	v21 =	vsel vm4, $0x1, v0;
	vm10 =	veq.s32 v22, v3;
	v22 =	vshrl.u32 v61, $0x14  }
0x145: {  	(xrf0) =	vadd.scan.msk.s32 $0xffff, v21;
	v62 =	vsel vm10, $0x1, v0;
	vm9 =	veq.s32 v22, v3;
	v22 =	vshrl.u32 v26, $0x14  }
0x146: {  	v63 =	vsel vm9, $0x1, v0;
	vm8 =	veq.s32 v22, v3;
	v22 =	vshrl.u32 v23, $0x14;
	(xrf0) =	vadd.scan.msk.s32 $0xffff, v62  }
0x147: {  	s24 =	simm.s32 $0x0;
	s23 =	simm.s32 $0x8;
	s25 =	simm.s32 $0x140;
	v21 =	vsel vm8, $0x1, v0;
	vm11 =	veq.s32 v22, v3;
	v22 =	vshrl.u32 v24, $0x14;
	(xrf0) =	vadd.scan.msk.s32 $0xffff, v63  }
.LBB2_29:
0x148: {  	v24 =	vsel vm11, $0x1, v0;
	v20 =	vshrl.u32 v20, $0x14;
	vm14 =	vmmov vm0  }
0x149: {  	v23 =	vld [tilespmem:s25+$0x30];
	(xrf0) =	vadd.scan.msk.s32 $0xffff, v21;
	vm0 =	veq.s32 v22, v3;
	vm13 =	vmmov vm1;
	vm12 =	vmmov vm2  }
0x14a: {  	v19 =	vshrl.u32 v19, $0x14;
	v21 =	vld [tilespmem:s25+$0x20];
	v22 =	vsel vm0, $0x1, v0;
	vm1 =	veq.s32 v20, v3;
	(xrf0) =	vadd.scan.msk.s32 $0xffff, v24  }
0x14b: {  	vm15 =	vmmov vm3;
	vm2 =	veq.s32 v19, v3;
	v24 =	vld [tilespmem:s25+$0x10];
	v27 =	vsel vm1, $0x1, v0;
	(xrf0) =	vadd.scan.msk.s32 $0xffff, v22;
	s0 =	spop (v2sf)  }
0x14c: {  	vm3 =	vmmov vm11;
	v28 =	vsel vm2, $0x1, v0;
	v22 =	vld [tilespmem:s25+$0x0];
	v25, _, _ =	vpop (xrf0);
	(xrf0) =	vadd.scan.msk.s32 $0xffff, v27;
	s0 =	sadd.s32 s26, s0;
	s26 =	spop (v2sf)  }
0x14d: {  	v26 =	vld [tilespmem:s25+$0xFFFFFFF0];
	(v2sf) =	vpush v25, $0xF;
	v20, _, _ =	vpop (xrf0);
	(xrf0) =	vadd.scan.msk.s32 $0xffff, v28;
	[tilespmem:s0+$0x10000] =	vst.msk vm5, v12;
	s0 =	sadd.s32 s0, s26;
	s26 =	spop (v2sf);
	v12 =	vmov v14  }
0x14e: {  	s23 =	sadd.s32 $0x8, s23;
	vm5 =	vmmov vm10;
	v25 =	vld [tilespmem:s25+$0xFFFFFFC0];
	(v2sf) =	vpush v20, $0xF;
	v19, _, _ =	vpop (xrf0);
	[tilespmem:s0+$0x10000] =	vst.msk vm7, v11;
	s0 =	sadd.s32 s0, s26;
	s26 =	spop (v2sf);
	v11 =	vmov v15  }
0x14f: {  	p0 =	slt.u32 s23, $0xFF8;
	vm7 =	vmmov vm9;
	v14 =	vld [tilespmem:s25+$0xFFFFFFD0];
	(v2sf) =	vpush v19, $0xF;
	v19, _, _ =	vpop (xrf0);
	[tilespmem:s0+$0x10000] =	vst.msk vm6, v9;
	s0 =	sadd.s32 s0, s26;
	s26 =	spop (v2sf);
	v9 =	vmov v18  }
0x150: {  	vm6 =	vmmov vm8;
	v15 =	vld [tilespmem:s25+$0xFFFFFFE0];
	(v2sf) =	vpush v19, $0xF;
	v18, _, _ =	vpop (xrf0);
	[tilespmem:s0+$0x10000] =	vst.msk vm15, v7;
	s0 =	sadd.s32 s0, s26;
	s26 =	spop (v2sf);
	v7 =	vmov v16  }
0x151: {  	v20 =	vand.u32 $0x7FFFFFFF, v21;
	v19 =	vand.u32 $0x7FFFFFFF, v23;
	(v2sf) =	vpush v18, $0xF;
	v16, _, _ =	vpop (xrf0);
	[tilespmem:s0+$0x10000] =	vst.msk vm14, v13;
	s0 =	sadd.s32 s0, s26;
	s26 =	spop (v2sf)  }
0x152: {  	v27 =	vand.u32 $0x7FFFFFFF, v24;
	v18 =	vand.u32 $0x7FFFFFFF, v22;
	(v2sf) =	vpush v16, $0xF;
	v13, _, _ =	vpop (xrf0);
	[tilespmem:s0+$0x10000] =	vst.msk vm13, v10;
	s0 =	sadd.s32 s0, s26;
	s26 =	spop (v2sf)  }
0x153: {  	v16 =	vand.u32 $0x7FFFFFFF, v26;
	v30 =	vand.u32 $0x7FFFFFFF, v25;
	(v2sf) =	vpush v13, $0xF;
	v13, _, _ =	vpop (xrf0);
	[tilespmem:s0+$0x10000] =	vst.msk vm12, v5;
	s26 =	sadd.s32 s0, s26  }
0x154: {  	v5 =	vmovc v4;
	v4 =	vmovc v23;
	v29 =	vshrl.u32 v30, $0x14;
	v28 =	vand.u32 $0x7FFFFFFF, v14;
	[tilespmem:s26+$0x10000] =	vst.msk vm4, v17;
	(v2sf) =	vpush v13, $0xF  }
.Ltmp9:
0x155: {  	v10 =	vmovc v6;
	v6 =	vmovc v21;
	vm4 =	veq.s32 v29, v3;
	v23 =	vshrl.u32 v28, $0x14;
	v17 =	vand.u32 $0x7FFFFFFF, v15;
	(pc) =	sbr.rel @p0 .LBB2_29-.Ltmp9, $4  }
0x156: {  	v13 =	vmovc v8;
	v8 =	vmovc v24;
	v21 =	vsel vm4, $0x1, v0;
	vm10 =	veq.s32 v23, v3;
	v17 =	vshrl.u32 v17, $0x14  }
0x157: {  	v29 =	vshrl.u32 v16, $0x14;
	v16 =	vmovc v22;
	v23 =	vsel vm10, $0x1, v0;
	vm9 =	veq.s32 v17, v3;
	(xrf0) =	vadd.scan.msk.s32 $0xffff, v21  }
0x158: {  	v28 =	vshrl.u32 v18, $0x14;
	v18 =	vmovc v26;
	vm8 =	veq.s32 v29, v3;
	v24 =	vsel vm9, $0x1, v0;
	(xrf0) =	vadd.scan.msk.s32 $0xffff, v23  }
0x159: {  	s25 =	sadd.s32 $0x80, s25;
	v22 =	vshrl.u32 v27, $0x14;
	vm11 =	veq.s32 v28, v3;
	v21 =	vsel vm8, $0x1, v0;
	(xrf0) =	vadd.scan.msk.s32 $0xffff, v24;
	v17 =	vmovc v25  }
0x15a: {  	v23 =	vsel vm11, $0x1, v0;
	vm12 =	veq.s32 v22, v3;
	v20 =	vshrl.u32 v20, $0x14;
	(xrf0) =	vadd.scan.msk.s32 $0xffff, v21  }
0x15b: {  	v57 =	vsel vm12, $0x1, v0;
	vm13 =	veq.s32 v20, v3;
	(xrf0) =	vadd.scan.msk.s32 $0xffff, v23  }
0x15c: {  	v20 =	vsel vm13, $0x1, v0;
	(xrf0) =	vadd.scan.msk.s32 $0xffff, v57  }
0x15d: {  	v58, _, _ =	vpop (xrf0);
	(xrf0) =	vadd.scan.msk.s32 $0xffff, v20  }
0x15e: {  	(v2sf) =	vpush v58, $0xF;
	v59, _, _ =	vpop (xrf0)  }
0x15f: {  	(v2sf) =	vpush v59, $0xF;
	v60, _, _ =	vpop (xrf0)  }
0x160: {  	(v2sf) =	vpush v60, $0xF;
	v61, _, _ =	vpop (xrf0)  }
0x161: {  	(v2sf) =	vpush v61, $0xF;
	v62, _, _ =	vpop (xrf0)  }
0x162: {  	v19 =	vshrl.u32 v19, $0x14;
	(v2sf) =	vpush v62, $0xF;
	v63, _, _ =	vpop (xrf0)  }
0x163: {  	vm14 =	veq.s32 v19, v3;
	(v2sf) =	vpush v63, $0xF;
	v3, _, _ =	vpop (xrf0)  }
0x164: {  	v19 =	vsel vm14, $0x1, v0;
	(v2sf) =	vpush v3, $0xF  }
0x165: {  	s0 =	spop (v2sf);
	(xrf0) =	vadd.scan.msk.s32 $0xffff, v19  }
0x166: {  	s23 =	spop (v2sf);
	s0 =	sadd.s32 s26, s0  }
0x167: {  	s25 =	spop (v2sf);
	[tilespmem:s0+$0x10000] =	vst.msk vm5, v12;
	s0 =	sadd.s32 s0, s23  }
0x168: {  	s3 =	spop (v2sf);
	[tilespmem:s0+$0x10000] =	vst.msk vm7, v11;
	s0 =	sadd.s32 s0, s25  }
0x169: {  	vm3 =	vmmov vm3;
	s26 =	spop (v2sf);
	[tilespmem:s0+$0x10000] =	vst.msk vm6, v9;
	s0 =	sadd.s32 s0, s3  }
0x16a: {  	vm0 =	vmmov vm0;
	s28 =	spop (v2sf);
	[tilespmem:s0+$0x10000] =	vst.msk vm3, v7;
	s0 =	sadd.s32 s0, s26  }
0x16b: {  	vm1 =	vmmov vm1;
	s29 =	spop (v2sf);
	[tilespmem:s0+$0x10000] =	vst.msk vm0, v13;
	s0 =	sadd.s32 s0, s28;
	v3, _, _ =	vpop (xrf0)  }
0x16c: {  	vm6 =	vmmov vm2;
	[tilespmem:s0+$0x10000] =	vst.msk vm1, v10;
	s0 =	sadd.s32 s0, s29;
	s30 =	spop (v2sf);
	(v2sf) =	vpush v3, $0xF  }
0x16d: {  	[tilespmem:s0+$0x10000] =	vst.msk vm6, v5;
	s0 =	sadd.s32 s0, s30;
	s31 =	spop (v2sf)  }
0x16e: {  	vm7 =	vmmov vm10;
	[tilespmem:s0+$0x10000] =	vst.msk vm4, v17;
	s0 =	sadd.s32 s0, s31;
	s3 =	spop (v2sf)  }
0x16f: {  	vm9 =	vmmov vm9;
	[tilespmem:s0+$0x10000] =	vst.msk vm7, v14;
	s0 =	sadd.s32 s0, s3;
	s25 =	spop (v2sf)  }
0x170: {  	vm10 =	vmmov vm11;
	vm11 =	vmmov vm8;
	[tilespmem:s0+$0x10000] =	vst.msk vm9, v15;
	s0 =	sadd.s32 s0, s25;
	s26 =	spop (v2sf)  }
0x171: {  	vm0 =	vmmov vm10;
	[tilespmem:s0+$0x10000] =	vst.msk vm11, v18;
	s0 =	sadd.s32 s0, s26;
	s28 =	spop (v2sf)  }
0x172: {  	vm12 =	vmmov vm12;
	[tilespmem:s0+$0x10000] =	vst.msk vm0, v16;
	s0 =	sadd.s32 s0, s28;
	s29 =	spop (v2sf)  }
0x173: {  	vm13 =	vmmov vm13;
	[tilespmem:s0+$0x10000] =	vst.msk vm12, v8;
	s0 =	sadd.s32 s0, s29;
	s30 =	spop (v2sf)  }
0x174: {  	vm15 =	vmmov vm14;
	[tilespmem:s0+$0x10000] =	vst.msk vm13, v6;
	s0 =	sadd.s32 s0, s30  }
0x175: {  	s26 =	simm.s32 $0x140C0;
	[tilespmem:s0+$0x10000] =	vst.msk vm15, v4  }
0x176: {  	[tilespmem:s26+$0xFFFFFFC0] =	vst v0  }
0x177: {  	[tilespmem:s26+$0x30] =	vst v0  }
0x178: {  	[tilespmem:s26+$0x20] =	vst v0  }
0x179: {  	[tilespmem:s26+$0x10] =	vst v0  }
0x17a: {  	[tilespmem:s26+$0x0] =	vst v0  }
0x17b: {  	s31 =	spop (v2sf);
	[tilespmem:s26+$0xFFFFFFF0] =	vst v0  }
0x17c: {  	s23 =	sadd.s32 s0, s31;
	[tilespmem:s26+$0xFFFFFFE0] =	vst v0  }
.LBB2_31:
0x17d: {  	s24 =	sadd.s32 $0x8, s24;
	[tilespmem:s26+$0xFFFFFFD0] =	vst v0;
	s26 =	sadd.s32 $0x80, s26  }
0x17e: {  	[tilespmem:s26+$0xFFFFFFC0] =	vst v0;
	p0 =	slt.u32 s24, $0x38  }
0x17f: {  	[tilespmem:s26+$0x30] =	vst v0  }
.Ltmp10:
0x180: {  	[tilespmem:s26+$0x20] =	vst v0;
	(pc) =	sbr.rel @p0 .LBB2_31-.Ltmp10, $4  }
0x181: {  	[tilespmem:s26+$0x10] =	vst v0  }
0x182: {  	[tilespmem:s26+$0x0] =	vst v0  }
0x183: {  	[tilespmem:s26+$0xFFFFFFF0] =	vst v0  }
0x184: {  	[tilespmem:s26+$0xFFFFFFE0] =	vst v0  }
0x185: {  	s0 =	sadd.s32 $0xF, s23  }
0x186: {  	s24 =	sand.u32 $0xF, s0  }
0x187: {  	s31 =	sshra.s32 s0, $0x1F;
	p1 =	slt.s32 s0, $0x1;
	p0 =	sne.s32 s24, $0x0  }
0x188: {  	s24 =	sshrl.u32 s31, $0x1C;
	p0 =	por !p1, !p0  }
0x189: {  	s0 =	sadd.s32 s24, s0;
	s24 =	simm.s32 $0x1;
	p0 =	por !p0, !p0  }
0x18a: {  	s0 =	sshra.s32 s0, $0x4;
	s24 =	simm.s32 @!p0 $0x0  }
0x18b: {  	s25 =	ssub.s32 s0, s24  }
0x18c: {  	s0 =	sshrl.u32 s25, $0x1F  }
0x18d: {  	s0 =	sadd.s32 s0, s25  }
0x18e: {  	s24 =	sand.u32 $0xFFFFFFFE, s0  }
0x18f: {  	p1 =	slt.s32 s24, $0x1  }
.Ltmp11:
0x190: {  	_ = 	snop;
	(pc) =	sbr.rel @p1 .LBB2_38-.Ltmp11, $2  }
0x191: {  	_ =	sdelay $0x2  }
0x192: {  	[tilespmem:s26+$0xFFFFFFD0] =	vst v0;
	v3 =	vmov s23  }
0x193: {  	p2 =	sgt.s32 s24, $0x2  }
.Ltmp12:
0x194: {  	_ = 	snop;
	(pc) =	sbr.rel @!p2 .LBB2_34-.Ltmp12, $4  }
0x195: {  	_ = 	snop  }
0x196: {  	s0 =	simm.s32 $0x10010  }
0x197: {  	s28 =	simm.s32 $0x0;
	v4 =	vld [tilespmem:s0+$0xFFFFFFF0]  }
0x198: {  	s26 =	simm.s32 $0x10;
	p0 =	por $0x0, $0x0;
	v5 =	vld [tilespmem:s0+$0x0];
	v8 =	vor.u32 s28, v2  }
0x199: {  	_ =	sdelay $0x1  }
0x19a: {  	p2 =	sgt.s32 s24, $0x4  }
.Ltmp13:
0x19b: {  	vm0 =	vlt.s32 v8, v3;
	s0 =	simm.s32 $0x10030;
	v6 =	vshrl.u32 v4, $0xA;
	(pc) =	sbr.rel @!p2 .LBB2_37-.Ltmp13, $4  }
0x19c: {  	v7 =	vor.u32 s26, v2;
	v4 =	vld [tilespmem:s0+$0xFFFFFFF0];
	v6 =	vand.u32 $0x3FF, v6  }
0x19d: {  	vm1 =	vlt.s32 v7, v3;
	v8 =	vshrl.u32 v5, $0xA  }
0x19e: {  	s29 =	simm.s32 $0x20;
	v5 =	vld [tilespmem:s0+$0x0];
	v7 =	vand.u32 $0x3FF, v8  }
0x19f: {  	s28 =	simm.s32 $0x4;
	s26 =	simm.s32 $0x30;
	p0 =	por $0x1, $0x1;
	v8 =	vor.u32 s29, v2  }
.LBB2_36:
0x1a0: {  	s28 =	sadd.s32 $0x2, s28  }
0x1a1: {  	v9 =	vshrl.u32 v4, $0xA;
	s0 =	sadd.s32 $0x20, s0;
	[tilespmem:v6+s11+$0x0] =	vst.idx.add.s32.msk vm0, v1;
	vm0 =	vlt.s32 v8, v3;
	p2 =	slt.s32 s28, s24  }
.Ltmp14:
0x1a2: {  	v8 =	vor.u32 s26, v2;
	v4 =	vld [tilespmem:s0+$0xFFFFFFF0];
	v6 =	vand.u32 $0x3FF, v9;
	(pc) =	sbr.rel @p2 .LBB2_36-.Ltmp14, $4  }
0x1a3: {  	v9 =	vshrl.u32 v5, $0xA;
	[tilespmem:v7+s11+$0x0] =	vst.idx.add.s32.msk vm1, v1;
	vm1 =	vlt.s32 v8, v3  }
0x1a4: {  	s26 =	sadd.s32 $0x20, s26;
	v5 =	vld [tilespmem:s0+$0x0];
	v7 =	vand.u32 $0x3FF, v9  }
0x1a5: {  	s29 =	sadd.s32 $0xFFFFFFF0, s26  }
0x1a6: {  	v8 =	vor.u32 s29, v2  }
.LBB2_37:
0x1a7: {  	_ =	sdelay $0x1  }
0x1a8: {  	vm2 =	vlt.s32 v8, v3;
	v63 =	vor.u32 s26, v2;
	v4 =	vshrl.u32 v4, $0xA  }
0x1a9: {  	vm3 =	vlt.s32 v63, v3;
	v4 =	vand.u32 $0x3FF, v4;
	v5 =	vshrl.u32 v5, $0xA  }
0x1aa: {  	v5 =	vand.u32 $0x3FF, v5;
	_ =	sdelay $0x1  }
0x1ab: {  	[tilespmem:v6+s11+$0x0] =	vst.idx.add.s32.msk @p0 vm0, v1  }
0x1ac: {  	[tilespmem:v7+s11+$0x0] =	vst.idx.add.s32.msk @p0 vm1, v1  }
0x1ad: {  	[tilespmem:v4+s11+$0x0] =	vst.idx.add.s32.msk vm2, v1  }
0x1ae: {  	[tilespmem:v5+s11+$0x0] =	vst.idx.add.s32.msk vm3, v1  }
.LBB2_38:
0x1af: {  	s0 =	ssub.s32 s25, s24  }
0x1b0: {  	p0 =	slt.s32 s0, $0x1  }
0x1b1: {  	s25 =	sshll.u32 @!p0 s24, $0x4  }
0x1b2: {  	v4 =	vld @!p0 [tilespmem:s25+$0x10000];
	_ =	sdelay $0x2  }
0x1b3: {  	v5 =	vlaneseq.u32 @!p0  }
0x1b4: {  	v5 =	vor.u32 @!p0 s25, v5  }
0x1b5: {  	vm0 =	vlt.s32 @!p0 v5, s23;
	v4 =	vshrl.u32 @!p0 v4, $0xA  }
0x1b6: {  	v4 =	vand.u32 @!p0 $0x3FF, v4;
	_ =	sdelay $0x3  }
0x1b7: {  	s0 =	simm.s32 @!p0 $0x14080;
	v5 =	vimm.s32 @!p0 $0x1  }
0x1b8: {  	s3 =	simm.s32 $0x140A0;
	[tilespmem:v4+s0+$0x0] =	vst.idx.add.s32.msk @!p0 vm0, v5  }
0x1b9: {  	v12 =	vld [tilespmem:s3+$0xFFFFFFE0];
	_ =	sdelay $0x2  }
0x1ba: {  	v13 =	vld [tilespmem:s3+$0xFFFFFFF0];
	_ =	sdelay $0x1  }
0x1bb: {  	(xrf0) =	vadd.scan.msk.s32 $0xffff, v12;
	_ =	sdelay $0x2  }
0x1bc: {  	(xrf0) =	vadd.scan.msk.s32 $0xffff, v13  }
0x1bd: {  	v15 =	vld [tilespmem:s3+$0x0]  }
0x1be: {  	s26 =	simm.s32 $0x140E0;
	v25 =	vld [tilespmem:s3+$0x10]  }
0x1bf: {  	v10 =	vld [tilespmem:s26+$0xFFFFFFE0];
	v5, _, _ =	vpop (xrf0)  }
0x1c0: {  	(v2sf) =	vpush v5, $0xF;
	_ =	sdelay $0x1  }
0x1c1: {  	(xrf0) =	vadd.scan.msk.s32 $0xffff, v15;
	v9, _, _ =	vpop (xrf0)  }
0x1c2: {  	v16 =	vld [tilespmem:s26+$0xFFFFFFF0];
	(xrf0) =	vadd.scan.msk.s32 $0xffff, v25;
	(v2sf) =	vpush v9, $0xF  }
0x1c3: {  	(xrf0) =	vadd.scan.msk.s32 $0xffff, v10;
	_ =	sdelay $0x3  }
0x1c4: {  	(xrf0) =	vadd.scan.msk.s32 $0xffff, v16;
	v14, _, _ =	vpop (xrf0)  }
0x1c5: {  	v11 =	vld [tilespmem:s26+$0x0];
	(v2sf) =	vpush v14, $0xF;
	v17, _, _ =	vpop (xrf0)  }
0x1c6: {  	v19, _, _ =	vpop (xrf0);
	(v2sf) =	vpush v17, $0xF  }
0x1c7: {  	s30 =	simm.s32 $0x14120;
	v8 =	vld [tilespmem:s26+$0x10];
	(v2sf) =	vpush v19, $0xF  }
0x1c8: {  	v6 =	vld [tilespmem:s30+$0xFFFFFFE0]  }
0x1c9: {  	v7 =	vld [tilespmem:s30+$0xFFFFFFF0]  }
0x1ca: {  	(xrf0) =	vadd.scan.msk.s32 $0xffff, v11;
	v20, _, _ =	vpop (xrf0)  }
0x1cb: {  	(v2sf) =	vpush v20, $0xF;
	s26 =	spop (v2sf)  }
0x1cc: {  	(xrf0) =	vadd.scan.msk.s32 $0xffff, v8;
	s26 =	sadd.s32 $0x0, s26  }
0x1cd: {  	s28 =	simm.s32 $0x0;
	(xrf0) =	vadd.scan.msk.s32 $0xffff, v6;
	v18 =	vadd.s32 s26, v9;
	v9 =	vld [tilespmem:s30+$0x0]  }
0x1ce: {  	v4 =	vmov s22;
	v22 =	vadd.s32 s28, v5;
	(xrf0) =	vadd.scan.msk.s32 $0xffff, v7;
	s29 =	spop (v2sf)  }
0x1cf: {  	vm1 =	vle.s32 v22, v4;
	s26 =	sadd.s32 s29, s26  }
0x1d0: {  	v21 =	vimm.s32 $0x0;
	v12 =	vnsel vm1, $0x0, v12;
	v23, _, _ =	vpop (xrf0);
	v14 =	vadd.s32 s26, v14  }
0x1d1: {  	v12 =	vadd.s32 v21, v12;
	(v2sf) =	vpush v23, $0xF;
	vm0 =	vle.s32 v18, v4  }
0x1d2: {  	s31 =	simm.s32 $0x14160;
	v5 =	vld [tilespmem:s30+$0x10];
	v24 =	vsel vm0, $0x1, v0;
	v22 =	vnsel vm0, $0x0, v13;
	vm0 =	vle.s32 v14, v4;
	v18, _, _ =	vpop (xrf0);
	(xrf0) =	vadd.scan.msk.s32 $0xffff, v9  }
0x1d3: {  	v22 =	vadd.s32 v22, v12;
	v15 =	vnsel vm0, $0x0, v15;
	v12 =	vld [tilespmem:s31+$0xFFFFFFE0];
	v14, _, _ =	vpop (xrf0);
	(v2sf) =	vpush v18, $0xF  }
0x1d4: {  	s28 =	spop (v2sf);
	v22 =	vadd.s32 v15, v22;
	v15 =	vld [tilespmem:s31+$0xFFFFFFF0];
	(v2sf) =	vpush v14, $0xF;
	v13, _, _ =	vpop (xrf0)  }
0x1d5: {  	s26 =	sadd.s32 s28, s26;
	s28 =	spop (v2sf);
	(v2sf) =	vpush v13, $0xF  }
0x1d6: {  	s29 =	spop (v2sf);
	v17 =	vadd.s32 s26, v17;
	s26 =	sadd.s32 s28, s26  }
0x1d7: {  	(xrf0) =	vadd.scan.msk.s32 $0xffff, v5;
	v19 =	vadd.s32 s26, v19;
	s26 =	sadd.s32 s26, s29  }
0x1d8: {  	v26 =	vsel vm1, $0x1, v0;
	vm2 =	vle.s32 v17, v4;
	v17 =	vadd.s32 s26, v20;
	(xrf0) =	vadd.scan.msk.s32 $0xffff, v12;
	v20, _, _ =	vpop (xrf0)  }
0x1d9: {  	v21 =	vadd.s32 v26, v21;
	(xrf0) =	vadd.scan.msk.s32 $0xffff, v15;
	(v2sf) =	vpush v20, $0xF  }
0x1da: {  	v26 =	vsel vm0, $0x1, v0;
	s28 =	spop (v2sf);
	vm0 =	vle.s32 v19, v4;
	v19 =	vsel vm2, $0x1, v0  }
0x1db: {  	v21 =	vadd.s32 v24, v21;
	s26 =	sadd.s32 s28, s26;
	v25 =	vnsel vm2, $0x0, v25;
	vm1 =	vle.s32 v17, v4  }
0x1dc: {  	v27 =	vadd.s32 s26, v23;
	v23 =	vadd.s32 v26, v21;
	v17 =	vld [tilespmem:s31+$0x0];
	v21 =	vsel vm1, $0x1, v0  }
0x1dd: {  	s29 =	simm.s32 $0x141A0;
	s28 =	simm.s32 $0xC;
	v24 =	vnsel vm1, $0x0, v16;
	v23 =	vadd.s32 v19, v23;
	v16 =	vld [tilespmem:s31+$0x10];
	vm1 =	vle.s32 v27, v4;
	v19, _, _ =	vpop (xrf0)  }
.LBB2_39:
0x1de: {  	v26 =	vld [tilespmem:s29+$0xFFFFFFE0];
	s28 =	sadd.s32 $0x4, s28;
	v27, _, _ =	vpop (xrf0);
	(v2sf) =	vpush v19, $0xF;
	v29 =	vnsel vm0, $0x0, v10;
	v22 =	vadd.s32 v25, v22  }
0x1df: {  	v10 =	vmov v6;
	v25 =	vld [tilespmem:s29+$0xFFFFFFF0];
	p2 =	slt.u32 s28, $0x3C;
	(v2sf) =	vpush v27, $0xF;
	v28, _, _ =	vpop (xrf0);
	v22 =	vadd.s32 v22, v29  }
0x1e0: {  	v6 =	vmovc v12;
	(v2sf) =	vpush v28, $0xF;
	v22 =	vadd.s32 v24, v22;
	v24 =	vmovc v7;
	v7 =	vmov v15  }
0x1e1: {  	v30 =	vnsel vm1, $0x0, v11;
	v11 =	vmovc v9;
	(xrf0) =	vadd.scan.msk.s32 $0xffff, v17;
	s0 =	spop (v2sf);
	v9 =	vmov v17;
	v29 =	vmov v8  }
0x1e2: {  	v15 =	vsel vm0, $0x1, v0;
	v22 =	vadd.s32 v30, v22;
	v8 =	vmovc v5;
	(xrf0) =	vadd.scan.msk.s32 $0xffff, v16;
	s0 =	sadd.s32 s0, s26;
	s26 =	spop (v2sf);
	v5 =	vmov v16  }
0x1e3: {  	v30 =	vadd.s32 v15, v23;
	v16 =	vsel vm1, $0x1, v0;
	(xrf0) =	vadd.scan.msk.s32 $0xffff, v26;
	s30 =	spop (v2sf);
	v17 =	vadd.s32 s0, v18;
	s0 =	sadd.s32 s26, s0;
	v12 =	vmovc v26  }
.Ltmp15:
0x1e4: {  	v21 =	vadd.s32 v21, v30;
	(xrf0) =	vadd.scan.msk.s32 $0xffff, v25;
	v26 =	vadd.s32 s0, v14;
	s0 =	sadd.s32 s0, s30;
	s26 =	spop (v2sf);
	vm2 =	vle.s32 v17, v4;
	v14 =	vmovc v27;
	(pc) =	sbr.rel @p2 .LBB2_39-.Ltmp15, $4  }
0x1e5: {  	v15 =	vmovc v25;
	vm0 =	vle.s32 v26, v4;
	v17 =	vadd.s32 s0, v13;
	s26 =	sadd.s32 s26, s0;
	v23 =	vsel vm2, $0x1, v0;
	v13 =	vmovc v28  }
0x1e6: {  	v16 =	vadd.s32 v16, v21;
	v18 =	vmovc v19;
	vm1 =	vle.s32 v17, v4;
	v25 =	vadd.s32 s26, v20  }
0x1e7: {  	v23 =	vadd.s32 v23, v16;
	v17 =	vld [tilespmem:s29+$0x0];
	v20, _, _ =	vpop (xrf0);
	v21 =	vsel vm1, $0x1, v0;
	v24 =	vnsel vm1, $0x0, v24  }
0x1e8: {  	vm1 =	vle.s32 v25, v4;
	v25 =	vnsel vm2, $0x0, v29;
	v16 =	vld [tilespmem:s29+$0x10];
	s29 =	sadd.s32 $0x40, s29;
	(v2sf) =	vpush v20, $0xF;
	v19, _, _ =	vpop (xrf0)  }
0x1e9: {  	_ =	sdelay $0x2  }
0x1ea: {  	v26, _, _ =	vpop (xrf0);
	(xrf0) =	vadd.scan.msk.s32 $0xffff, v17  }
0x1eb: {  	(v2sf) =	vpush v19, $0xF  }
0x1ec: {  	(v2sf) =	vpush v26, $0xF  }
0x1ed: {  	v27, _, _ =	vpop (xrf0)  }
0x1ee: {  	(v2sf) =	vpush v27, $0xF  }
0x1ef: {  	v22 =	vadd.s32 v25, v22  }
0x1f0: {  	v10 =	vnsel vm0, $0x0, v10;
	v11 =	vnsel vm1, $0x0, v11;
	s0 =	spop (v2sf);
	v45 =	vsel vm0, $0x1, v0;
	v44, _, _ =	vpop (xrf0)  }
0x1f1: {  	v47 =	vsel vm1, $0x1, v0;
	v10 =	vadd.s32 v22, v10;
	s0 =	sadd.s32 s0, s26;
	(v2sf) =	vpush v44, $0xF  }
0x1f2: {  	v46 =	vadd.s32 v45, v23;
	v10 =	vadd.s32 v24, v10;
	v18 =	vadd.s32 s0, v18;
	s3 =	spop (v2sf)  }
0x1f3: {  	v10 =	vadd.s32 v11, v10;
	v11 =	vadd.s32 v21, v46;
	vm8 =	vle.s32 v18, v4;
	(xrf0) =	vadd.scan.msk.s32 $0xffff, v16;
	s28 =	spop (v2sf);
	s0 =	sadd.s32 s3, s0  }
0x1f4: {  	v48 =	vsel vm8, $0x1, v0;
	v8 =	vnsel vm8, $0x0, v8;
	v14 =	vadd.s32 s0, v14;
	s0 =	sadd.s32 s0, s28  }
0x1f5: {  	v11 =	vadd.s32 v47, v11;
	v8 =	vadd.s32 v8, v10;
	s29 =	spop (v2sf);
	v13 =	vadd.s32 s0, v13  }
0x1f6: {  	v52 =	vadd.s32 v48, v11;
	vm9 =	vle.s32 v14, v4;
	s0 =	sadd.s32 s29, s0;
	vm2 =	vle.s32 v13, v4  }
0x1f7: {  	v49 =	vadd.s32 s0, v20;
	v6 =	vnsel vm9, $0x0, v6;
	v53 =	vsel vm9, $0x1, v0  }
0x1f8: {  	v7 =	vnsel vm2, $0x0, v7;
	vm10 =	vle.s32 v49, v4;
	v6 =	vadd.s32 v8, v6  }
0x1f9: {  	v51 =	vsel vm2, $0x1, v0;
	v50, _, _ =	vpop (xrf0);
	v6 =	vadd.s32 v7, v6;
	v7 =	vnsel vm10, $0x0, v9;
	s30 =	spop (v2sf)  }
0x1fa: {  	(v2sf) =	vpush v50, $0xF;
	v6 =	vadd.s32 v7, v6;
	v7 =	vadd.s32 v53, v52;
	s0 =	sadd.s32 s30, s0;
	s31 =	spop (v2sf)  }
0x1fb: {  	v54 =	vsel vm10, $0x1, v0;
	v7 =	vadd.s32 v51, v7;
	s3 =	spop (v2sf);
	s26 =	sadd.s32 s31, s0  }
0x1fc: {  	v7 =	vadd.s32 v54, v7;
	v55 =	vadd.s32 s0, v19;
	v56 =	vadd.s32 s26, v26;
	s28 =	sadd.s32 s26, s3  }
0x1fd: {  	s29 =	spop (v2sf);
	vm11 =	vle.s32 v55, v4;
	vm12 =	vle.s32 v56, v4;
	v57 =	vadd.s32 s28, v27  }
0x1fe: {  	s0 =	sadd.s32 s29, s28;
	v58 =	vsel vm11, $0x1, v0;
	v5 =	vnsel vm11, $0x0, v5;
	vm13 =	vle.s32 v57, v4  }
0x1ff: {  	v59 =	vadd.s32 s0, v44;
	v12 =	vnsel vm12, $0x0, v12;
	v5 =	vadd.s32 v5, v6  }
0x200: {  	v61 =	vnsel vm13, $0x0, v15;
	vm14 =	vle.s32 v59, v4;
	v5 =	vadd.s32 v5, v12;
	s30 =	spop (v2sf)  }
0x201: {  	v6 =	vadd.s32 v58, v7;
	v5 =	vadd.s32 v61, v5;
	v7 =	vnsel vm14, $0x0, v17;
	s0 =	sadd.s32 s30, s0  }
0x202: {  	v5 =	vadd.s32 v7, v5;
	v7 =	vadd.s32 s0, v50;
	s0 =	simm.s32 $0x140C0  }
0x203: {  	[tilespmem:s0+$0xFFFFFFC0] =	vst v0  }
0x204: {  	[tilespmem:s0+$0x30] =	vst v0  }
0x205: {  	v62 =	vsel vm12, $0x1, v0;
	[tilespmem:s0+$0x20] =	vst v0  }
0x206: {  	v60 =	vsel vm13, $0x1, v0;
	v6 =	vadd.s32 v62, v6;
	[tilespmem:s0+$0x10] =	vst v0  }
0x207: {  	v63 =	vsel vm14, $0x1, v0;
	v6 =	vadd.s32 v60, v6;
	vm15 =	vle.s32 v7, v4;
	[tilespmem:s0+$0x0] =	vst v0  }
0x208: {  	v6 =	vadd.s32 v63, v6;
	[tilespmem:s0+$0xFFFFFFF0] =	vst v0;
	v4 =	vsel vm15, $0x1, v0;
	v7 =	vnsel vm15, $0x0, v16  }
0x209: {  	s26 =	simm.s32 $0x0;
	s31 =	spop (v2sf);
	[tilespmem:s0+$0xFFFFFFE0] =	vst v0;
	v4 =	vadd.s32 v4, v6;
	v5 =	vadd.s32 v7, v5  }
.LBB2_41:
0x20a: {  	s26 =	sadd.s32 $0x8, s26;
	[tilespmem:s0+$0xFFFFFFD0] =	vst v0;
	s0 =	sadd.s32 $0x80, s0  }
0x20b: {  	[tilespmem:s0+$0xFFFFFFC0] =	vst v0;
	p2 =	slt.u32 s26, $0x38  }
0x20c: {  	[tilespmem:s0+$0x30] =	vst v0  }
.Ltmp16:
0x20d: {  	[tilespmem:s0+$0x20] =	vst v0;
	(pc) =	sbr.rel @p2 .LBB2_41-.Ltmp16, $4  }
0x20e: {  	[tilespmem:s0+$0x10] =	vst v0  }
0x20f: {  	[tilespmem:s0+$0x0] =	vst v0  }
0x210: {  	[tilespmem:s0+$0xFFFFFFF0] =	vst v0  }
0x211: {  	[tilespmem:s0+$0xFFFFFFE0] =	vst v0  }
0x212: {  	(xrf0) =	vadd.scan.msk.s32 $0xffff, v5  }
0x213: {  	(xrf0) =	vadd.scan.msk.s32 $0xffff, v4;
	_ =	sdelay $0x4  }
0x214: {  	v4, _, _ =	vpop (xrf0)  }
0x215: {  	(v2sf) =	vpush v4, $0xF;
	v4, _, _ =	vpop (xrf0)  }
0x216: {  	(v2sf) =	vpush v4, $0xF;
	_ =	sdelay $0xa  }
.Ltmp17:
0x217: {  	_ = 	snop;
	(pc) =	sbr.rel @p1 .LBB2_52-.Ltmp17, $3  }
0x218: {  	_ =	sdelay $0x1  }
0x219: {  	s28 =	spop (v2sf)  }
0x21a: {  	[tilespmem:s0+$0xFFFFFFD0] =	vst v0;
	s26 =	spop (v2sf)  }
0x21b: {  	p3 =	sgt.s32 s24, $0x2  }
.Ltmp18:
0x21c: {  	_ = 	snop;
	(pc) =	sbr.rel @!p3 .LBB2_44-.Ltmp18, $4  }
0x21d: {  	_ = 	snop  }
0x21e: {  	s0 =	simm.s32 $0x10010  }
0x21f: {  	v6 =	vld [tilespmem:s0+$0x0]  }
0x220: {  	v5 =	vbroadcast v4, $0xF;
	s29 =	simm.s32 $0x10;
	p1 =	por $0x0, $0x0;
	p2 =	por $0x0, $0x0;
	v10 =	vld [tilespmem:s0+$0xFFFFFFF0]  }
0x221: {  	_ =	sdelay $0x1  }
0x222: {  	p3 =	sgt.s32 s24, $0x4  }
.Ltmp19:
0x223: {  	_ = 	snop;
	(pc) =	sbr.rel @!p3 .LBB2_46-.Ltmp19, $4  }
0x224: {  	s0 =	simm.s32 $0x10030;
	v11 =	vor.u32 s29, v2;
	v9 =	vshrl.u32 v10, $0xA  }
0x225: {  	s30 =	simm.s32 $0x0;
	v8 =	vshrl.u32 v6, $0xA;
	v7 =	vand.u32 $0x3FF, v6;
	v13 =	vand.u32 $0x3FF, v9;
	v9 =	vld [tilespmem:s0+$0xFFFFFFF0]  }
0x226: {  	v12 =	vor.u32 s30, v2;
	vm5 =	vlt.s32 v11, v3;
	v8 =	vand.u32 $0x3FF, v8  }
0x227: {  	p1 =	por $0x1, $0x1;
	vm3 =	vlt.s32 v12, v3;
	v6 =	vld [tilespmem:s0+$0x0];
	vm2 =	veq.s32 v8, v5;
	vm4 =	veq.s32 v13, v5  }
0x228: {  	_ = 	snop  }
0x229: {  	p3 =	sgt.s32 s24, $0x6  }
.Ltmp20:
0x22a: {  	vm0 =	vmand vm3, vm4;
	vm1 =	vmand vm5, vm2;
	v8 =	vand.u32 $0x3FF, v10;
	s30 =	simm.s32 $0x30;
	s0 =	simm.s32 $0x20;
	(pc) =	sbr.rel @!p3 .LBB2_48-.Ltmp20, $4  }
0x22b: {  	vm1 =	vmmov vm1;
	v13 =	vor.u32 s30, v2;
	v14 =	vor.u32 s0, v2  }
0x22c: {  	s31 =	simm.s32 $0x10050;
	v12 =	vshrl.u32 v9, $0xA;
	vm3 =	vlt.s32 v14, v3;
	v10 =	vshrl.u32 v6, $0xA  }
0x22d: {  	v15 =	vand.u32 $0x3FF, v12;
	v11 =	vand.u32 $0x3FF, v6;
	v6 =	vld [tilespmem:s31+$0x0];
	v10 =	vand.u32 $0x3FF, v10  }
0x22e: {  	p2 =	por $0x1, $0x1;
	s0 =	simm.s32 $0x6;
	vm5 =	vlt.s32 v13, v3;
	v12 =	vld [tilespmem:s31+$0xFFFFFFF0];
	vm4 =	veq.s32 v15, v5;
	vm2 =	veq.s32 v10, v5  }
.LBB2_49:
0x22f: {  	s0 =	sadd.s32 $0x2, s0  }
0x230: {  	vm2 =	vmand vm5, vm2;
	[tilespmem:v8+s11+$0x0] =	vst.idx.add.s32.msk vm0, v1;
	vm0 =	vmand vm3, vm4;
	p3 =	slt.s32 s0, s24  }
.Ltmp21:
0x231: {  	v8 =	vand.u32 $0x3FF, v9;
	[tilespmem:v7+s11+$0x0] =	vst.idx.add.s32.msk vm1, v1;
	v7 =	vmov v11;
	vm1 =	vmmov vm2;
	(pc) =	sbr.rel @p3 .LBB2_49-.Ltmp21, $4  }
0x232: {  	s31 =	sadd.s32 $0x20, s31;
	s30 =	sadd.s32 $0x20, s30;
	v15 =	vshrl.u32 v6, $0xA;
	v11 =	vand.u32 $0x3FF, v6  }
0x233: {  	s3 =	sadd.s32 $0xFFFFFFF0, s30;
	v13 =	vor.u32 s30, v2;
	v6 =	vld [tilespmem:s31+$0x0];
	v10 =	vshrl.u32 v12, $0xA;
	v14 =	vand.u32 $0x3FF, v15;
	v9 =	vmovc v12  }
0x234: {  	v15 =	vor.u32 s3, v2;
	v12 =	vld [tilespmem:s31+$0xFFFFFFF0];
	v10 =	vand.u32 $0x3FF, v10;
	vm2 =	veq.s32 v14, v5  }
0x235: {  	vm5 =	vlt.s32 v13, v3;
	vm3 =	vlt.s32 v15, v3;
	vm4 =	veq.s32 v10, v5  }
0x236: {  	_ =	sdelay $0x2  }
0x237: {  	v10 =	vmovc v9;
	v13 =	vmov v7;
	v7 =	vmov v11;
	v9 =	vmov v12  }
.LBB2_51:
0x238: {  	vm3 =	vmand @p1 vm3, vm4;
	vm2 =	vmand @p1 vm5, vm2  }
0x239: {  	s0 =	sadd.s32 @p1 $0x20, s30;
	v10 =	vand.u32 @p1 $0x3FF, v10;
	v11 =	vshrl.u32 v6, $0xA;
	v12 =	vshrl.u32 v9, $0xA  }
0x23a: {  	s29 =	smov.u32 @p1 s0;
	vm2 =	vmmov @p1 vm2;
	v11 =	vand.u32 $0x3FF, v11;
	v12 =	vand.u32 $0x3FF, v12  }
0x23b: {  	vm3 =	vmmov @p1 vm3;
	s0 =	sadd.s32 $0xFFFFFFF0, s29;
	vm14 =	veq.s32 v11, v5;
	vm15 =	veq.s32 v12, v5  }
0x23c: {  	v5 =	vor.u32 s29, v2;
	vm2 =	vmmov @p1 vm2;
	v63 =	vor.u32 s0, v2  }
0x23d: {  	vm7 =	vlt.s32 v5, v3;
	v5 =	vpsel p1, v10, v0;
	vm6 =	vlt.s32 v63, v3;
	v3 =	vmovc @p1 v7  }
0x23e: {  	vm4 =	vmand vm7, vm14;
	vm5 =	vmand vm6, vm15;
	v3 =	vpsel p1, v3, v0  }
0x23f: {  	v7 =	vand.u32 $0x3FF, v9;
	vm4 =	vmmov vm4  }
0x240: {  	[tilespmem:v8+s11+$0x0] =	vst.idx.add.s32.msk @p2 vm0, v1;
	v6 =	vand.u32 $0x3FF, v6  }
0x241: {  	[tilespmem:v13+s11+$0x0] =	vst.idx.add.s32.msk @p2 vm1, v1  }
0x242: {  	[tilespmem:v5+s11+$0x0] =	vst.idx.add.s32.msk @p1 vm3, v1  }
0x243: {  	[tilespmem:v3+s11+$0x0] =	vst.idx.add.s32.msk @p1 vm2, v1  }
0x244: {  	[tilespmem:v7+s11+$0x0] =	vst.idx.add.s32.msk vm5, v1  }
0x245: {  	[tilespmem:v6+s11+$0x0] =	vst.idx.add.s32.msk vm4, v1  }
.LBB2_52:
0x246: {  	v3 =	vld @!p0 [tilespmem:s25+$0x10000];
	_ =	sdelay $0x4  }
0x247: {  	v4 =	vbroadcast @!p0 v4, $0xF;
	v5 =	vlaneseq.u32 @!p0;
	v6 =	vshrl.u32 @!p0 v3, $0xA  }
0x248: {  	v5 =	vor.u32 @!p0 s25, v5;
	v6 =	vand.u32 @!p0 $0x3FF, v6  }
0x249: {  	vm0 =	vlt.s32 @!p0 v5, s23;
	vm1 =	veq.s32 @!p0 v6, v4  }
0x24a: {  	vm0 =	vmand @!p0 vm0, vm1  }
0x24b: {  	v3 =	vand.u32 @!p0 $0x3FF, v3;
	_ =	sdelay $0x3  }
0x24c: {  	s0 =	simm.s32 @!p0 $0x14080;
	v4 =	vimm.s32 @!p0 $0x1  }
0x24d: {  	s22 =	ssub.s32 s22, s28;
	s28 =	simm.s32 $0x140A0;
	[tilespmem:v3+s0+$0x0] =	vst.idx.add.s32.msk @!p0 vm0, v4  }
0x24e: {  	v3 =	vld [tilespmem:s28+$0xFFFFFFE0]  }
0x24f: {  	v4 =	vld [tilespmem:s28+$0xFFFFFFF0]  }
0x250: {  	v5 =	vld [tilespmem:s28+$0x0]  }
0x251: {  	v6 =	vld [tilespmem:s28+$0x10]  }
0x252: {  	s29 =	simm.s32 $0x140E0  }
0x253: {  	(xrf0) =	vadd.scan.msk.s32 $0xffff, v3;
	v3 =	vld [tilespmem:s29+$0xFFFFFFE0]  }
0x254: {  	(xrf0) =	vadd.scan.msk.s32 $0xffff, v4  }
0x255: {  	(xrf0) =	vadd.scan.msk.s32 $0xffff, v5  }
0x256: {  	(xrf0) =	vadd.scan.msk.s32 $0xffff, v6  }
0x257: {  	v4 =	vld [tilespmem:s29+$0xFFFFFFF0]  }
0x258: {  	(xrf0) =	vadd.scan.msk.s32 $0xffff, v3;
	v3 =	vld [tilespmem:s29+$0x0]  }
0x259: {  	s30 =	simm.s32 $0x14120;
	v5 =	vld [tilespmem:s29+$0x10];
	v10, _, _ =	vpop (xrf0)  }
0x25a: {  	v6 =	vld [tilespmem:s30+$0xFFFFFFE0];
	(v2sf) =	vpush v10, $0xF;
	v11, _, _ =	vpop (xrf0)  }
0x25b: {  	v7 =	vld [tilespmem:s30+$0xFFFFFFF0];
	(v2sf) =	vpush v11, $0xF;
	v12, _, _ =	vpop (xrf0)  }
0x25c: {  	(xrf0) =	vadd.scan.msk.s32 $0xffff, v4;
	(v2sf) =	vpush v12, $0xF;
	v14, _, _ =	vpop (xrf0)  }
0x25d: {  	(v2sf) =	vpush v14, $0xF;
	(xrf0) =	vadd.scan.msk.s32 $0xffff, v3  }
0x25e: {  	v4 =	vld [tilespmem:s30+$0x0];
	(xrf0) =	vadd.scan.msk.s32 $0xffff, v5  }
0x25f: {  	s31 =	simm.s32 $0x14160;
	v3 =	vld [tilespmem:s30+$0x10];
	(xrf0) =	vadd.scan.msk.s32 $0xffff, v6  }
0x260: {  	v5 =	vld [tilespmem:s31+$0xFFFFFFE0];
	(xrf0) =	vadd.scan.msk.s32 $0xffff, v7  }
0x261: {  	v13 =	vld [tilespmem:s31+$0xFFFFFFF0];
	v16, _, _ =	vpop (xrf0)  }
0x262: {  	v9, _, _ =	vpop (xrf0)  }
0x263: {  	(xrf0) =	vadd.scan.msk.s32 $0xffff, v4;
	v8, _, _ =	vpop (xrf0)  }
0x264: {  	(v2sf) =	vpush v16, $0xF;
	(xrf0) =	vadd.scan.msk.s32 $0xffff, v3;
	v7, _, _ =	vpop (xrf0)  }
0x265: {  	(v2sf) =	vpush v9, $0xF;
	(xrf0) =	vadd.scan.msk.s32 $0xffff, v5;
	v4, _, _ =	vpop (xrf0)  }
0x266: {  	s3 =	simm.s32 $0x0;
	v15 =	vld [tilespmem:s31+$0x0];
	(v2sf) =	vpush v8, $0xF;
	v6, _, _ =	vpop (xrf0);
	(xrf0) =	vadd.scan.msk.s32 $0xffff, v13  }
0x267: {  	v10 =	vadd.s32 s3, v10;
	(v2sf) =	vpush v7, $0xF  }
0x268: {  	(v2sf) =	vpush v4, $0xF  }
0x269: {  	v3 =	vmov s22;
	v5, _, _ =	vpop (xrf0);
	s25 =	spop (v2sf);
	(v2sf) =	vpush v6, $0xF  }
0x26a: {  	vm0 =	vle.s32 v10, v3;
	v10, _, _ =	vpop (xrf0);
	s28 =	sadd.s32 $0x0, s25;
	s29 =	spop (v2sf);
	(v2sf) =	vpush v5, $0xF  }
0x26b: {  	(xrf0) =	vadd.scan.msk.s32 $0xffff, v15;
	v15 =	vsel vm0, $0x1, v0;
	v13, _, _ =	vpop (xrf0);
	v11 =	vadd.s32 s28, v11;
	s3 =	sadd.s32 s29, s28;
	s30 =	spop (v2sf);
	(v2sf) =	vpush v10, $0xF  }
0x26c: {  	v17 =	vld [tilespmem:s31+$0x10];
	vm0 =	vle.s32 v11, v3;
	v11 =	vadd.s32 s3, v12;
	s31 =	spop (v2sf);
	(v2sf) =	vpush v13, $0xF;
	v12, _, _ =	vpop (xrf0)  }
0x26d: {  	s23 =	simm.s32 $0x141A0;
	(v2sf) =	vpush v12, $0xF  }
0x26e: {  	v19 =	vld [tilespmem:s23+$0xFFFFFFE0]  }
0x26f: {  	v18 =	vimm.s32 $0x0;
	v20 =	vld [tilespmem:s23+$0xFFFFFFF0]  }
0x270: {  	s3 =	sadd.s32 s30, s3;
	v21 =	vsel vm0, $0x1, v0;
	vm0 =	vle.s32 v11, v3;
	v11 =	vadd.s32 v15, v18;
	v15 =	vld [tilespmem:s23+$0x0]  }
0x271: {  	v14 =	vadd.s32 s3, v14  }
0x272: {  	(xrf0) =	vadd.scan.msk.s32 $0xffff, v17  }
0x273: {  	(xrf0) =	vadd.scan.msk.s32 $0xffff, v19;
	s24 =	sadd.s32 s31, s3;
	v18 =	vsel vm0, $0x1, v0;
	v19 =	vadd.s32 v21, v11  }
0x274: {  	s22 =	simm.s32 $0x10;
	(xrf0) =	vadd.scan.msk.s32 $0xffff, v20;
	vm0 =	vle.s32 v14, v3;
	v11 =	vld [tilespmem:s23+$0x10];
	s23 =	simm.s32 $0x141E0;
	v17 =	vadd.s32 s24, v16;
	s0 =	spop (v2sf);
	v16 =	vadd.s32 v18, v19;
	v14, _, _ =	vpop (xrf0)  }
.LBB2_53:
0x275: {  	(xrf0) =	vadd.scan.msk.s32 $0xffff, v15;
	(v2sf) =	vpush v14, $0xF;
	v15 =	vsel vm0, $0x1, v0;
	v19 =	vmov v7  }
0x276: {  	v18 =	vld [tilespmem:s23+$0xFFFFFFE0];
	s22 =	sadd.s32 $0x4, s22;
	s0 =	sadd.s32 s24, s0;
	s3 =	spop (v2sf);
	v7 =	vmovc v10;
	v20 =	vmovc v4;
	v4 =	vmov v13;
	v13 =	vmov v5;
	v5 =	vmov v14  }
0x277: {  	vm0 =	vle.s32 v17, v3;
	v14 =	vld [tilespmem:s23+$0xFFFFFFF0];
	p0 =	slt.u32 s22, $0x3C;
	v17 =	vadd.s32 s0, v9;
	s0 =	sadd.s32 s3, s0;
	s3 =	spop (v2sf);
	v16 =	vadd.s32 v15, v16;
	v9 =	vmovc v6;
	v6 =	vmovc v12  }
.Ltmp22:
0x278: {  	v12 =	vsel vm0, $0x1, v0;
	v15 =	vld [tilespmem:s23+$0x0];
	v10, _, _ =	vpop (xrf0);
	vm0 =	vle.s32 v17, v3;
	v21 =	vadd.s32 s0, v8;
	s0 =	sadd.s32 s3, s0;
	(pc) =	sbr.rel @p0 .LBB2_53-.Ltmp22, $4  }
0x279: {  	v8 =	vmovc v13;
	(xrf0) =	vadd.scan.msk.s32 $0xffff, v11;
	(v2sf) =	vpush v10, $0xF;
	v17 =	vsel vm0, $0x1, v0;
	vm0 =	vle.s32 v21, v3  }
0x27a: {  	v16 =	vadd.s32 v12, v16;
	v19 =	vadd.s32 s0, v19;
	v13, _, _ =	vpop (xrf0);
	v21 =	vsel vm0, $0x1, v0;
	s3 =	spop (v2sf)  }
0x27b: {  	v16 =	vadd.s32 v17, v16;
	vm0 =	vle.s32 v19, v3;
	v11 =	vld [tilespmem:s23+$0x10];
	(xrf0) =	vadd.scan.msk.s32 $0xffff, v18;
	(v2sf) =	vpush v13, $0xF;
	v12, _, _ =	vpop (xrf0);
	s24 =	sadd.s32 s3, s0  }
0x27c: {  	s23 =	sadd.s32 $0x40, s23;
	v16 =	vadd.s32 v21, v16;
	(xrf0) =	vadd.scan.msk.s32 $0xffff, v14;
	(v2sf) =	vpush v12, $0xF;
	v14, _, _ =	vpop (xrf0);
	v17 =	vadd.s32 s24, v20;
	s0 =	spop (v2sf)  }
0x27d: {  	(xrf0) =	vadd.scan.msk.s32 $0xffff, v15;
	_ =	sdelay $0x1  }
0x27e: {  	(v2sf) =	vpush v14, $0xF;
	v33, _, _ =	vpop (xrf0)  }
0x27f: {  	(v2sf) =	vpush v33, $0xF  }
0x280: {  	s0 =	sadd.s32 s24, s0;
	v19 =	vsel vm0, $0x1, v0;
	vm12 =	vle.s32 v17, v3;
	v18, _, _ =	vpop (xrf0)  }
0x281: {  	s3 =	spop (v2sf);
	v9 =	vadd.s32 s0, v9;
	v16 =	vadd.s32 v19, v16;
	(v2sf) =	vpush v18, $0xF;
	v34, _, _ =	vpop (xrf0)  }
0x282: {  	s0 =	sadd.s32 s3, s0;
	s22 =	spop (v2sf);
	v35 =	vsel vm12, $0x1, v0;
	vm13 =	vle.s32 v9, v3;
	(v2sf) =	vpush v34, $0xF;
	v36, _, _ =	vpop (xrf0)  }
0x283: {  	v8 =	vadd.s32 s0, v8;
	s0 =	sadd.s32 s22, s0;
	v37 =	vadd.s32 v35, v16;
	(v2sf) =	vpush v36, $0xF  }
0x284: {  	s23 =	spop (v2sf);
	v20 =	vsel vm13, $0x1, v0;
	vm14 =	vle.s32 v8, v3;
	v7 =	vadd.s32 s0, v7  }
0x285: {  	s0 =	sadd.s32 s23, s0;
	s24 =	spop (v2sf);
	v8 =	vadd.s32 v20, v37;
	v38 =	vsel vm14, $0x1, v0;
	vm15 =	vle.s32 v7, v3  }
0x286: {  	v4 =	vadd.s32 s0, v4;
	s0 =	sadd.s32 s0, s24;
	s25 =	spop (v2sf);
	v39 =	vadd.s32 v38, v8;
	v40 =	vsel vm15, $0x1, v0  }
0x287: {  	vm4 =	vle.s32 v4, v3;
	v41 =	vadd.s32 s0, v6;
	s0 =	sadd.s32 s25, s0;
	v42 =	vadd.s32 v40, v39  }
0x288: {  	v43 =	vsel vm4, $0x1, v0;
	vm5 =	vle.s32 v41, v3;
	v44 =	vadd.s32 s0, v5;
	s28 =	spop (v2sf)  }
0x289: {  	v45 =	vsel vm5, $0x1, v0;
	vm6 =	vle.s32 v44, v3;
	v46 =	vadd.s32 v43, v42;
	s0 =	sadd.s32 s28, s0;
	s29 =	spop (v2sf)  }
0x28a: {  	v47 =	vsel vm6, $0x1, v0;
	v4 =	vadd.s32 v45, v46;
	v48 =	vadd.s32 s0, v10;
	s0 =	sadd.s32 s29, s0;
	s30 =	spop (v2sf)  }
0x28b: {  	v4 =	vadd.s32 v47, v4;
	vm7 =	vle.s32 v48, v3;
	v49 =	vadd.s32 s0, v13;
	s0 =	sadd.s32 s0, s30;
	s31 =	spop (v2sf)  }
0x28c: {  	v50 =	vsel vm7, $0x1, v0;
	vm8 =	vle.s32 v49, v3;
	v51 =	vadd.s32 s0, v12;
	s0 =	sadd.s32 s31, s0  }
0x28d: {  	(xrf0) =	vadd.scan.msk.s32 $0xffff, v11;
	v4 =	vadd.s32 v50, v4;
	s22 =	spop (v2sf);
	v52 =	vsel vm8, $0x1, v0;
	v53 =	vadd.s32 s0, v14  }
0x28e: {  	vm9 =	vle.s32 v51, v3;
	s0 =	sadd.s32 s22, s0;
	v4 =	vadd.s32 v52, v4;
	vm10 =	vle.s32 v53, v3;
	s23 =	spop (v2sf)  }
0x28f: {  	v54 =	vsel vm9, $0x1, v0;
	v55 =	vadd.s32 s0, v33;
	v5 =	vsel vm10, $0x1, v0;
	s0 =	sadd.s32 s23, s0  }
0x290: {  	v4 =	vadd.s32 v54, v4;
	vm11 =	vle.s32 v55, v3;
	s24 =	spop (v2sf);
	v56 =	vadd.s32 s0, v18  }
0x291: {  	v7 =	vsel vm11, $0x1, v0;
	v4 =	vadd.s32 v5, v4;
	s0 =	sadd.s32 s0, s24;
	s25 =	spop (v2sf);
	vm12 =	vle.s32 v56, v3  }
0x292: {  	v4 =	vadd.s32 v7, v4;
	v57 =	vadd.s32 s0, v34;
	s0 =	sadd.s32 s25, s0;
	s28 =	spop (v2sf);
	v58 =	vsel vm12, $0x1, v0  }
0x293: {  	v59, _, _ =	vpop (xrf0);
	vm13 =	vle.s32 v57, v3;
	v60 =	vadd.s32 s0, v36;
	s0 =	sadd.s32 s28, s0;
	v4 =	vadd.s32 v58, v4  }
0x294: {  	v61 =	vsel vm13, $0x1, v0;
	vm14 =	vle.s32 v60, v3;
	v62 =	vadd.s32 s0, v59  }
0x295: {  	v7 =	vsel vm14, $0x1, v0;
	v4 =	vadd.s32 v61, v4;
	vm15 =	vle.s32 v62, v3  }
0x296: {  	v3 =	vadd.s32 v7, v4;
	v63 =	vsel vm15, $0x1, v0  }
0x297: {  	v3 =	vadd.s32 v63, v3  }
0x298: {  	(xrf0) =	vadd.scan.msk.s32 $0xffff, v3;
	_ =	sdelay $0x5  }
0x299: {  	(v2sf) =	vpush v59, $0xF;
	v3, _, _ =	vpop (xrf0)  }
0x29a: {  	(v2sf) =	vpush v3, $0xF;
	_ =	sdelay $0xb  }
.Ltmp23:
0x29b: {  	_ = 	snop;
	(pc) =	sbr.rel .LBB2_55-.Ltmp23, $4  }
0x29c: {  	_ = 	snop  }
0x29d: {  	s30 =	sshll.u32 s26, $0xA;
	s0 =	sshll.u32 s21, $0x14;
	s29 =	spop (v2sf)  }
0x29e: {  	s0 =	sor.u32 s0, s30;
	s31 =	spop (v2sf)  }
0x29f: {  	s0 =	sor.u32 s31, s0  }
.LBB2_15:
0x2a0: {  	s0 =	simm.s32 $0x140C0  }
0x2a1: {  	[tilespmem:s0+$0xFFFFFFC0] =	vst v0  }
0x2a2: {  	[tilespmem:s0+$0x30] =	vst v0  }
0x2a3: {  	[tilespmem:s0+$0x20] =	vst v0  }
0x2a4: {  	[tilespmem:s0+$0x10] =	vst v0  }
0x2a5: {  	[tilespmem:s0+$0x0] =	vst v0  }
0x2a6: {  	[tilespmem:s0+$0xFFFFFFF0] =	vst v0  }
0x2a7: {  	s23 =	simm.s32 $0x0;
	[tilespmem:s0+$0xFFFFFFE0] =	vst v0  }
.LBB2_16:
0x2a8: {  	s23 =	sadd.s32 $0x8, s23;
	[tilespmem:s0+$0xFFFFFFD0] =	vst v0;
	s0 =	sadd.s32 $0x80, s0  }
0x2a9: {  	[tilespmem:s0+$0xFFFFFFC0] =	vst v0;
	p0 =	slt.u32 s23, $0x38  }
0x2aa: {  	[tilespmem:s0+$0x30] =	vst v0  }
.Ltmp24:
0x2ab: {  	[tilespmem:s0+$0x20] =	vst v0;
	(pc) =	sbr.rel @p0 .LBB2_16-.Ltmp24, $4  }
0x2ac: {  	[tilespmem:s0+$0x10] =	vst v0  }
0x2ad: {  	[tilespmem:s0+$0x0] =	vst v0  }
0x2ae: {  	[tilespmem:s0+$0xFFFFFFF0] =	vst v0  }
0x2af: {  	[tilespmem:s0+$0xFFFFFFE0] =	vst v0  }
0x2b0: {  	[tilespmem:s0+$0xFFFFFFD0] =	vst v0;
	s31 =	simm.s32 $0x40  }
0x2b1: {  	v5 =	vld [tilespmem:s31+$0x10]  }
0x2b2: {  	v7 =	vld [tilespmem:s31+$0x30]  }
0x2b3: {  	v8 =	vld [tilespmem:s31+$0xFFFFFFC0]  }
0x2b4: {  	v4 =	vld [tilespmem:s31+$0xFFFFFFD0];
	_ =	sdelay $0x1  }
0x2b5: {  	v9 =	vld [tilespmem:s31+$0x20];
	v6 =	vshrl.u32 v5, $0x14  }
0x2b6: {  	v5 =	vshrl.u32 v5, $0xA;
	v10 =	vand.u32 $0x7FF, v6  }
0x2b7: {  	v11 =	vshrl.u32 v8, $0x14;
	v12 =	vshrl.u32 v7, $0xA;
	v6 =	vld [tilespmem:s31+$0xFFFFFFE0];
	vm2 =	veq.s32 v10, v3  }
0x2b8: {  	v13 =	vshrl.u32 v4, $0x14;
	v14 =	vand.u32 $0x3FF, v5;
	v5 =	vshrl.u32 v7, $0x14  }
0x2b9: {  	v8 =	vshrl.u32 v8, $0xA;
	v7 =	vand.u32 $0x7FF, v11;
	v10 =	vand.u32 $0x7FF, v5  }
0x2ba: {  	v11 =	vshrl.u32 v9, $0xA;
	vm0 =	veq.s32 v7, v3;
	vm1 =	veq.s32 v10, v3;
	v10 =	vld [tilespmem:s31+$0xFFFFFFF0]  }
0x2bb: {  	v5 =	vand.u32 $0x3FF, v8;
	v7 =	vshrl.u32 v9, $0x14;
	v8 =	vand.u32 $0x3FF, v12  }
0x2bc: {  	v9 =	vld [tilespmem:s31+$0x0];
	v15 =	vand.u32 $0x7FF, v7;
	v7 =	vand.u32 $0x3FF, v11;
	v12 =	vshrl.u32 v6, $0x14  }
0x2bd: {  	s23 =	simm.s32 $0x0;
	s24 =	simm.s32 $0xC0;
	v11 =	vand.u32 $0x7FF, v13;
	v12 =	vand.u32 $0x7FF, v12;
	[tilespmem:v14+s11+$0x0] =	vst.idx.add.s32.msk vm2, v1;
	vm2 =	veq.s32 v15, v3  }
.LBB2_18:
0x2be: {  	v13 =	vld [tilespmem:s24+$0x10];
	s23 =	sadd.s32 $0x8, s23;
	v14 =	vshrl.u32 v4, $0xA;
	v4 =	vshrl.u32 v6, $0xA  }
0x2bf: {  	v15 =	vld [tilespmem:s24+$0x30];
	p0 =	slt.u32 s23, $0xFF8;
	v6 =	vshrl.u32 v10, $0x14;
	v10 =	vshrl.u32 v10, $0xA  }
0x2c0: {  	vm4 =	veq.s32 v12, v3;
	v6 =	vand.u32 $0x7FF, v6;
	[tilespmem:v8+s11+$0x0] =	vst.idx.add.s32.msk vm1, v1  }
0x2c1: {  	v12 =	vand.u32 $0x3FF, v4;
	v8 =	vld [tilespmem:s24+$0xFFFFFFC0];
	v16 =	vshrl.u32 v9, $0x14;
	v9 =	vshrl.u32 v9, $0xA  }
0x2c2: {  	vm1 =	veq.s32 v6, v3;
	v4 =	vld [tilespmem:s24+$0xFFFFFFD0];
	v6 =	vand.u32 $0x7FF, v16  }
0x2c3: {  	vm5 =	veq.s32 v11, v3;
	v10 =	vand.u32 $0x3FF, v10;
	vm3 =	veq.s32 v6, v3;
	[tilespmem:v7+s11+$0x0] =	vst.idx.add.s32.msk vm2, v1  }
0x2c4: {  	[tilespmem:v5+s11+$0x0] =	vst.idx.add.s32.msk vm0, v1;
	v5 =	vand.u32 $0x3FF, v14  }
0x2c5: {  	v9 =	vand.u32 $0x3FF, v9;
	v6 =	vshrl.u32 v13, $0x14;
	v7 =	vshrl.u32 v13, $0xA;
	v11 =	vld [tilespmem:s24+$0x20]  }
0x2c6: {  	v13 =	vand.u32 $0x7FF, v6;
	[tilespmem:v12+s11+$0x0] =	vst.idx.add.s32.msk vm4, v1  }
0x2c7: {  	vm2 =	veq.s32 v13, v3;
	v13 =	vshrl.u32 v15, $0xA;
	v12 =	vshrl.u32 v8, $0x14;
	v6 =	vld [tilespmem:s24+$0xFFFFFFE0]  }
0x2c8: {  	v16 =	vand.u32 $0x3FF, v7;
	v7 =	vshrl.u32 v15, $0x14;
	v14 =	vshrl.u32 v4, $0x14;
	[tilespmem:v10+s11+$0x0] =	vst.idx.add.s32.msk vm1, v1  }
.Ltmp25:
0x2c9: {  	v7 =	vand.u32 $0x7FF, v7;
	v8 =	vshrl.u32 v8, $0xA;
	v10 =	vand.u32 $0x7FF, v12;
	[tilespmem:v5+s11+$0x0] =	vst.idx.add.s32.msk vm5, v1;
	(pc) =	sbr.rel @p0 .LBB2_18-.Ltmp25, $4  }
0x2ca: {  	vm1 =	veq.s32 v7, v3;
	vm0 =	veq.s32 v10, v3;
	v5 =	vand.u32 $0x3FF, v8;
	v10 =	vld [tilespmem:s24+$0xFFFFFFF0]  }
0x2cb: {  	v8 =	vand.u32 $0x3FF, v13;
	v7 =	vshrl.u32 v11, $0x14;
	v11 =	vshrl.u32 v11, $0xA;
	[tilespmem:v9+s11+$0x0] =	vst.idx.add.s32.msk vm3, v1  }
0x2cc: {  	v13 =	vand.u32 $0x7FF, v7;
	v7 =	vand.u32 $0x3FF, v11;
	v12 =	vshrl.u32 v6, $0x14;
	v9 =	vld [tilespmem:s24+$0x0]  }
0x2cd: {  	v11 =	vand.u32 $0x7FF, v14;
	s24 =	sadd.s32 $0x80, s24;
	v12 =	vand.u32 $0x7FF, v12;
	[tilespmem:v16+s11+$0x0] =	vst.idx.add.s32.msk vm2, v1;
	vm2 =	veq.s32 v13, v3  }
0x2ce: {  	_ = 	snop  }
0x2cf: {  	v4 =	vshrl.u32 v4, $0xA;
	v6 =	vshrl.u32 v6, $0xA;
	v13 =	vshrl.u32 v10, $0x14  }
0x2d0: {  	vm3 =	veq.s32 v12, v3;
	v10 =	vshrl.u32 v10, $0xA;
	v12 =	vand.u32 $0x7FF, v13  }
0x2d1: {  	v6 =	vand.u32 $0x3FF, v6;
	v13 =	vshrl.u32 v9, $0x14;
	vm4 =	veq.s32 v12, v3  }
0x2d2: {  	vm5 =	veq.s32 v11, v3;
	v10 =	vand.u32 $0x3FF, v10;
	v12 =	vand.u32 $0x7FF, v13  }
0x2d3: {  	[tilespmem:v8+s11+$0x0] =	vst.idx.add.s32.msk vm1, v1;
	v8 =	vshrl.u32 v9, $0xA;
	vm1 =	veq.s32 v12, v3;
	v3 =	vand.u32 $0x3FF, v4  }
0x2d4: {  	[tilespmem:v7+s11+$0x0] =	vst.idx.add.s32.msk vm2, v1;
	v4 =	vand.u32 $0x3FF, v8  }
0x2d5: {  	[tilespmem:v5+s11+$0x0] =	vst.idx.add.s32.msk vm0, v1  }
0x2d6: {  	[tilespmem:v6+s11+$0x0] =	vst.idx.add.s32.msk vm3, v1  }
0x2d7: {  	[tilespmem:v10+s11+$0x0] =	vst.idx.add.s32.msk vm4, v1  }
0x2d8: {  	[tilespmem:v3+s11+$0x0] =	vst.idx.add.s32.msk vm5, v1  }
0x2d9: {  	s0 =	simm.s32 $0x140A0;
	[tilespmem:v4+s11+$0x0] =	vst.idx.add.s32.msk vm1, v1  }
0x2da: {  	v11 =	vld [tilespmem:s0+$0xFFFFFFE0];
	_ =	sdelay $0x1  }
0x2db: {  	v12 =	vld [tilespmem:s0+$0xFFFFFFF0];
	_ =	sdelay $0x2  }
0x2dc: {  	(xrf0) =	vadd.scan.msk.s32 $0xffff, v11;
	_ =	sdelay $0x1  }
0x2dd: {  	v14 =	vld [tilespmem:s0+$0x0];
	(xrf0) =	vadd.scan.msk.s32 $0xffff, v12  }
0x2de: {  	v24 =	vld [tilespmem:s0+$0x10];
	_ =	sdelay $0x2  }
0x2df: {  	v4, _, _ =	vpop (xrf0)  }
0x2e0: {  	(xrf0) =	vadd.scan.msk.s32 $0xffff, v14;
	(v2sf) =	vpush v4, $0xF  }
0x2e1: {  	s24 =	simm.s32 $0x140E0;
	v7, _, _ =	vpop (xrf0);
	(xrf0) =	vadd.scan.msk.s32 $0xffff, v24  }
0x2e2: {  	v9 =	vld [tilespmem:s24+$0xFFFFFFE0]  }
0x2e3: {  	v18 =	vld [tilespmem:s24+$0xFFFFFFF0];
	(v2sf) =	vpush v7, $0xF;
	_ =	sdelay $0x2  }
0x2e4: {  	v13, _, _ =	vpop (xrf0)  }
0x2e5: {  	(xrf0) =	vadd.scan.msk.s32 $0xffff, v9;
	(v2sf) =	vpush v13, $0xF;
	v16, _, _ =	vpop (xrf0)  }
0x2e6: {  	(xrf0) =	vadd.scan.msk.s32 $0xffff, v18;
	(v2sf) =	vpush v16, $0xF  }
0x2e7: {  	v10 =	vld [tilespmem:s24+$0x0];
	_ =	sdelay $0x1  }
0x2e8: {  	s25 =	simm.s32 $0x14120;
	v8 =	vld [tilespmem:s24+$0x10]  }
0x2e9: {  	v5 =	vld [tilespmem:s25+$0xFFFFFFE0]  }
0x2ea: {  	v6 =	vld [tilespmem:s25+$0xFFFFFFF0];
	v19, _, _ =	vpop (xrf0)  }
0x2eb: {  	(xrf0) =	vadd.scan.msk.s32 $0xffff, v10;
	(v2sf) =	vpush v19, $0xF;
	v20, _, _ =	vpop (xrf0)  }
0x2ec: {  	(v2sf) =	vpush v20, $0xF;
	s3 =	spop (v2sf)  }
0x2ed: {  	(xrf0) =	vadd.scan.msk.s32 $0xffff, v8;
	s3 =	sadd.s32 $0x0, s3  }
0x2ee: {  	s23 =	simm.s32 $0x0;
	(xrf0) =	vadd.scan.msk.s32 $0xffff, v5;
	v17 =	vadd.s32 s3, v7;
	v7 =	vld [tilespmem:s25+$0x0]  }
0x2ef: {  	v3 =	vmov s22;
	v21 =	vadd.s32 s23, v4;
	(xrf0) =	vadd.scan.msk.s32 $0xffff, v6;
	s24 =	spop (v2sf)  }
0x2f0: {  	vm1 =	vle.s32 v21, v3;
	s3 =	sadd.s32 s24, s3  }
0x2f1: {  	v15 =	vimm.s32 $0x0;
	v11 =	vnsel vm1, $0x0, v11;
	v22, _, _ =	vpop (xrf0);
	v13 =	vadd.s32 s3, v13  }
0x2f2: {  	v11 =	vadd.s32 v15, v11;
	(v2sf) =	vpush v22, $0xF;
	vm0 =	vle.s32 v17, v3  }
0x2f3: {  	s26 =	simm.s32 $0x14160;
	v4 =	vld [tilespmem:s25+$0x10];
	v23 =	vsel vm0, $0x1, v0;
	v21 =	vnsel vm0, $0x0, v12;
	vm0 =	vle.s32 v13, v3;
	v17, _, _ =	vpop (xrf0);
	s28 =	spop (v2sf);
	(xrf0) =	vadd.scan.msk.s32 $0xffff, v7  }
0x2f4: {  	v21 =	vadd.s32 v21, v11;
	v14 =	vnsel vm0, $0x0, v14;
	v11 =	vld [tilespmem:s26+$0xFFFFFFE0];
	v13, _, _ =	vpop (xrf0);
	(v2sf) =	vpush v17, $0xF;
	s3 =	sadd.s32 s28, s3;
	s29 =	spop (v2sf)  }
0x2f5: {  	v21 =	vadd.s32 v14, v21;
	v14 =	vld [tilespmem:s26+$0xFFFFFFF0];
	(v2sf) =	vpush v13, $0xF;
	v12, _, _ =	vpop (xrf0);
	v16 =	vadd.s32 s3, v16;
	s3 =	sadd.s32 s29, s3  }
0x2f6: {  	(v2sf) =	vpush v12, $0xF;
	v19 =	vadd.s32 s3, v19;
	_ =	sdelay $0x1  }
0x2f7: {  	v25 =	vsel vm1, $0x1, v0;
	(xrf0) =	vadd.scan.msk.s32 $0xffff, v4  }
0x2f8: {  	v15 =	vadd.s32 v25, v15;
	v25 =	vsel vm0, $0x1, v0;
	vm0 =	vle.s32 v19, v3;
	(xrf0) =	vadd.scan.msk.s32 $0xffff, v11;
	v19, _, _ =	vpop (xrf0)  }
0x2f9: {  	v15 =	vadd.s32 v23, v15;
	s30 =	spop (v2sf);
	(xrf0) =	vadd.scan.msk.s32 $0xffff, v14;
	(v2sf) =	vpush v19, $0xF  }
0x2fa: {  	v15 =	vadd.s32 v25, v15;
	s3 =	sadd.s32 s3, s30;
	s31 =	spop (v2sf);
	vm2 =	vle.s32 v16, v3  }
0x2fb: {  	v16 =	vadd.s32 s3, v20;
	s23 =	sadd.s32 s31, s3;
	v26 =	vsel vm2, $0x1, v0;
	v24 =	vnsel vm2, $0x0, v24  }
0x2fc: {  	vm1 =	vle.s32 v16, v3;
	v27 =	vadd.s32 s23, v22;
	v16 =	vld [tilespmem:s26+$0x0];
	v22 =	vadd.s32 v26, v15  }
0x2fd: {  	s24 =	simm.s32 $0xC;
	s25 =	simm.s32 $0x141A0;
	v15 =	vld [tilespmem:s26+$0x10];
	v20 =	vsel vm1, $0x1, v0;
	v23 =	vnsel vm1, $0x0, v18;
	vm1 =	vle.s32 v27, v3;
	v18, _, _ =	vpop (xrf0)  }
.LBB2_20:
0x2fe: {  	v25 =	vld [tilespmem:s25+$0xFFFFFFE0];
	s24 =	sadd.s32 $0x4, s24;
	v26, _, _ =	vpop (xrf0);
	(v2sf) =	vpush v18, $0xF;
	v28 =	vnsel vm0, $0x0, v9;
	v21 =	vadd.s32 v24, v21  }
0x2ff: {  	v9 =	vmov v5;
	v24 =	vld [tilespmem:s25+$0xFFFFFFF0];
	p0 =	slt.u32 s24, $0x3C;
	(v2sf) =	vpush v26, $0xF;
	v27, _, _ =	vpop (xrf0);
	v21 =	vadd.s32 v21, v28  }
0x300: {  	v5 =	vmovc v11;
	(v2sf) =	vpush v27, $0xF;
	v21 =	vadd.s32 v23, v21;
	v23 =	vmovc v6;
	v6 =	vmov v14  }
0x301: {  	v29 =	vnsel vm1, $0x0, v10;
	v10 =	vmovc v7;
	(xrf0) =	vadd.scan.msk.s32 $0xffff, v16;
	s0 =	spop (v2sf);
	v7 =	vmov v16;
	v28 =	vmov v8  }
0x302: {  	v14 =	vsel vm0, $0x1, v0;
	v21 =	vadd.s32 v29, v21;
	v8 =	vmovc v4;
	(xrf0) =	vadd.scan.msk.s32 $0xffff, v15;
	s0 =	sadd.s32 s0, s23;
	s3 =	spop (v2sf);
	v4 =	vmov v15  }
0x303: {  	v29 =	vadd.s32 v14, v22;
	v15 =	vsel vm1, $0x1, v0;
	(xrf0) =	vadd.scan.msk.s32 $0xffff, v25;
	s23 =	spop (v2sf);
	v16 =	vadd.s32 s0, v17;
	s0 =	sadd.s32 s3, s0;
	v11 =	vmovc v25  }
.Ltmp26:
0x304: {  	v20 =	vadd.s32 v20, v29;
	(xrf0) =	vadd.scan.msk.s32 $0xffff, v24;
	v25 =	vadd.s32 s0, v13;
	s0 =	sadd.s32 s0, s23;
	s3 =	spop (v2sf);
	vm2 =	vle.s32 v16, v3;
	v13 =	vmovc v26;
	(pc) =	sbr.rel @p0 .LBB2_20-.Ltmp26, $4  }
0x305: {  	v14 =	vmovc v24;
	vm0 =	vle.s32 v25, v3;
	v16 =	vadd.s32 s0, v12;
	s23 =	sadd.s32 s3, s0;
	v22 =	vsel vm2, $0x1, v0;
	v12 =	vmovc v27  }
0x306: {  	v15 =	vadd.s32 v15, v20;
	v17 =	vmovc v18;
	vm1 =	vle.s32 v16, v3;
	v24 =	vadd.s32 s23, v19  }
0x307: {  	v22 =	vadd.s32 v22, v15;
	v16 =	vld [tilespmem:s25+$0x0];
	v19, _, _ =	vpop (xrf0);
	v20 =	vsel vm1, $0x1, v0;
	v23 =	vnsel vm1, $0x0, v23  }
0x308: {  	vm1 =	vle.s32 v24, v3;
	v24 =	vnsel vm2, $0x0, v28;
	v15 =	vld [tilespmem:s25+$0x10];
	s25 =	sadd.s32 $0x40, s25;
	(v2sf) =	vpush v19, $0xF;
	v18, _, _ =	vpop (xrf0)  }
0x309: {  	_ =	sdelay $0x2  }
0x30a: {  	v25, _, _ =	vpop (xrf0);
	(xrf0) =	vadd.scan.msk.s32 $0xffff, v16  }
0x30b: {  	(v2sf) =	vpush v18, $0xF  }
0x30c: {  	(v2sf) =	vpush v25, $0xF;
	v26, _, _ =	vpop (xrf0)  }
0x30d: {  	(v2sf) =	vpush v26, $0xF;
	_ =	sdelay $0x1  }
0x30e: {  	v21 =	vadd.s32 v24, v21  }
0x30f: {  	v9 =	vnsel vm0, $0x0, v9;
	v10 =	vnsel vm1, $0x0, v10;
	s0 =	spop (v2sf);
	v48 =	vsel vm0, $0x1, v0;
	v47, _, _ =	vpop (xrf0)  }
0x310: {  	v50 =	vsel vm1, $0x1, v0;
	v9 =	vadd.s32 v21, v9;
	s0 =	sadd.s32 s0, s23;
	(v2sf) =	vpush v47, $0xF  }
0x311: {  	v49 =	vadd.s32 v48, v22;
	v9 =	vadd.s32 v23, v9;
	v17 =	vadd.s32 s0, v17;
	s3 =	spop (v2sf)  }
0x312: {  	v9 =	vadd.s32 v10, v9;
	v10 =	vadd.s32 v20, v49;
	vm8 =	vle.s32 v17, v3;
	(xrf0) =	vadd.scan.msk.s32 $0xffff, v15;
	s31 =	spop (v2sf);
	s0 =	sadd.s32 s3, s0  }
0x313: {  	v51 =	vsel vm8, $0x1, v0;
	v8 =	vnsel vm8, $0x0, v8;
	v13 =	vadd.s32 s0, v13;
	s0 =	sadd.s32 s0, s31  }
0x314: {  	v10 =	vadd.s32 v50, v10;
	v8 =	vadd.s32 v8, v9;
	s23 =	spop (v2sf);
	v12 =	vadd.s32 s0, v12  }
0x315: {  	v55 =	vadd.s32 v51, v10;
	vm9 =	vle.s32 v13, v3;
	s0 =	sadd.s32 s23, s0;
	vm2 =	vle.s32 v12, v3  }
0x316: {  	v52 =	vadd.s32 s0, v19;
	v5 =	vnsel vm9, $0x0, v5;
	v54 =	vsel vm2, $0x1, v0  }
0x317: {  	v6 =	vnsel vm2, $0x0, v6;
	vm10 =	vle.s32 v52, v3;
	v5 =	vadd.s32 v8, v5  }
0x318: {  	v53, _, _ =	vpop (xrf0);
	v5 =	vadd.s32 v6, v5;
	v6 =	vnsel vm10, $0x0, v7;
	v7 =	vsel vm9, $0x1, v0;
	s24 =	spop (v2sf)  }
0x319: {  	(v2sf) =	vpush v53, $0xF;
	v5 =	vadd.s32 v6, v5;
	v6 =	vadd.s32 v7, v55;
	s0 =	sadd.s32 s24, s0;
	s25 =	spop (v2sf)  }
0x31a: {  	v7 =	vsel vm10, $0x1, v0;
	v6 =	vadd.s32 v54, v6;
	s26 =	spop (v2sf);
	s3 =	sadd.s32 s25, s0;
	v56 =	vadd.s32 s0, v18  }
0x31b: {  	v6 =	vadd.s32 v7, v6;
	v57 =	vadd.s32 s3, v25;
	s28 =	sadd.s32 s3, s26;
	s29 =	spop (v2sf);
	vm11 =	vle.s32 v56, v3  }
0x31c: {  	vm12 =	vle.s32 v57, v3;
	v58 =	vadd.s32 s28, v26;
	s0 =	sadd.s32 s29, s28;
	v59 =	vsel vm11, $0x1, v0  }
0x31d: {  	v4 =	vnsel vm11, $0x0, v4;
	vm13 =	vle.s32 v58, v3;
	v60 =	vadd.s32 s0, v47  }
0x31e: {  	v11 =	vnsel vm12, $0x0, v11;
	v4 =	vadd.s32 v4, v5;
	v5 =	vadd.s32 v59, v6  }
0x31f: {  	v61 =	vnsel vm13, $0x0, v14;
	vm14 =	vle.s32 v60, v3;
	v4 =	vadd.s32 v4, v11;
	s30 =	spop (v2sf)  }
0x320: {  	v62 =	vsel vm12, $0x1, v0;
	v4 =	vadd.s32 v61, v4;
	v6 =	vnsel vm14, $0x0, v16;
	s0 =	sadd.s32 s30, s0  }
0x321: {  	v6 =	vadd.s32 v6, v4;
	v4 =	vadd.s32 v62, v5;
	v5 =	vadd.s32 s0, v53;
	s0 =	simm.s32 $0x140C0  }
0x322: {  	[tilespmem:s0+$0xFFFFFFC0] =	vst v0  }
0x323: {  	[tilespmem:s0+$0x30] =	vst v0  }
0x324: {  	[tilespmem:s0+$0x20] =	vst v0  }
0x325: {  	v7 =	vsel vm13, $0x1, v0;
	[tilespmem:s0+$0x10] =	vst v0  }
0x326: {  	v63 =	vsel vm14, $0x1, v0;
	v4 =	vadd.s32 v7, v4;
	vm15 =	vle.s32 v5, v3;
	[tilespmem:s0+$0x0] =	vst v0  }
0x327: {  	v4 =	vadd.s32 v63, v4;
	[tilespmem:s0+$0xFFFFFFF0] =	vst v0;
	v3 =	vsel vm15, $0x1, v0;
	v5 =	vnsel vm15, $0x0, v15  }
0x328: {  	s23 =	simm.s32 $0x0;
	s31 =	spop (v2sf);
	[tilespmem:s0+$0xFFFFFFE0] =	vst v0;
	v4 =	vadd.s32 v3, v4;
	v3 =	vadd.s32 v5, v6  }
.LBB2_22:
0x329: {  	s23 =	sadd.s32 $0x8, s23;
	[tilespmem:s0+$0xFFFFFFD0] =	vst v0;
	s0 =	sadd.s32 $0x80, s0  }
0x32a: {  	[tilespmem:s0+$0xFFFFFFC0] =	vst v0;
	p0 =	slt.u32 s23, $0x38  }
0x32b: {  	[tilespmem:s0+$0x30] =	vst v0  }
.Ltmp27:
0x32c: {  	[tilespmem:s0+$0x20] =	vst v0;
	(pc) =	sbr.rel @p0 .LBB2_22-.Ltmp27, $4  }
0x32d: {  	[tilespmem:s0+$0x10] =	vst v0  }
0x32e: {  	[tilespmem:s0+$0x0] =	vst v0  }
0x32f: {  	[tilespmem:s0+$0xFFFFFFF0] =	vst v0  }
0x330: {  	[tilespmem:s0+$0xFFFFFFE0] =	vst v0  }
0x331: {  	(xrf0) =	vadd.scan.msk.s32 $0xffff, v4;
	_ =	sdelay $0x5  }
0x332: {  	v4, _, _ =	vpop (xrf0)  }
0x333: {  	(v2sf) =	vpush v4, $0xF;
	_ =	sdelay $0x6  }
0x334: {  	[tilespmem:s0+$0xFFFFFFD0] =	vst v0;
	s31 =	simm.s32 $0x40  }
0x335: {  	v6 =	vld [tilespmem:s31+$0x30]  }
0x336: {  	v5 =	vld [tilespmem:s31+$0xFFFFFFD0]  }
0x337: {  	v7 =	vld [tilespmem:s31+$0xFFFFFFE0]  }
0x338: {  	v9 =	vld [tilespmem:s31+$0xFFFFFFF0]  }
0x339: {  	v11 =	vld [tilespmem:s31+$0x0]  }
0x33a: {  	v12 =	vld [tilespmem:s31+$0x10]  }
0x33b: {  	v14 =	vld [tilespmem:s31+$0xFFFFFFC0]  }
0x33c: {  	s3 =	sshll.u32 s21, $0xA;
	v10 =	vshrl.u32 v5, $0xA;
	v13 =	vand.u32 $0x3FF, v5;
	v5 =	vld [tilespmem:s31+$0x20];
	s30 =	spop (v2sf)  }
0x33d: {  	v8 =	vshrl.u32 v6, $0xA;
	v15 =	vshrl.u32 v7, $0xA;
	v59 =	vshrl.u32 v9, $0xA;
	s21 =	sor.u32 s3, s30  }
0x33e: {  	v6 =	vand.u32 $0x3FF, v6;
	v8 =	vand.u32 $0x1FFFFF, v8;
	v4 =	vmov s21  }
0x33f: {  	v60 =	vshrl.u32 v11, $0xA;
	v10 =	vand.u32 $0x1FFFFF, v10;
	vm4 =	veq.s32 v8, v4  }
0x340: {  	v61 =	vshrl.u32 v12, $0xA;
	v16 =	vshrl.u32 v14, $0xA;
	vm7 =	veq.s32 v10, v4  }
0x341: {  	v9 =	vand.u32 $0x3FF, v9;
	v63 =	vand.u32 $0x1FFFFF, v16;
	v62 =	vshrl.u32 v5, $0xA  }
0x342: {  	v8 =	vand.u32 $0x1FFFFF, v15;
	v10 =	vand.u32 $0x1FFFFF, v59;
	vm5 =	veq.s32 v63, v4  }
0x343: {  	vm0 =	veq.s32 v8, v4;
	v8 =	vand.u32 $0x1FFFFF, v60;
	vm1 =	veq.s32 v10, v4  }
0x344: {  	v10 =	vand.u32 $0x1FFFFF, v61;
	vm2 =	veq.s32 v8, v4;
	v8 =	vand.u32 $0x1FFFFF, v62  }
0x345: {  	vm3 =	veq.s32 v10, v4;
	v10 =	vand.u32 $0x3FF, v14;
	vm6 =	veq.s32 v8, v4;
	[tilespmem:v6+s11+$0x0] =	vst.idx.add.s32.msk vm4, v1  }
0x346: {  	s23 =	simm.s32 $0x0;
	s24 =	simm.s32 $0xC0;
	v8 =	vand.u32 $0x3FF, v7;
	v7 =	vand.u32 $0x3FF, v11;
	[tilespmem:v13+s11+$0x0] =	vst.idx.add.s32.msk vm7, v1;
	v6 =	vand.u32 $0x3FF, v12  }
.LBB2_24:
0x347: {  	v11 =	vld [tilespmem:s24+$0x30];
	s23 =	sadd.s32 $0x8, s23;
	v12 =	vand.u32 $0x3FF, v5;
	vm4 =	vmmov vm6  }
0x348: {  	v5 =	vld [tilespmem:s24+$0xFFFFFFD0];
	p0 =	slt.u32 s23, $0xFF8  }
0x349: {  	v13 =	vld [tilespmem:s24+$0xFFFFFFE0]  }
0x34a: {  	v14 =	vld [tilespmem:s24+$0xFFFFFFF0]  }
0x34b: {  	v15 =	vld [tilespmem:s24+$0x0]  }
0x34c: {  	v16 =	vld [tilespmem:s24+$0x10];
	v17 =	vshrl.u32 v11, $0xA  }
0x34d: {  	v18 =	vshrl.u32 v5, $0xA;
	v19 =	vand.u32 $0x3FF, v5;
	v5 =	vld [tilespmem:s24+$0x20];
	v17 =	vand.u32 $0x1FFFFF, v17  }
0x34e: {  	v20 =	vld [tilespmem:s24+$0xFFFFFFC0];
	v18 =	vand.u32 $0x1FFFFF, v18;
	v21 =	vshrl.u32 v13, $0xA;
	vm7 =	veq.s32 v17, v4  }
0x34f: {  	v11 =	vand.u32 $0x3FF, v11;
	v17 =	vand.u32 $0x1FFFFF, v21;
	v21 =	vshrl.u32 v14, $0xA;
	[tilespmem:v10+s11+$0x0] =	vst.idx.add.s32.msk vm5, v1  }
0x350: {  	vm8 =	veq.s32 v18, v4;
	v10 =	vand.u32 $0x1FFFFF, v21;
	v18 =	vshrl.u32 v15, $0xA;
	[tilespmem:v8+s11+$0x0] =	vst.idx.add.s32.msk vm0, v1  }
0x351: {  	vm0 =	veq.s32 v17, v4;
	v8 =	vand.u32 $0x1FFFFF, v18;
	v17 =	vshrl.u32 v16, $0xA;
	[tilespmem:v9+s11+$0x0] =	vst.idx.add.s32.msk vm1, v1  }
.Ltmp28:
0x352: {  	vm1 =	veq.s32 v10, v4;
	v9 =	vand.u32 $0x1FFFFF, v17;
	v10 =	vshrl.u32 v5, $0xA;
	[tilespmem:v7+s11+$0x0] =	vst.idx.add.s32.msk vm2, v1;
	(pc) =	sbr.rel @p0 .LBB2_24-.Ltmp28, $4  }
0x353: {  	vm2 =	veq.s32 v8, v4;
	v7 =	vshrl.u32 v20, $0xA;
	v8 =	vand.u32 $0x1FFFFF, v10;
	[tilespmem:v6+s11+$0x0] =	vst.idx.add.s32.msk vm3, v1  }
0x354: {  	vm3 =	veq.s32 v9, v4;
	v6 =	vand.u32 $0x1FFFFF, v7;
	vm6 =	veq.s32 v8, v4;
	[tilespmem:v11+s11+$0x0] =	vst.idx.add.s32.msk vm7, v1  }
0x355: {  	v10 =	vand.u32 $0x3FF, v20;
	v8 =	vand.u32 $0x3FF, v13;
	vm5 =	veq.s32 v6, v4;
	[tilespmem:v12+s11+$0x0] =	vst.idx.add.s32.msk vm4, v1  }
0x356: {  	s24 =	sadd.s32 $0x80, s24;
	v9 =	vand.u32 $0x3FF, v14;
	v7 =	vand.u32 $0x3FF, v15;
	v6 =	vand.u32 $0x3FF, v16;
	[tilespmem:v19+s11+$0x0] =	vst.idx.add.s32.msk vm8, v1  }
0x357: {  	_ =	sdelay $0x4  }
0x358: {  	v4 =	vand.u32 $0x3FF, v5;
	[tilespmem:v10+s11+$0x0] =	vst.idx.add.s32.msk vm5, v1  }
0x359: {  	[tilespmem:v8+s11+$0x0] =	vst.idx.add.s32.msk vm0, v1  }
0x35a: {  	[tilespmem:v9+s11+$0x0] =	vst.idx.add.s32.msk vm1, v1  }
0x35b: {  	[tilespmem:v7+s11+$0x0] =	vst.idx.add.s32.msk vm2, v1  }
0x35c: {  	[tilespmem:v6+s11+$0x0] =	vst.idx.add.s32.msk vm3, v1  }
0x35d: {  	s23 =	simm.s32 $0x140A0;
	[tilespmem:v4+s11+$0x0] =	vst.idx.add.s32.msk vm6, v1  }
0x35e: {  	v4 =	vld [tilespmem:s23+$0xFFFFFFE0]  }
0x35f: {  	v5 =	vld [tilespmem:s23+$0xFFFFFFF0];
	_ =	sdelay $0x1  }
0x360: {  	(xrf0) =	vadd.scan.msk.s32 $0xffff, v3;
	_ =	sdelay $0x1  }
0x361: {  	v6 =	vld [tilespmem:s23+$0x0];
	(xrf0) =	vadd.scan.msk.s32 $0xffff, v4  }
0x362: {  	v7 =	vld [tilespmem:s23+$0x10];
	(xrf0) =	vadd.scan.msk.s32 $0xffff, v5  }
0x363: {  	s24 =	simm.s32 $0x140E0  }
0x364: {  	v4 =	vld [tilespmem:s24+$0xFFFFFFE0]  }
0x365: {  	v3, _, _ =	vpop (xrf0)  }
0x366: {  	(v2sf) =	vpush v3, $0xF;
	(xrf0) =	vadd.scan.msk.s32 $0xffff, v6  }
0x367: {  	(xrf0) =	vadd.scan.msk.s32 $0xffff, v7;
	v10, _, _ =	vpop (xrf0)  }
0x368: {  	v5 =	vld [tilespmem:s24+$0xFFFFFFF0];
	(v2sf) =	vpush v10, $0xF;
	v12, _, _ =	vpop (xrf0)  }
0x369: {  	(xrf0) =	vadd.scan.msk.s32 $0xffff, v4;
	v4 =	vld [tilespmem:s24+$0x0];
	(v2sf) =	vpush v12, $0xF  }
0x36a: {  	s25 =	simm.s32 $0x14120;
	v6 =	vld [tilespmem:s24+$0x10]  }
0x36b: {  	v7 =	vld [tilespmem:s25+$0xFFFFFFE0]  }
0x36c: {  	v8 =	vld [tilespmem:s25+$0xFFFFFFF0];
	v13, _, _ =	vpop (xrf0)  }
0x36d: {  	(xrf0) =	vadd.scan.msk.s32 $0xffff, v5;
	(v2sf) =	vpush v13, $0xF;
	v14, _, _ =	vpop (xrf0)  }
0x36e: {  	(v2sf) =	vpush v14, $0xF;
	(xrf0) =	vadd.scan.msk.s32 $0xffff, v4  }
0x36f: {  	v5 =	vld [tilespmem:s25+$0x0];
	(xrf0) =	vadd.scan.msk.s32 $0xffff, v6  }
0x370: {  	s26 =	simm.s32 $0x14160;
	v4 =	vld [tilespmem:s25+$0x10];
	(xrf0) =	vadd.scan.msk.s32 $0xffff, v7  }
0x371: {  	v15 =	vld [tilespmem:s26+$0xFFFFFFE0];
	(xrf0) =	vadd.scan.msk.s32 $0xffff, v8  }
0x372: {  	v17 =	vld [tilespmem:s26+$0xFFFFFFF0];
	v16, _, _ =	vpop (xrf0)  }
0x373: {  	v9, _, _ =	vpop (xrf0)  }
0x374: {  	(xrf0) =	vadd.scan.msk.s32 $0xffff, v5;
	v8, _, _ =	vpop (xrf0)  }
0x375: {  	s0 =	spop (v2sf);
	(v2sf) =	vpush v16, $0xF;
	(xrf0) =	vadd.scan.msk.s32 $0xffff, v4;
	v7, _, _ =	vpop (xrf0)  }
0x376: {  	s31 =	simm.s32 $0x0;
	s0 =	ssub.s32 s22, s0;
	(v2sf) =	vpush v9, $0xF;
	(xrf0) =	vadd.scan.msk.s32 $0xffff, v15;
	v6, _, _ =	vpop (xrf0)  }
0x377: {  	v10 =	vadd.s32 s31, v10;
	v3 =	vmov s0;
	(v2sf) =	vpush v8, $0xF;
	v5, _, _ =	vpop (xrf0);
	(xrf0) =	vadd.scan.msk.s32 $0xffff, v17;
	s3 =	spop (v2sf)  }
0x378: {  	vm0 =	vle.s32 v10, v3;
	(v2sf) =	vpush v7, $0xF;
	s3 =	sadd.s32 $0x0, s3;
	s29 =	spop (v2sf)  }
0x379: {  	v19 =	vsel vm0, $0x1, v0;
	(v2sf) =	vpush v6, $0xF;
	v12 =	vadd.s32 s3, v12;
	s3 =	sadd.s32 s29, s3  }
0x37a: {  	v18 =	vld [tilespmem:s26+$0x0];
	v4, _, _ =	vpop (xrf0);
	(v2sf) =	vpush v5, $0xF;
	vm0 =	vle.s32 v12, v3;
	v12 =	vadd.s32 s3, v13  }
0x37b: {  	v10, _, _ =	vpop (xrf0);
	(v2sf) =	vpush v4, $0xF  }
0x37c: {  	v15 =	vld [tilespmem:s26+$0x10];
	s30 =	spop (v2sf);
	(v2sf) =	vpush v10, $0xF;
	v13, _, _ =	vpop (xrf0)  }
0x37d: {  	s31 =	spop (v2sf);
	v20 =	vsel vm0, $0x1, v0;
	vm0 =	vle.s32 v12, v3;
	(v2sf) =	vpush v13, $0xF;
	v12, _, _ =	vpop (xrf0)  }
0x37e: {  	s28 =	simm.s32 $0x141A0;
	(v2sf) =	vpush v12, $0xF  }
0x37f: {  	v17 =	vld [tilespmem:s28+$0xFFFFFFE0];
	(xrf0) =	vadd.scan.msk.s32 $0xffff, v18  }
0x380: {  	v18 =	vld [tilespmem:s28+$0xFFFFFFF0]  }
0x381: {  	(xrf0) =	vadd.scan.msk.s32 $0xffff, v15;
	v15 =	vld [tilespmem:s28+$0x0];
	s3 =	sadd.s32 s30, s3  }
0x382: {  	v11 =	vimm.s32 $0x0;
	v14 =	vadd.s32 s3, v14  }
0x383: {  	v11 =	vadd.s32 v19, v11  }
0x384: {  	vm4 =	vmmov vm6;
	(xrf0) =	vadd.scan.msk.s32 $0xffff, v17;
	s24 =	sadd.s32 s31, s3;
	v19 =	vsel vm0, $0x1, v0;
	v20 =	vadd.s32 v20, v11  }
0x385: {  	s23 =	simm.s32 $0x141E0;
	s22 =	simm.s32 $0x10;
	(xrf0) =	vadd.scan.msk.s32 $0xffff, v18;
	vm0 =	vle.s32 v14, v3;
	v11 =	vld [tilespmem:s28+$0x10];
	v17 =	vadd.s32 s24, v16;
	s0 =	spop (v2sf);
	v16 =	vadd.s32 v19, v20;
	v14, _, _ =	vpop (xrf0)  }
.LBB2_26:
0x386: {  	(xrf0) =	vadd.scan.msk.s32 $0xffff, v15;
	(v2sf) =	vpush v14, $0xF;
	v15 =	vsel vm0, $0x1, v0;
	v19 =	vmov v7  }
0x387: {  	v18 =	vld [tilespmem:s23+$0xFFFFFFE0];
	s22 =	sadd.s32 $0x4, s22;
	s0 =	sadd.s32 s24, s0;
	s3 =	spop (v2sf);
	v7 =	vmovc v10;
	v20 =	vmovc v6;
	v6 =	vmov v13;
	v13 =	vmov v4;
	v4 =	vmov v14  }
0x388: {  	vm0 =	vle.s32 v17, v3;
	v14 =	vld [tilespmem:s23+$0xFFFFFFF0];
	p0 =	slt.u32 s22, $0x3C;
	v17 =	vadd.s32 s0, v9;
	s0 =	sadd.s32 s3, s0;
	s3 =	spop (v2sf);
	v16 =	vadd.s32 v15, v16;
	v9 =	vmovc v5;
	v5 =	vmovc v12  }
.Ltmp29:
0x389: {  	v12 =	vsel vm0, $0x1, v0;
	v15 =	vld [tilespmem:s23+$0x0];
	v10, _, _ =	vpop (xrf0);
	vm0 =	vle.s32 v17, v3;
	v21 =	vadd.s32 s0, v8;
	s0 =	sadd.s32 s3, s0;
	(pc) =	sbr.rel @p0 .LBB2_26-.Ltmp29, $4  }
0x38a: {  	v8 =	vmovc v13;
	(xrf0) =	vadd.scan.msk.s32 $0xffff, v11;
	(v2sf) =	vpush v10, $0xF;
	v17 =	vsel vm0, $0x1, v0;
	vm0 =	vle.s32 v21, v3  }
0x38b: {  	v16 =	vadd.s32 v12, v16;
	v19 =	vadd.s32 s0, v19;
	v13, _, _ =	vpop (xrf0);
	v21 =	vsel vm0, $0x1, v0;
	s3 =	spop (v2sf)  }
0x38c: {  	v16 =	vadd.s32 v17, v16;
	vm0 =	vle.s32 v19, v3;
	v11 =	vld [tilespmem:s23+$0x10];
	(xrf0) =	vadd.scan.msk.s32 $0xffff, v18;
	(v2sf) =	vpush v13, $0xF;
	v12, _, _ =	vpop (xrf0);
	s24 =	sadd.s32 s3, s0  }
0x38d: {  	s23 =	sadd.s32 $0x40, s23;
	v16 =	vadd.s32 v21, v16;
	(xrf0) =	vadd.scan.msk.s32 $0xffff, v14;
	(v2sf) =	vpush v12, $0xF;
	v14, _, _ =	vpop (xrf0);
	v17 =	vadd.s32 s24, v20;
	s0 =	spop (v2sf)  }
0x38e: {  	(xrf0) =	vadd.scan.msk.s32 $0xffff, v15;
	_ =	sdelay $0x1  }
0x38f: {  	(v2sf) =	vpush v14, $0xF;
	v36, _, _ =	vpop (xrf0)  }
0x390: {  	(v2sf) =	vpush v36, $0xF  }
0x391: {  	s0 =	sadd.s32 s24, s0;
	v19 =	vsel vm0, $0x1, v0;
	vm12 =	vle.s32 v17, v3;
	v18, _, _ =	vpop (xrf0)  }
0x392: {  	s3 =	spop (v2sf);
	v9 =	vadd.s32 s0, v9;
	v16 =	vadd.s32 v19, v16;
	(v2sf) =	vpush v18, $0xF;
	v37, _, _ =	vpop (xrf0)  }
0x393: {  	s0 =	sadd.s32 s3, s0;
	s25 =	spop (v2sf);
	v38 =	vsel vm12, $0x1, v0;
	vm13 =	vle.s32 v9, v3;
	(v2sf) =	vpush v37, $0xF;
	v39, _, _ =	vpop (xrf0)  }
0x394: {  	v8 =	vadd.s32 s0, v8;
	s0 =	sadd.s32 s25, s0;
	v40 =	vadd.s32 v38, v16;
	(v2sf) =	vpush v39, $0xF  }
0x395: {  	s26 =	spop (v2sf);
	v20 =	vsel vm13, $0x1, v0;
	vm14 =	vle.s32 v8, v3;
	v7 =	vadd.s32 s0, v7  }
0x396: {  	s0 =	sadd.s32 s26, s0;
	s28 =	spop (v2sf);
	v8 =	vadd.s32 v20, v40;
	v41 =	vsel vm14, $0x1, v0;
	vm15 =	vle.s32 v7, v3  }
0x397: {  	v6 =	vadd.s32 s0, v6;
	s0 =	sadd.s32 s0, s28;
	s29 =	spop (v2sf);
	v42 =	vadd.s32 v41, v8;
	v43 =	vsel vm15, $0x1, v0  }
0x398: {  	vm4 =	vle.s32 v6, v3;
	v5 =	vadd.s32 s0, v5;
	s0 =	sadd.s32 s29, s0;
	v44 =	vadd.s32 v43, v42  }
0x399: {  	v45 =	vsel vm4, $0x1, v0;
	vm5 =	vle.s32 v5, v3;
	v4 =	vadd.s32 s0, v4;
	s30 =	spop (v2sf)  }
0x39a: {  	v5 =	vsel vm5, $0x1, v0;
	vm6 =	vle.s32 v4, v3;
	v46 =	vadd.s32 v45, v44;
	s0 =	sadd.s32 s30, s0;
	s31 =	spop (v2sf)  }
0x39b: {  	v47 =	vsel vm6, $0x1, v0;
	v4 =	vadd.s32 v5, v46;
	v48 =	vadd.s32 s0, v10;
	s0 =	sadd.s32 s31, s0;
	s22 =	spop (v2sf)  }
0x39c: {  	v4 =	vadd.s32 v47, v4;
	vm7 =	vle.s32 v48, v3;
	v49 =	vadd.s32 s0, v13;
	s0 =	sadd.s32 s0, s22;
	s23 =	spop (v2sf)  }
0x39d: {  	v50 =	vsel vm7, $0x1, v0;
	vm8 =	vle.s32 v49, v3;
	v51 =	vadd.s32 s0, v12;
	s0 =	sadd.s32 s23, s0  }
0x39e: {  	(xrf0) =	vadd.scan.msk.s32 $0xffff, v11;
	v4 =	vadd.s32 v50, v4;
	s24 =	spop (v2sf);
	v52 =	vsel vm8, $0x1, v0;
	v53 =	vadd.s32 s0, v14  }
0x39f: {  	vm9 =	vle.s32 v51, v3;
	s0 =	sadd.s32 s24, s0;
	v4 =	vadd.s32 v52, v4;
	vm10 =	vle.s32 v53, v3;
	s25 =	spop (v2sf)  }
0x3a0: {  	v54 =	vsel vm9, $0x1, v0;
	v55 =	vadd.s32 s0, v36;
	v5 =	vsel vm10, $0x1, v0;
	s0 =	sadd.s32 s25, s0  }
0x3a1: {  	v4 =	vadd.s32 v54, v4;
	vm11 =	vle.s32 v55, v3;
	s26 =	spop (v2sf);
	v56 =	vadd.s32 s0, v18  }
0x3a2: {  	v7 =	vsel vm11, $0x1, v0;
	v4 =	vadd.s32 v5, v4;
	s0 =	sadd.s32 s0, s26;
	s28 =	spop (v2sf);
	vm12 =	vle.s32 v56, v3  }
0x3a3: {  	v4 =	vadd.s32 v7, v4;
	v57 =	vadd.s32 s0, v37;
	s0 =	sadd.s32 s28, s0;
	s29 =	spop (v2sf);
	v58 =	vsel vm12, $0x1, v0  }
0x3a4: {  	v59, _, _ =	vpop (xrf0);
	vm13 =	vle.s32 v57, v3;
	v60 =	vadd.s32 s0, v39;
	s0 =	sadd.s32 s29, s0;
	v4 =	vadd.s32 v58, v4  }
0x3a5: {  	v61 =	vsel vm13, $0x1, v0;
	vm14 =	vle.s32 v60, v3;
	v62 =	vadd.s32 s0, v59  }
0x3a6: {  	v7 =	vsel vm14, $0x1, v0;
	v4 =	vadd.s32 v61, v4;
	vm15 =	vle.s32 v62, v3  }
0x3a7: {  	v3 =	vadd.s32 v7, v4;
	v63 =	vsel vm15, $0x1, v0  }
0x3a8: {  	v3 =	vadd.s32 v63, v3  }
0x3a9: {  	(xrf0) =	vadd.scan.msk.s32 $0xffff, v3;
	_ =	sdelay $0x5  }
0x3aa: {  	(v2sf) =	vpush v59, $0xF;
	v3, _, _ =	vpop (xrf0)  }
0x3ab: {  	(v2sf) =	vpush v3, $0xF;
	_ =	sdelay $0xd  }
0x3ac: {  	s30 =	spop (v2sf)  }
0x3ad: {  	s31 =	sshll.u32 s21, $0xA;
	s0 =	spop (v2sf)  }
0x3ae: {  	s0 =	sor.u32 s31, s0  }
.LBB2_55:
0x3af: {  	s21 =	simm.s32 $0x40  }
0x3b0: {  	v11 =	vld [tilespmem:s21+$0x30]  }
0x3b1: {  	v10 =	vld [tilespmem:s21+$0xFFFFFFD0]  }
0x3b2: {  	v9 =	vld [tilespmem:s21+$0xFFFFFFE0]  }
0x3b3: {  	v8 =	vld [tilespmem:s21+$0xFFFFFFF0]  }
0x3b4: {  	v7 =	vld [tilespmem:s21+$0x0]  }
0x3b5: {  	v3 =	vmov s0;
	v5 =	vld [tilespmem:s21+$0x10];
	v6 =	vand.u32 $0x7FFFFFFF, v11  }
0x3b6: {  	v4 =	vld [tilespmem:s21+$0x20];
	v12 =	vand.u32 $0x7FFFFFFF, v10;
	vm1 =	vgt.s32 v3, v6  }
0x3b7: {  	[smem:$0x0] =	sst s0;
	s22 =	simm.s32 $0x0;
	s23 =	simm.s32 $0xC0;
	v6 =	vld [tilespmem:s21+$0xFFFFFFC0];
	vm0 =	vgt.s32 v3, v12;
	v12 =	vand.u32 $0x7FFFFFFF, v9;
	v11 =	vsel vm1, $0x0, v11  }
.LBB2_56:
0x3b8: {  	v13 =	vld [tilespmem:s23+$0x30];
	s22 =	sadd.s32 $0x8, s22;
	v14 =	vsel vm0, $0x0, v10;
	vm0 =	vgt.s32 v3, v12;
	v12 =	vand.u32 $0x7FFFFFFF, v8;
	[tilespmem:s21+$0x30] =	vst v11  }
0x3b9: {  	v10 =	vld [tilespmem:s23+$0xFFFFFFD0];
	p0 =	slt.u32 s22, $0x3F8;
	[tilespmem:s21+$0xFFFFFFD0] =	vst v14;
	v11 =	vsel vm0, $0x0, v9;
	vm0 =	vgt.s32 v3, v12;
	v12 =	vand.u32 $0x7FFFFFFF, v7  }
0x3ba: {  	v9 =	vld [tilespmem:s23+$0xFFFFFFE0];
	[tilespmem:s21+$0xFFFFFFE0] =	vst v11;
	v11 =	vsel vm0, $0x0, v8;
	vm0 =	vgt.s32 v3, v12;
	v12 =	vand.u32 $0x7FFFFFFF, v5  }
.Ltmp30:
0x3bb: {  	v8 =	vld [tilespmem:s23+$0xFFFFFFF0];
	[tilespmem:s21+$0xFFFFFFF0] =	vst v11;
	v11 =	vsel vm0, $0x0, v7;
	vm0 =	vgt.s32 v3, v12;
	v12 =	vand.u32 $0x7FFFFFFF, v4;
	(pc) =	sbr.rel @p0 .LBB2_56-.Ltmp30, $4  }
0x3bc: {  	v7 =	vld [tilespmem:s23+$0x0];
	v14 =	vand.u32 $0x7FFFFFFF, v6;
	[tilespmem:s21+$0x0] =	vst v11;
	v11 =	vsel vm0, $0x0, v5;
	vm0 =	vgt.s32 v3, v12  }
0x3bd: {  	v5 =	vld [tilespmem:s23+$0x10];
	v12 =	vand.u32 $0x7FFFFFFF, v13;
	vm1 =	vgt.s32 v3, v14;
	[tilespmem:s21+$0x10] =	vst v11;
	v11 =	vsel vm0, $0x0, v4  }
0x3be: {  	v14 =	vand.u32 $0x7FFFFFFF, v10;
	v4 =	vld [tilespmem:s23+$0x20];
	vm2 =	vgt.s32 v3, v12;
	v15 =	vsel vm1, $0x0, v6;
	[tilespmem:s21+$0x20] =	vst v11  }
0x3bf: {  	v6 =	vld [tilespmem:s23+$0xFFFFFFC0];
	vm0 =	vgt.s32 v3, v14;
	v12 =	vand.u32 $0x7FFFFFFF, v9;
	v11 =	vsel vm2, $0x0, v13;
	[tilespmem:s21+$0xFFFFFFC0] =	vst v15;
	s21 =	smov.u32 s23;
	s23 =	sadd.s32 $0x80, s23  }
0x3c0: {  	v10 =	vsel vm0, $0x0, v10;
	vm0 =	vgt.s32 v3, v12;
	v12 =	vand.u32 $0x7FFFFFFF, v8;
	[tilespmem:s21+$0x30] =	vst v11  }
0x3c1: {  	[tilespmem:s21+$0xFFFFFFD0] =	vst v10;
	v9 =	vsel vm0, $0x0, v9;
	vm0 =	vgt.s32 v3, v12;
	v10 =	vand.u32 $0x7FFFFFFF, v7  }
0x3c2: {  	[tilespmem:s21+$0xFFFFFFE0] =	vst v9;
	v8 =	vsel vm0, $0x0, v8;
	vm0 =	vgt.s32 v3, v10;
	v9 =	vand.u32 $0x7FFFFFFF, v5  }
0x3c3: {  	[tilespmem:s21+$0xFFFFFFF0] =	vst v8;
	v7 =	vsel vm0, $0x0, v7;
	vm0 =	vgt.s32 v3, v9;
	v8 =	vand.u32 $0x7FFFFFFF, v4  }
0x3c4: {  	v9 =	vand.u32 $0x7FFFFFFF, v6;
	[tilespmem:s21+$0x0] =	vst v7;
	v5 =	vsel vm0, $0x0, v5;
	vm0 =	vgt.s32 v3, v8  }
0x3c5: {  	vm1 =	vgt.s32 v3, v9;
	[tilespmem:s21+$0x10] =	vst v5;
	v4 =	vsel vm0, $0x0, v4  }
0x3c6: {  	v5 =	vsel vm1, $0x0, v6;
	[tilespmem:s21+$0x20] =	vst v4  }
0x3c7: {  	s0 =	sadd.s32 s4, s20;
	s20 =	simm.s32 $0x4070;
	[tilespmem:s21+$0xFFFFFFC0] =	vst v5  }
0x3c8: {  	[hbm4b:s0+s7] =	stream.strided.scatter [tilespmem:s2], [sflag:$0x2], $0x4000, s8, s7, $0x38;
	[tilespmem:$0x14880] =	vst v63  }
0x3c9: {  	v11 =	vld [tilespmem:s20+$0x0]  }
0x3ca: {  	v10 =	vld [tilespmem:s20+$0xFFFFFFA0]  }
0x3cb: {  	v9 =	vld [tilespmem:s20+$0xFFFFFFB0]  }
0x3cc: {  	v8 =	vld [tilespmem:s20+$0xFFFFFFC0]  }
0x3cd: {  	v7 =	vld [tilespmem:s20+$0xFFFFFFD0]  }
0x3ce: {  	v5 =	vld [tilespmem:s20+$0xFFFFFFE0];
	v6 =	vand.u32 $0x7FFFFFFF, v11  }
0x3cf: {  	v4 =	vld [tilespmem:s20+$0xFFFFFFF0];
	v12 =	vand.u32 $0x7FFFFFFF, v10;
	vm1 =	vgt.s32 v3, v6  }
0x3d0: {  	s22 =	simm.s32 $0x40F0;
	s21 =	simm.s32 $0x400;
	v6 =	vld [tilespmem:s20+$0xFFFFFF90];
	vm0 =	vgt.s32 v3, v12;
	v12 =	vand.u32 $0x7FFFFFFF, v9;
	v11 =	vsel vm1, $0x0, v11  }
.LBB2_58:
0x3d1: {  	v13 =	vld [tilespmem:s22+$0x0];
	s21 =	sadd.s32 $0x8, s21;
	v14 =	vsel vm0, $0x0, v10;
	vm0 =	vgt.s32 v3, v12;
	v12 =	vand.u32 $0x7FFFFFFF, v8;
	[tilespmem:s20+$0x0] =	vst v11  }
0x3d2: {  	v10 =	vld [tilespmem:s22+$0xFFFFFFA0];
	p0 =	slt.u32 s21, $0x7F8;
	[tilespmem:s20+$0xFFFFFFA0] =	vst v14;
	v11 =	vsel vm0, $0x0, v9;
	vm0 =	vgt.s32 v3, v12;
	v12 =	vand.u32 $0x7FFFFFFF, v7  }
0x3d3: {  	v9 =	vld [tilespmem:s22+$0xFFFFFFB0];
	[tilespmem:s20+$0xFFFFFFB0] =	vst v11;
	v11 =	vsel vm0, $0x0, v8;
	vm0 =	vgt.s32 v3, v12;
	v12 =	vand.u32 $0x7FFFFFFF, v5  }
.Ltmp31:
0x3d4: {  	v8 =	vld [tilespmem:s22+$0xFFFFFFC0];
	[tilespmem:s20+$0xFFFFFFC0] =	vst v11;
	v11 =	vsel vm0, $0x0, v7;
	vm0 =	vgt.s32 v3, v12;
	v12 =	vand.u32 $0x7FFFFFFF, v4;
	(pc) =	sbr.rel @p0 .LBB2_58-.Ltmp31, $4  }
0x3d5: {  	v7 =	vld [tilespmem:s22+$0xFFFFFFD0];
	v14 =	vand.u32 $0x7FFFFFFF, v6;
	[tilespmem:s20+$0xFFFFFFD0] =	vst v11;
	v11 =	vsel vm0, $0x0, v5;
	vm0 =	vgt.s32 v3, v12  }
0x3d6: {  	v5 =	vld [tilespmem:s22+$0xFFFFFFE0];
	v12 =	vand.u32 $0x7FFFFFFF, v13;
	vm1 =	vgt.s32 v3, v14;
	[tilespmem:s20+$0xFFFFFFE0] =	vst v11;
	v11 =	vsel vm0, $0x0, v4  }
0x3d7: {  	v14 =	vand.u32 $0x7FFFFFFF, v10;
	v4 =	vld [tilespmem:s22+$0xFFFFFFF0];
	vm2 =	vgt.s32 v3, v12;
	v15 =	vsel vm1, $0x0, v6;
	[tilespmem:s20+$0xFFFFFFF0] =	vst v11  }
0x3d8: {  	v6 =	vld [tilespmem:s22+$0xFFFFFF90];
	vm0 =	vgt.s32 v3, v14;
	v12 =	vand.u32 $0x7FFFFFFF, v9;
	v11 =	vsel vm2, $0x0, v13;
	[tilespmem:s20+$0xFFFFFF90] =	vst v15;
	s20 =	smov.u32 s22;
	s22 =	sadd.s32 $0x80, s22  }
0x3d9: {  	v10 =	vsel vm0, $0x0, v10;
	vm0 =	vgt.s32 v3, v12;
	v12 =	vand.u32 $0x7FFFFFFF, v8;
	[tilespmem:s20+$0x0] =	vst v11  }
0x3da: {  	[tilespmem:s20+$0xFFFFFFA0] =	vst v10;
	v9 =	vsel vm0, $0x0, v9;
	vm0 =	vgt.s32 v3, v12;
	v10 =	vand.u32 $0x7FFFFFFF, v7  }
0x3db: {  	[tilespmem:s20+$0xFFFFFFB0] =	vst v9;
	v8 =	vsel vm0, $0x0, v8;
	vm0 =	vgt.s32 v3, v10;
	v9 =	vand.u32 $0x7FFFFFFF, v5  }
0x3dc: {  	[tilespmem:s20+$0xFFFFFFC0] =	vst v8;
	v7 =	vsel vm0, $0x0, v7;
	vm0 =	vgt.s32 v3, v9;
	v8 =	vand.u32 $0x7FFFFFFF, v4  }
0x3dd: {  	v9 =	vand.u32 $0x7FFFFFFF, v6;
	[tilespmem:s20+$0xFFFFFFD0] =	vst v7;
	v5 =	vsel vm0, $0x0, v5;
	vm0 =	vgt.s32 v3, v8  }
0x3de: {  	vm1 =	vgt.s32 v3, v9;
	[tilespmem:s20+$0xFFFFFFE0] =	vst v5;
	v4 =	vsel vm0, $0x0, v4  }
0x3df: {  	v5 =	vsel vm1, $0x0, v6;
	[tilespmem:s20+$0xFFFFFFF0] =	vst v4  }
0x3e0: {  	s0 =	sadd.s32 s4, s19;
	s19 =	simm.s32 $0x8070;
	[tilespmem:s20+$0xFFFFFF90] =	vst v5  }
0x3e1: {  	[hbm4b:s0+s7] =	stream.strided.scatter [tilespmem:s9], [sflag:$0x2], $0x4000, s8, s7, $0x38;
	[tilespmem:$0x14880] =	vst v63  }
0x3e2: {  	v11 =	vld [tilespmem:s19+$0x0]  }
0x3e3: {  	v10 =	vld [tilespmem:s19+$0xFFFFFFA0]  }
0x3e4: {  	v9 =	vld [tilespmem:s19+$0xFFFFFFB0]  }
0x3e5: {  	v8 =	vld [tilespmem:s19+$0xFFFFFFC0]  }
0x3e6: {  	v7 =	vld [tilespmem:s19+$0xFFFFFFD0]  }
0x3e7: {  	v5 =	vld [tilespmem:s19+$0xFFFFFFE0];
	v6 =	vand.u32 $0x7FFFFFFF, v11  }
0x3e8: {  	v4 =	vld [tilespmem:s19+$0xFFFFFFF0];
	v12 =	vand.u32 $0x7FFFFFFF, v10;
	vm1 =	vgt.s32 v3, v6  }
0x3e9: {  	s21 =	simm.s32 $0x80F0;
	s20 =	simm.s32 $0x800;
	v6 =	vld [tilespmem:s19+$0xFFFFFF90];
	vm0 =	vgt.s32 v3, v12;
	v12 =	vand.u32 $0x7FFFFFFF, v9;
	v11 =	vsel vm1, $0x0, v11  }
.LBB2_60:
0x3ea: {  	v13 =	vld [tilespmem:s21+$0x0];
	s20 =	sadd.s32 $0x8, s20;
	v14 =	vsel vm0, $0x0, v10;
	vm0 =	vgt.s32 v3, v12;
	v12 =	vand.u32 $0x7FFFFFFF, v8;
	[tilespmem:s19+$0x0] =	vst v11  }
0x3eb: {  	v10 =	vld [tilespmem:s21+$0xFFFFFFA0];
	p0 =	slt.u32 s20, $0xBF8;
	[tilespmem:s19+$0xFFFFFFA0] =	vst v14;
	v11 =	vsel vm0, $0x0, v9;
	vm0 =	vgt.s32 v3, v12;
	v12 =	vand.u32 $0x7FFFFFFF, v7  }
0x3ec: {  	v9 =	vld [tilespmem:s21+$0xFFFFFFB0];
	[tilespmem:s19+$0xFFFFFFB0] =	vst v11;
	v11 =	vsel vm0, $0x0, v8;
	vm0 =	vgt.s32 v3, v12;
	v12 =	vand.u32 $0x7FFFFFFF, v5  }
.Ltmp32:
0x3ed: {  	v8 =	vld [tilespmem:s21+$0xFFFFFFC0];
	[tilespmem:s19+$0xFFFFFFC0] =	vst v11;
	v11 =	vsel vm0, $0x0, v7;
	vm0 =	vgt.s32 v3, v12;
	v12 =	vand.u32 $0x7FFFFFFF, v4;
	(pc) =	sbr.rel @p0 .LBB2_60-.Ltmp32, $4  }
0x3ee: {  	v7 =	vld [tilespmem:s21+$0xFFFFFFD0];
	v14 =	vand.u32 $0x7FFFFFFF, v6;
	[tilespmem:s19+$0xFFFFFFD0] =	vst v11;
	v11 =	vsel vm0, $0x0, v5;
	vm0 =	vgt.s32 v3, v12  }
0x3ef: {  	v5 =	vld [tilespmem:s21+$0xFFFFFFE0];
	v12 =	vand.u32 $0x7FFFFFFF, v13;
	vm1 =	vgt.s32 v3, v14;
	[tilespmem:s19+$0xFFFFFFE0] =	vst v11;
	v11 =	vsel vm0, $0x0, v4  }
0x3f0: {  	v14 =	vand.u32 $0x7FFFFFFF, v10;
	v4 =	vld [tilespmem:s21+$0xFFFFFFF0];
	vm2 =	vgt.s32 v3, v12;
	v15 =	vsel vm1, $0x0, v6;
	[tilespmem:s19+$0xFFFFFFF0] =	vst v11  }
0x3f1: {  	v6 =	vld [tilespmem:s21+$0xFFFFFF90];
	vm0 =	vgt.s32 v3, v14;
	v12 =	vand.u32 $0x7FFFFFFF, v9;
	v11 =	vsel vm2, $0x0, v13;
	[tilespmem:s19+$0xFFFFFF90] =	vst v15;
	s19 =	smov.u32 s21;
	s21 =	sadd.s32 $0x80, s21  }
0x3f2: {  	v10 =	vsel vm0, $0x0, v10;
	vm0 =	vgt.s32 v3, v12;
	v12 =	vand.u32 $0x7FFFFFFF, v8;
	[tilespmem:s19+$0x0] =	vst v11  }
0x3f3: {  	[tilespmem:s19+$0xFFFFFFA0] =	vst v10;
	v9 =	vsel vm0, $0x0, v9;
	vm0 =	vgt.s32 v3, v12;
	v10 =	vand.u32 $0x7FFFFFFF, v7  }
0x3f4: {  	[tilespmem:s19+$0xFFFFFFB0] =	vst v9;
	v8 =	vsel vm0, $0x0, v8;
	vm0 =	vgt.s32 v3, v10;
	v9 =	vand.u32 $0x7FFFFFFF, v5  }
0x3f5: {  	[tilespmem:s19+$0xFFFFFFC0] =	vst v8;
	v7 =	vsel vm0, $0x0, v7;
	vm0 =	vgt.s32 v3, v9;
	v8 =	vand.u32 $0x7FFFFFFF, v4  }
0x3f6: {  	v9 =	vand.u32 $0x7FFFFFFF, v6;
	[tilespmem:s19+$0xFFFFFFD0] =	vst v7;
	v5 =	vsel vm0, $0x0, v5;
	vm0 =	vgt.s32 v3, v8  }
0x3f7: {  	vm1 =	vgt.s32 v3, v9;
	[tilespmem:s19+$0xFFFFFFE0] =	vst v5;
	v4 =	vsel vm0, $0x0, v4  }
0x3f8: {  	v5 =	vsel vm1, $0x0, v6;
	[tilespmem:s19+$0xFFFFFFF0] =	vst v4  }
0x3f9: {  	s0 =	sadd.s32 s4, s18;
	s18 =	simm.s32 $0xC070;
	[tilespmem:s19+$0xFFFFFF90] =	vst v5  }
0x3fa: {  	[hbm4b:s0+s7] =	stream.strided.scatter [tilespmem:s12], [sflag:$0x2], $0x4000, s8, s7, $0x38;
	[tilespmem:$0x14880] =	vst v63  }
0x3fb: {  	v11 =	vld [tilespmem:s18+$0x0]  }
0x3fc: {  	v10 =	vld [tilespmem:s18+$0xFFFFFFA0]  }
0x3fd: {  	v9 =	vld [tilespmem:s18+$0xFFFFFFB0]  }
0x3fe: {  	v8 =	vld [tilespmem:s18+$0xFFFFFFC0]  }
0x3ff: {  	v7 =	vld [tilespmem:s18+$0xFFFFFFD0]  }
0x400: {  	v5 =	vld [tilespmem:s18+$0xFFFFFFE0];
	v6 =	vand.u32 $0x7FFFFFFF, v11  }
0x401: {  	v4 =	vld [tilespmem:s18+$0xFFFFFFF0];
	v12 =	vand.u32 $0x7FFFFFFF, v10;
	vm1 =	vgt.s32 v3, v6  }
0x402: {  	s20 =	simm.s32 $0xC0F0;
	s19 =	simm.s32 $0xC00;
	v6 =	vld [tilespmem:s18+$0xFFFFFF90];
	vm0 =	vgt.s32 v3, v12;
	v12 =	vand.u32 $0x7FFFFFFF, v9;
	v11 =	vsel vm1, $0x0, v11  }
.LBB2_62:
0x403: {  	v13 =	vld [tilespmem:s20+$0x0];
	s19 =	sadd.s32 $0x8, s19;
	v14 =	vsel vm0, $0x0, v10;
	vm0 =	vgt.s32 v3, v12;
	v12 =	vand.u32 $0x7FFFFFFF, v8;
	[tilespmem:s18+$0x0] =	vst v11  }
0x404: {  	v10 =	vld [tilespmem:s20+$0xFFFFFFA0];
	p0 =	slt.u32 s19, $0xFF8;
	[tilespmem:s18+$0xFFFFFFA0] =	vst v14;
	v11 =	vsel vm0, $0x0, v9;
	vm0 =	vgt.s32 v3, v12;
	v12 =	vand.u32 $0x7FFFFFFF, v7  }
0x405: {  	v9 =	vld [tilespmem:s20+$0xFFFFFFB0];
	[tilespmem:s18+$0xFFFFFFB0] =	vst v11;
	v11 =	vsel vm0, $0x0, v8;
	vm0 =	vgt.s32 v3, v12;
	v12 =	vand.u32 $0x7FFFFFFF, v5  }
.Ltmp33:
0x406: {  	v8 =	vld [tilespmem:s20+$0xFFFFFFC0];
	[tilespmem:s18+$0xFFFFFFC0] =	vst v11;
	v11 =	vsel vm0, $0x0, v7;
	vm0 =	vgt.s32 v3, v12;
	v12 =	vand.u32 $0x7FFFFFFF, v4;
	(pc) =	sbr.rel @p0 .LBB2_62-.Ltmp33, $4  }
0x407: {  	v7 =	vld [tilespmem:s20+$0xFFFFFFD0];
	v14 =	vand.u32 $0x7FFFFFFF, v6;
	[tilespmem:s18+$0xFFFFFFD0] =	vst v11;
	v11 =	vsel vm0, $0x0, v5;
	vm0 =	vgt.s32 v3, v12  }
0x408: {  	v5 =	vld [tilespmem:s20+$0xFFFFFFE0];
	v12 =	vand.u32 $0x7FFFFFFF, v13;
	vm1 =	vgt.s32 v3, v14;
	[tilespmem:s18+$0xFFFFFFE0] =	vst v11;
	v11 =	vsel vm0, $0x0, v4  }
0x409: {  	v14 =	vand.u32 $0x7FFFFFFF, v10;
	v4 =	vld [tilespmem:s20+$0xFFFFFFF0];
	vm2 =	vgt.s32 v3, v12;
	v15 =	vsel vm1, $0x0, v6;
	[tilespmem:s18+$0xFFFFFFF0] =	vst v11  }
0x40a: {  	v6 =	vld [tilespmem:s20+$0xFFFFFF90];
	vm0 =	vgt.s32 v3, v14;
	v12 =	vand.u32 $0x7FFFFFFF, v9;
	v11 =	vsel vm2, $0x0, v13;
	[tilespmem:s18+$0xFFFFFF90] =	vst v15;
	s18 =	smov.u32 s20;
	s20 =	sadd.s32 $0x80, s20  }
0x40b: {  	v10 =	vsel vm0, $0x0, v10;
	vm11 =	vgt.s32 v3, v12;
	v55 =	vand.u32 $0x7FFFFFFF, v8;
	[tilespmem:s18+$0x0] =	vst v11  }
0x40c: {  	[tilespmem:s18+$0xFFFFFFA0] =	vst v10;
	v9 =	vsel vm11, $0x0, v9;
	vm12 =	vgt.s32 v3, v55;
	v56 =	vand.u32 $0x7FFFFFFF, v7  }
0x40d: {  	[tilespmem:s18+$0xFFFFFFB0] =	vst v9;
	v57 =	vsel vm12, $0x0, v8;
	vm13 =	vgt.s32 v3, v56;
	v58 =	vand.u32 $0x7FFFFFFF, v5  }
0x40e: {  	[tilespmem:s18+$0xFFFFFFC0] =	vst v57;
	v59 =	vsel vm13, $0x0, v7;
	vm14 =	vgt.s32 v3, v58;
	v60 =	vand.u32 $0x7FFFFFFF, v4  }
0x40f: {  	v61 =	vand.u32 $0x7FFFFFFF, v6;
	[tilespmem:s18+$0xFFFFFFD0] =	vst v59;
	v62 =	vsel vm14, $0x0, v5;
	vm15 =	vgt.s32 v3, v60  }
0x410: {  	vm1 =	vgt.s32 v3, v61;
	[tilespmem:s18+$0xFFFFFFE0] =	vst v62;
	v3 =	vsel vm15, $0x0, v4  }
0x411: {  	v63 =	vsel vm1, $0x0, v6;
	[tilespmem:s18+$0xFFFFFFF0] =	vst v3  }
0x412: {  	s0 =	sadd.s32 s4, s17;
	[tilespmem:s18+$0xFFFFFF90] =	vst v63  }
0x413: {  	[hbm4b:s0+s7] =	stream.strided.scatter [tilespmem:s13], [sflag:$0x2], $0x4000, s8, s7, $0x38;
	[tilespmem:$0x14880] =	vst v63  }
0x414: {  	_ =	swait.ge [sflag:s14], $0x4000  }
0x415: {  	[sflag:s14] =	ssyncset.done $0x0  }
0x416: {  	[sflag:s14] =	ssyncadd.s32 $0xFFFFC000  }
0x417: {  	_ =	swait.ge [sflag:s14], $0x4000  }
0x418: {  	[sflag:s14] =	ssyncset.done $0x0  }
0x419: {  	s16 =	sadd.s32 $0x1, s16;
	[sflag:s14] =	ssyncadd.s32 $0xFFFFC000  }
0x41a: {  	p0 =	sne.s32 s16, $0x8;
	_ =	swait.ge [sflag:s14], $0x4000  }
.Ltmp34:
0x41b: {  	[sflag:s14] =	ssyncset.done $0x0;
	(pc) =	sbr.rel @p0 .LBB2_2-.Ltmp34, $4  }
.Ltmp35:
0x41c: {  	[sflag:s14] =	ssyncadd.s32 $0xFFFFC000;
	(pc) =	sbr.rel @!p0 .LBB2_64-.Ltmp35, $4  }
0x41d: {  	_ =	swait.ge [sflag:s14], $0x4000  }
0x41e: {  	[sflag:s14] =	ssyncset.done $0x0  }
0x41f: {  	[sflag:s14] =	ssyncadd.s32 $0xFFFFC000  }
0x420: {  	_ = 	snop  }
.LBB2_34:
.Ltmp36:
0x421: {  	(pc) =	sbr.rel .LBB2_37-.Ltmp36, $2  }
0x422: {  	_ =	sdelay $0x2  }
0x423: {  	_ = 	snop  }
.LBB2_44:
.Ltmp37:
0x424: {  	_ = 	snop;
	(pc) =	sbr.rel .LBB2_51-.Ltmp37, $2  }
0x425: {  	_ =	sdelay $0x2  }
0x426: {  	s30 =	simm.s32 $0x10;
	v9 =	vmov v10  }
.LBB2_46:
.Ltmp38:
0x427: {  	(pc) =	sbr.rel .LBB2_51-.Ltmp38, $2  }
0x428: {  	_ =	sdelay $0x2  }
0x429: {  	s30 =	simm.s32 $0x10  }
.LBB2_48:
.Ltmp39:
0x42a: {  	_ = 	snop;
	(pc) =	sbr.rel .LBB2_51-.Ltmp39, $2  }
0x42b: {  	_ =	sdelay $0x2  }
0x42c: {  	v10 =	vmovc v9;
	v13 =	vmov v7;
	v7 =	vmov v11;
	v9 =	vmov v12  }
.LBB2_65:
0x42d: {  	_ =	sfence.sel $0x180000  }
0x42e: {  	[bflag:$0x0] =	sbarrier.arrive $0xFFFF  }
0x42f: {  	_ =	strace $0x90000047  }
0x430: {  	s0 =	stileid.u32;
	[bflag:$0x2] =	sbarrier.arrive $0xFFFF  }
0x431: {  	p0 =	sne.s32 s0, $0x0;
	s0 =	rddreg [dreg:$0x2]  }
0x432: {  	s0 =	sadd.s32 @!p0 $0x100000, s0  }
0x433: {  	[sflag:s0] =	ssyncadd.tile.s32 @!p0 $0x1;
	_ =	shalt  }
.Lfunc_end2:
_tile_overlayer_lowered:
.L_overlay_start_2:
0x434: {  	(tag) =	ssettag $0x2  }
0x435: {  	s0 =	rddreg [dreg:$0x0];
	s2 =	stileid.u32  }
0x436: {  	s1 =	rddreg [dreg:$0x1];
	p0 =	sne.s32 s2, $0x0  }
0x437: {  	s3 =	rddreg [dreg:$0x2];
	[bflag:$0x3] =	sbarrier.arrive $0xFFFF;
	s2 =	simm.s32 @!p0 $0x1C03  }
0x438: {  	[timem:s3], [sflag:s2] =	dma.local @!p0 [hbm:s0], s1  }
0x439: {  	s0 =	simm.s32 @!p0 $0x3  }
0x43a: {  	_ =	swait.ge @!p0 [sflag:s0], s1  }
0x43b: {  	s1 =	ssub.s32 @!p0 $0x0, s1;
	[sflag:s0] =	ssyncset.done @!p0 $0x0  }
0x43c: {  	[sflag:s0] =	ssyncadd.s32 @!p0 s1  }
0x43d: {  	[bflag:$0x3] =	sbarrier.arrive $0xFFFF  }
0x43e: {  	_ =	shalt  }

</sc_bundles>
